<compile_context>
chip_gen: v7x
topology: tpu7x:2x2x1
jax: 0.10.2.dev20260603
libtpu: 0.0.44.dev20260713+nightly
codegen_flags: <defaults>
</compile_context>

<pallas_src>
import jax
import jax.numpy as jnp
from jax import lax
from jax.experimental import pallas as pl
from jax.experimental.pallas import tpu as pltpu
from jax.experimental.pallas import tpu_sc as plsc

N = 10000
NPAD = 10240
E = 320000
F = 128
NC = 2
NS = 16
NW = NC * NS
EPW = E // NW
CH = 64
NCHTOT = E // CH
MAXCH = 160
NB = 4
RPS = NPAD // NS

_SC_MESH = plsc.VectorSubcoreMesh(core_axis_name="c", subcore_axis_name="s")



def _degrees_body(src_hbm, dst_hbm, zflat_hbm, out_hbm, idx_v, cnt_v):
    c = lax.axis_index("c")
    s = lax.axis_index("s")
    wid = c * NS + s
    ones = jnp.ones((16,), jnp.float32)
    for kind, edge_hbm in ((0, src_hbm), (1, dst_hbm)):
        pltpu.sync_copy(zflat_hbm, cnt_v)
        pltpu.sync_copy(edge_hbm.at[pl.ds(wid * EPW, EPW)], idx_v)

        def count_step(j, _):
            for q in range(4):
                idx = idx_v[pl.ds(j * 64 + q * 16, 16)]
                plsc.addupdate_scatter(cnt_v, [idx], ones)
            return 0
        lax.fori_loop(0, EPW // 64, count_step, 0)
        for r in range(EPW // 64 * 64, EPW, 16):
            plsc.addupdate_scatter(cnt_v, [idx_v[pl.ds(r, 16)]], ones)
        pltpu.sync_copy(cnt_v, out_hbm.at[kind, wid])


_sc_degrees = pl.kernel(
    _degrees_body,
    out_type=jax.ShapeDtypeStruct((2, NW, NPAD), jnp.float32),
    mesh=_SC_MESH,
    compiler_params=pltpu.CompilerParams(needs_layout_passes=False),
    scratch_types=[
        pltpu.VMEM((EPW,), jnp.int32),
        pltpu.VMEM((NPAD,), jnp.float32),
    ],
)



def _agg_body(g_hbm, src_hbm, dst_hbm, zeros_hbm, out_hbm,
              si_v, d0, d1, rows, acc_sh, gsems, dsems, ssems):
    c = lax.axis_index("c")
    s = lax.axis_index("s")
    wid = c * NS + s
    lo = ((wid * NCHTOT) // NW) // 8 * 8
    hi = (((wid + 1) * NCHTOT) // NW) // 8 * 8
    hi = jnp.where(wid == NW - 1, NCHTOT, hi)
    n = hi - lo

    dcur = (d0, d1)

    def dpref(cc, db):
        pltpu.async_copy(dst_hbm.at[pl.ds((lo + cc) * CH, CH)],
                         dcur[db], dsems[db])

    def dwait(cc, db):
        pltpu.make_async_copy(dst_hbm.at[pl.ds((lo + cc) * CH, CH)],
                              dcur[db], dsems[db]).wait()

    def gstart(cc, rb):
        pltpu.async_copy(g_hbm.at[si_v.at[pl.ds(cc * CH, CH)]],
                         rows.at[rb], gsems[rb])

    def gwait(cc, rb):
        pltpu.make_async_copy(g_hbm.at[si_v.at[pl.ds(cc * CH, CH)]],
                              rows.at[rb], gsems[rb]).wait()

    pltpu.sync_copy(zeros_hbm, acc_sh.at[pl.ds(s * RPS, RPS)])
    pltpu.sync_copy(src_hbm.at[pl.ds(lo * CH, MAXCH * CH)], si_v)
    plsc.subcore_barrier()

    def sstart(rb, db):
        pltpu.async_copy(rows.at[rb], acc_sh.at[dcur[db]], ssems[db],
                         add=True)

    def swait(rb, db):
        pltpu.make_async_copy(rows.at[rb], acc_sh.at[dcur[db]],
                              ssems[db]).wait()

    dpref(0, 0)
    for k in range(NB):
        gstart(k, k)

    UNROLL = 4

    def outer(i, _):
        for k in range(UNROLL):
            cc = i * UNROLL + k
            rb = k % NB
            db = k % 2

            @pl.when((cc >= 1) & (cc <= n))
            def _():
                swait((k + UNROLL - 1) % NB, 1 - db)

            @pl.when(cc + 1 < n)
            def _():
                dpref(cc + 1, 1 - db)

            @pl.when((cc >= 1) & (cc + NB - 1 < n))
            def _():
                gstart(cc + NB - 1, (k + NB - 1) % NB)

            @pl.when(cc < n)
            def _():
                gwait(cc, rb)
                dwait(cc, db)
                sstart(rb, db)
        return 0
    lax.fori_loop(0, MAXCH // UNROLL + 1, outer, 0)

    plsc.subcore_barrier()
    pltpu.sync_copy(acc_sh.at[pl.ds(s * RPS, RPS)],
                    out_hbm.at[c, pl.ds(s * RPS, RPS)])


_sc_aggregate = pl.kernel(
    _agg_body,
    out_type=jax.ShapeDtypeStruct((NC, NPAD, F), jnp.float32),
    mesh=_SC_MESH,
    scratch_types=[
        pltpu.VMEM((MAXCH * CH,), jnp.int32),
        pltpu.VMEM((CH,), jnp.int32),
        pltpu.VMEM((CH,), jnp.int32),
        pltpu.VMEM((NB, CH, F), jnp.float32),
        pltpu.VMEM_SHARED((NPAD, F), jnp.float32),
        [pltpu.SemaphoreType.DMA] * NB,
        [pltpu.SemaphoreType.DMA] * 2,
        [pltpu.SemaphoreType.DMA] * 2,
    ],
)



def _norms_body(cnt_ref, out_ref):
    deg = jnp.sum(cnt_ref[...], axis=1)
    out_ref[...] = jnp.where(deg > 0, lax.rsqrt(deg), 0.0)


def _tc_norms(counts4):
    return pl.pallas_call(
        _norms_body,
        out_shape=jax.ShapeDtypeStruct((2, NPAD // F, F), jnp.float32),
    )(counts4)



BM = 2048
GRID_M = NPAD // BM


def _mm1_body(x_ref, w_ref, no_ref, out_ref):
    out_ref[...] = jnp.dot(
        x_ref[...], w_ref[...], preferred_element_type=jnp.float32
    ) * no_ref[...]


def _tc_mm1(x, W1, norm_out):
    return pl.pallas_call(
        _mm1_body,
        grid=(GRID_M,),
        in_specs=[
            pl.BlockSpec((BM, F), lambda m: (m, 0)),
            pl.BlockSpec((F, F), lambda m: (0, 0)),
            pl.BlockSpec((BM, 1), lambda m: (m, 0)),
        ],
        out_specs=pl.BlockSpec((BM, F), lambda m: (m, 0)),
        out_shape=jax.ShapeDtypeStruct((NPAD, F), jnp.float32),
    )(x, W1, norm_out)


def _mm2_body(p_ref, ni_ref, b_ref, w_ref, no_ref, out_ref):
    agg = p_ref[0].astype(jnp.float32) + p_ref[1].astype(jnp.float32)
    h = jnp.maximum(agg * ni_ref[...] + b_ref[...], 0.0)
    out_ref[...] = jnp.dot(
        h, w_ref[...], preferred_element_type=jnp.float32
    ) * no_ref[...]


def _tc_mm2(part, norm_in, b1, W2, norm_out):
    return pl.pallas_call(
        _mm2_body,
        grid=(GRID_M,),
        in_specs=[
            pl.BlockSpec((NC, BM, F), lambda m: (0, m, 0)),
            pl.BlockSpec((BM, 1), lambda m: (m, 0)),
            pl.BlockSpec((1, F), lambda m: (0, 0)),
            pl.BlockSpec((F, F), lambda m: (0, 0)),
            pl.BlockSpec((BM, 1), lambda m: (m, 0)),
        ],
        out_specs=pl.BlockSpec((BM, F), lambda m: (m, 0)),
        out_shape=jax.ShapeDtypeStruct((NPAD, F), jnp.float32),
    )(part, norm_in, b1.reshape(1, F), W2, norm_out)


def _final_body(p_ref, ni_ref, b_ref, out_ref):
    m = pl.program_id(0)
    agg = p_ref[0].astype(jnp.float32) + p_ref[1].astype(jnp.float32)
    h = jnp.maximum(agg * ni_ref[...] + b_ref[...], 0.0)
    rows = lax.broadcasted_iota(jnp.int32, (BM, 1), 0) + m * BM
    h = jnp.where(rows < N, h, 0.0)
    part = jnp.sum(h, axis=0, keepdims=True) * (1.0 / N)

    @pl.when(m == 0)
    def _():
        out_ref[...] = part

    @pl.when(m > 0)
    def _():
        out_ref[...] += part


def _tc_final(part, norm_in, b2):
    return pl.pallas_call(
        _final_body,
        grid=(GRID_M,),
        in_specs=[
            pl.BlockSpec((NC, BM, F), lambda m: (0, m, 0)),
            pl.BlockSpec((BM, 1), lambda m: (m, 0)),
            pl.BlockSpec((1, F), lambda m: (0, 0)),
        ],
        out_specs=pl.BlockSpec((1, F), lambda m: (0, 0)),
        out_shape=jax.ShapeDtypeStruct((1, F), jnp.float32),
    )(part, norm_in, b2.reshape(1, F))



@jax.jit
def kernel(node_feats, edge_index, W1, b1, W2, b2):
    src = edge_index[0].astype(jnp.int32)
    dst = edge_index[1].astype(jnp.int32)

    zflat = jnp.zeros((NPAD,), jnp.float32)
    counts = _sc_degrees(src, dst, zflat)
    norms = _tc_norms(counts.reshape(2, NW, NPAD // F, F))
    norm_out = norms[0].reshape(NPAD, 1)
    norm_in = norms[1].reshape(NPAD, 1)

    xp = jnp.zeros((NPAD, F), jnp.float32).at[:N].set(node_feats)
    zrows = jnp.zeros((RPS, F), jnp.float32)

    g1 = _tc_mm1(xp, W1, norm_out)
    p1 = _sc_aggregate(g1, src, dst, zrows)
    g2 = _tc_mm2(p1, norm_in, b1, W2, norm_out)
    p2 = _sc_aggregate(g2, src, dst, zrows)
    return _tc_final(p2, norm_in, b2)

# --- scband reference (transcript-rebuilt; emitter-appended) ---
"""Pipeline reference for scband-gcnencoder-22660247453755 (READ-ONLY COPY).

The authoritative reference and input builder live on the scoring server;
editing this copy changes nothing except your own understanding.
"""

import jax, jax.numpy as jnp
import numpy as np

N_NODES = 10000
N_EDGES = 320000
IN_FEATS = 128
HIDDEN_FEATS = 128


def setup_inputs(seed: int = 0) -> dict:
    key = jax.random.key(seed)
    k1, k2, k3, k4, k5, k6 = jax.random.split(key, 6)
    node_feats = jax.random.normal(k1, (N_NODES, IN_FEATS), dtype=jnp.float32)
    edge_index = jax.random.randint(k2, (2, N_EDGES), 0, N_NODES)
    # GraphConv weights (glorot-like init) and biases.
    # Note: with num_layers=3 the torch module builds exactly 2 GraphConv layers
    # (one initial layer + range(1, num_layers-1) = 1 extra layer).
    s1 = 1.0 / np.sqrt(IN_FEATS)
    s2 = 1.0 / np.sqrt(HIDDEN_FEATS)
    W1 = jax.random.normal(k3, (IN_FEATS, HIDDEN_FEATS), dtype=jnp.float32) * s1
    b1 = jnp.zeros((HIDDEN_FEATS,), dtype=jnp.float32)
    W2 = jax.random.normal(k4, (HIDDEN_FEATS, HIDDEN_FEATS), dtype=jnp.float32) * s2
    b2 = jnp.zeros((HIDDEN_FEATS,), dtype=jnp.float32)
    return {"node_feats": node_feats, "edge_index": edge_index,
            "W1": W1, "b1": b1, "W2": W2, "b2": b2}


def _graph_conv(h, W, b, src, dst):
    # DGL GraphConv with norm='both':
    #   h_v = b + deg_in(v)^{-1/2} * sum_{(u->v)} deg_out(u)^{-1/2} * (h_u @ W)
    deg_out = jnp.bincount(src, length=N_NODES).astype(jnp.float32)
    deg_in = jnp.bincount(dst, length=N_NODES).astype(jnp.float32)
    norm_out = jnp.where(deg_out > 0, jnp.maximum(deg_out, 1.0) ** -0.5, 0.0)
    norm_in = jnp.where(deg_in > 0, jnp.maximum(deg_in, 1.0) ** -0.5, 0.0)
    hW = h @ W  # mult W first (in_feats >= out_feats path in DGL)
    msg = hW[src] * norm_out[src][:, None]  # gather over edges
    agg = jnp.zeros((N_NODES, hW.shape[1]), dtype=hW.dtype).at[dst].add(msg)  # scatter-add
    return agg * norm_in[:, None] + b


def reference(node_feats, edge_index, W1, b1, W2, b2):
    src = edge_index[0]
    dst = edge_index[1]
    h = jax.nn.relu(_graph_conv(node_feats, W1, b1, src, dst))
    h = jax.nn.relu(_graph_conv(h, W2, b2, src, dst))
    # AvgPooling over a single batched graph containing all N nodes -> (1, hidden)
    out = jnp.mean(h, axis=0, keepdims=True)
    return out

if __name__ == "__main__":
    import jax
    _d = setup_inputs()
    print(jax.jit(kernel)(*tuple(_d.values())))

</pallas_src>

<mosaic_0001>
#map = affine_map<(d0, d1) -> (0, 0)>
#map1 = affine_map<(d0, d1) -> (0)>
#map2 = affine_map<(d0, d1) -> (0, 0, 0)>
module attributes {stable_mosaic.version = 14 : i64} {
  func.func @_agg_body(%arg0: i32, %arg1: i32, %arg2: memref<10240x128xf32, #tpu.memory_space<hbm>>, %arg3: memref<320000xi32, #tpu.memory_space<hbm>>, %arg4: memref<320000xi32, #tpu.memory_space<hbm>>, %arg5: memref<640x128xf32, #tpu.memory_space<hbm>>, %arg6: memref<2x10240x128xf32, #tpu.memory_space<hbm>>, %arg7: memref<10240xi32, #tpu.memory_space<vmem>>, %arg8: memref<64xi32, #tpu.memory_space<vmem>>, %arg9: memref<64xi32, #tpu.memory_space<vmem>>, %arg10: memref<4x64x128xf32, #tpu.memory_space<vmem>>, %arg11: memref<10240x128xf32, #tpu.memory_space<vmem_shared>>, %arg12: memref<!tpu.dma_semaphore, #tpu.memory_space<semaphore_mem>>, %arg13: memref<!tpu.dma_semaphore, #tpu.memory_space<semaphore_mem>>, %arg14: memref<!tpu.dma_semaphore, #tpu.memory_space<semaphore_mem>>, %arg15: memref<!tpu.dma_semaphore, #tpu.memory_space<semaphore_mem>>, %arg16: memref<!tpu.dma_semaphore, #tpu.memory_space<semaphore_mem>>, %arg17: memref<!tpu.dma_semaphore, #tpu.memory_space<semaphore_mem>>, %arg18: memref<!tpu.dma_semaphore, #tpu.memory_space<semaphore_mem>>, %arg19: memref<!tpu.dma_semaphore, #tpu.memory_space<semaphore_mem>>) attributes {dimension_semantics = [#tpu.dimension_semantics<core_parallel>, #tpu.dimension_semantics<subcore_parallel>], iteration_bounds = array<i64: 2, 16>, scalar_prefetch = 0 : i64, scratch_operands = 13 : i64, tpu.core_type = #tpu.core_type<sc_vector_subcore>, window_params = [{transform_indices = #map}, {transform_indices = #map1}, {transform_indices = #map1}, {transform_indices = #map}, {transform_indices = #map2}]} {
    %mul3A = arith.constant 16 : i32
    %mul3A_0 = arith.muli %arg0, %mul3A : i32
    %add3A = arith.addi %mul3A_0, %arg1 : i32
    %mul3A_1 = arith.constant 5000 : i32
    %mul3A_2 = arith.muli %add3A, %mul3A_1 : i32
    %jit3A = arith.constant 32 : i32
    %div3A = arith.divsi %mul3A_2, %jit3A : i32
    %sign3A = arith.constant 0 : i32
    %sign3A_3 = arith.cmpi sgt, %mul3A_2, %sign3A : i32
    %sign3A_4 = arith.extui %sign3A_3 : i1 to i32
    %sign3A_5 = arith.constant 0 : i32
    %sign3A_6 = arith.cmpi slt, %mul3A_2, %sign3A_5 : i32
    %sign3A_7 = arith.extui %sign3A_6 : i1 to i32
    %sign3A_8 = arith.subi %sign3A_4, %sign3A_7 : i32
    %sign3A_9 = arith.constant 0 : i32
    %sign3A_10 = arith.cmpi sgt, %jit3A, %sign3A_9 : i32
    %sign3A_11 = arith.extui %sign3A_10 : i1 to i32
    %sign3A_12 = arith.constant 0 : i32
    %sign3A_13 = arith.cmpi slt, %jit3A, %sign3A_12 : i32
    %sign3A_14 = arith.extui %sign3A_13 : i1 to i32
    %sign3A_15 = arith.subi %sign3A_11, %sign3A_14 : i32
    %ne3A = arith.cmpi ne, %sign3A_8, %sign3A_15 : i32
    %rem3A = arith.remsi %mul3A_2, %jit3A : i32
    %ne3A_16 = arith.constant 0 : i32
    %ne3A_17 = arith.cmpi ne, %rem3A, %ne3A_16 : i32
    %and3A = arith.andi %ne3A, %ne3A_17 : i1
    %sub3A = arith.constant 1 : i32
    %sub3A_18 = arith.subi %div3A, %sub3A : i32
    %select_n3A = arith.select %and3A, %sub3A_18, %div3A : i32
    %jit3A_19 = arith.constant 8 : i32
    %div3A_20 = arith.divsi %select_n3A, %jit3A_19 : i32
    %sign3A_21 = arith.constant 0 : i32
    %sign3A_22 = arith.cmpi sgt, %select_n3A, %sign3A_21 : i32
    %sign3A_23 = arith.extui %sign3A_22 : i1 to i32
    %sign3A_24 = arith.constant 0 : i32
    %sign3A_25 = arith.cmpi slt, %select_n3A, %sign3A_24 : i32
    %sign3A_26 = arith.extui %sign3A_25 : i1 to i32
    %sign3A_27 = arith.subi %sign3A_23, %sign3A_26 : i32
    %sign3A_28 = arith.constant 0 : i32
    %sign3A_29 = arith.cmpi sgt, %jit3A_19, %sign3A_28 : i32
    %sign3A_30 = arith.extui %sign3A_29 : i1 to i32
    %sign3A_31 = arith.constant 0 : i32
    %sign3A_32 = arith.cmpi slt, %jit3A_19, %sign3A_31 : i32
    %sign3A_33 = arith.extui %sign3A_32 : i1 to i32
    %sign3A_34 = arith.subi %sign3A_30, %sign3A_33 : i32
    %ne3A_35 = arith.cmpi ne, %sign3A_27, %sign3A_34 : i32
    %rem3A_36 = arith.remsi %select_n3A, %jit3A_19 : i32
    %ne3A_37 = arith.constant 0 : i32
    %ne3A_38 = arith.cmpi ne, %rem3A_36, %ne3A_37 : i32
    %and3A_39 = arith.andi %ne3A_35, %ne3A_38 : i1
    %sub3A_40 = arith.constant 1 : i32
    %sub3A_41 = arith.subi %div3A_20, %sub3A_40 : i32
    %select_n3A_42 = arith.select %and3A_39, %sub3A_41, %div3A_20 : i32
    %mul3A_43 = arith.constant 8 : i32
    %mul3A_44 = arith.muli %select_n3A_42, %mul3A_43 : i32
    %add3A_45 = arith.constant 1 : i32
    %add3A_46 = arith.addi %add3A, %add3A_45 : i32
    %mul3A_47 = arith.constant 5000 : i32
    %mul3A_48 = arith.muli %add3A_46, %mul3A_47 : i32
    %jit3A_49 = arith.constant 32 : i32
    %div3A_50 = arith.divsi %mul3A_48, %jit3A_49 : i32
    %sign3A_51 = arith.constant 0 : i32
    %sign3A_52 = arith.cmpi sgt, %mul3A_48, %sign3A_51 : i32
    %sign3A_53 = arith.extui %sign3A_52 : i1 to i32
    %sign3A_54 = arith.constant 0 : i32
    %sign3A_55 = arith.cmpi slt, %mul3A_48, %sign3A_54 : i32
    %sign3A_56 = arith.extui %sign3A_55 : i1 to i32
    %sign3A_57 = arith.subi %sign3A_53, %sign3A_56 : i32
    %sign3A_58 = arith.constant 0 : i32
    %sign3A_59 = arith.cmpi sgt, %jit3A_49, %sign3A_58 : i32
    %sign3A_60 = arith.extui %sign3A_59 : i1 to i32
    %sign3A_61 = arith.constant 0 : i32
    %sign3A_62 = arith.cmpi slt, %jit3A_49, %sign3A_61 : i32
    %sign3A_63 = arith.extui %sign3A_62 : i1 to i32
    %sign3A_64 = arith.subi %sign3A_60, %sign3A_63 : i32
    %ne3A_65 = arith.cmpi ne, %sign3A_57, %sign3A_64 : i32
    %rem3A_66 = arith.remsi %mul3A_48, %jit3A_49 : i32
    %ne3A_67 = arith.constant 0 : i32
    %ne3A_68 = arith.cmpi ne, %rem3A_66, %ne3A_67 : i32
    %and3A_69 = arith.andi %ne3A_65, %ne3A_68 : i1
    %sub3A_70 = arith.constant 1 : i32
    %sub3A_71 = arith.subi %div3A_50, %sub3A_70 : i32
    %select_n3A_72 = arith.select %and3A_69, %sub3A_71, %div3A_50 : i32
    %jit3A_73 = arith.constant 8 : i32
    %div3A_74 = arith.divsi %select_n3A_72, %jit3A_73 : i32
    %sign3A_75 = arith.constant 0 : i32
    %sign3A_76 = arith.cmpi sgt, %select_n3A_72, %sign3A_75 : i32
    %sign3A_77 = arith.extui %sign3A_76 : i1 to i32
    %sign3A_78 = arith.constant 0 : i32
    %sign3A_79 = arith.cmpi slt, %select_n3A_72, %sign3A_78 : i32
    %sign3A_80 = arith.extui %sign3A_79 : i1 to i32
    %sign3A_81 = arith.subi %sign3A_77, %sign3A_80 : i32
    %sign3A_82 = arith.constant 0 : i32
    %sign3A_83 = arith.cmpi sgt, %jit3A_73, %sign3A_82 : i32
    %sign3A_84 = arith.extui %sign3A_83 : i1 to i32
    %sign3A_85 = arith.constant 0 : i32
    %sign3A_86 = arith.cmpi slt, %jit3A_73, %sign3A_85 : i32
    %sign3A_87 = arith.extui %sign3A_86 : i1 to i32
    %sign3A_88 = arith.subi %sign3A_84, %sign3A_87 : i32
    %ne3A_89 = arith.cmpi ne, %sign3A_81, %sign3A_88 : i32
    %rem3A_90 = arith.remsi %select_n3A_72, %jit3A_73 : i32
    %ne3A_91 = arith.constant 0 : i32
    %ne3A_92 = arith.cmpi ne, %rem3A_90, %ne3A_91 : i32
    %and3A_93 = arith.andi %ne3A_89, %ne3A_92 : i1
    %sub3A_94 = arith.constant 1 : i32
    %sub3A_95 = arith.subi %div3A_74, %sub3A_94 : i32
    %select_n3A_96 = arith.select %and3A_93, %sub3A_95, %div3A_74 : i32
    %mul3A_97 = arith.constant 8 : i32
    %mul3A_98 = arith.muli %select_n3A_96, %mul3A_97 : i32
    %eq3A = arith.constant 31 : i32
    %eq3A_99 = arith.cmpi eq, %add3A, %eq3A : i32
    %jit3A_100 = arith.constant 5000 : i32
    %select_n3A_101 = arith.select %eq3A_99, %jit3A_100, %mul3A_98 : i32
    %sub3A_102 = arith.subi %select_n3A_101, %mul3A_44 : i32
    %mul3A_103 = arith.constant 640 : i32
    %mul3A_104 = arith.muli %arg1, %mul3A_103 : i32
    "tpu.region"() ({
      %run_scoped3A = tpu.sem_alloc : memref<!tpu.dma_semaphore, #tpu.memory_space<semaphore_mem>>
      %dma_start3A_163 = arith.constant 0 : i32
      %dma_start3A_164 = tpu.memref_slice %arg11[%mul3A_104, %dma_start3A_163] : memref<10240x128xf32, #tpu.memory_space<vmem_shared>> -> memref<640x128xf32, #tpu.memory_space<vmem_shared>>
      tpu.enqueue_dma source(%arg5 : memref<640x128xf32, #tpu.memory_space<hbm>>) target(%dma_start3A_164 : memref<640x128xf32, #tpu.memory_space<vmem_shared>>) target_semaphore(%run_scoped3A : memref<!tpu.dma_semaphore, #tpu.memory_space<semaphore_mem>>)
      %dma_wait3A = arith.constant 0 : i32
      %dma_wait3A_165 = tpu.memref_slice %arg11[%mul3A_104, %dma_wait3A] : memref<10240x128xf32, #tpu.memory_space<vmem_shared>> -> memref<640x128xf32, #tpu.memory_space<vmem_shared>>
      tpu.wait_dma2 semaphore(%run_scoped3A : memref<!tpu.dma_semaphore, #tpu.memory_space<semaphore_mem>>) src(%arg5 : memref<640x128xf32, #tpu.memory_space<hbm>>) dst(%dma_wait3A_165 : memref<640x128xf32, #tpu.memory_space<vmem_shared>>)
      tpu.yield
    }) : () -> ()
    %mul3A_105 = arith.constant 64 : i32
    %mul3A_106 = arith.muli %mul3A_44, %mul3A_105 : i32
    "tpu.region"() ({
      %run_scoped3A = tpu.sem_alloc : memref<!tpu.dma_semaphore, #tpu.memory_space<semaphore_mem>>
      %dma_start3A_163 = tpu.memref_slice %arg3[%mul3A_106] : memref<320000xi32, #tpu.memory_space<hbm>> -> memref<10240xi32, #tpu.memory_space<hbm>>
      %dma_start3A_164 = tpu.memref_slice %arg3[%mul3A_106] : memref<320000xi32, #tpu.memory_space<hbm>> -> memref<10240xi32, #tpu.memory_space<hbm>>
      tpu.enqueue_dma source(%dma_start3A_164 : memref<10240xi32, #tpu.memory_space<hbm>>) target(%arg7 : memref<10240xi32, #tpu.memory_space<vmem>>) target_semaphore(%run_scoped3A : memref<!tpu.dma_semaphore, #tpu.memory_space<semaphore_mem>>)
      %dma_wait3A = tpu.memref_slice %arg3[%mul3A_106] : memref<320000xi32, #tpu.memory_space<hbm>> -> memref<10240xi32, #tpu.memory_space<hbm>>
      %dma_wait3A_165 = tpu.memref_slice %arg3[%mul3A_106] : memref<320000xi32, #tpu.memory_space<hbm>> -> memref<10240xi32, #tpu.memory_space<hbm>>
      tpu.wait_dma2 semaphore(%run_scoped3A : memref<!tpu.dma_semaphore, #tpu.memory_space<semaphore_mem>>) src(%dma_wait3A_165 : memref<10240xi32, #tpu.memory_space<hbm>>) dst(%arg7 : memref<10240xi32, #tpu.memory_space<vmem>>)
      tpu.yield
    }) : () -> ()
    %barrier3A = arith.constant 0 : index
    tpu.barrier barrier_id(%barrier3A)
    %add3A_107 = arith.constant 0 : i32
    %add3A_108 = arith.addi %mul3A_44, %add3A_107 : i32
    %mul3A_109 = arith.constant 64 : i32
    %mul3A_110 = arith.muli %add3A_108, %mul3A_109 : i32
    %dma_start3A = tpu.memref_slice %arg4[%mul3A_110] : memref<320000xi32, #tpu.memory_space<hbm>> -> memref<64xi32, #tpu.memory_space<hbm>>
    %dma_start3A_111 = tpu.memref_slice %arg4[%mul3A_110] : memref<320000xi32, #tpu.memory_space<hbm>> -> memref<64xi32, #tpu.memory_space<hbm>>
    tpu.enqueue_dma source(%dma_start3A_111 : memref<64xi32, #tpu.memory_space<hbm>>) target(%arg8 : memref<64xi32, #tpu.memory_space<vmem>>) target_semaphore(%arg16 : memref<!tpu.dma_semaphore, #tpu.memory_space<semaphore_mem>>)
    %dma_start3A_112 = arith.constant 0 : i32
    %dma_start3A_113 = arith.constant 0 : i32
    %dma_start3A_114 = arith.constant 0 : i32
    %dma_start3A_115 = tpu.memref_slice %arg10[%dma_start3A_112, %dma_start3A_113, %dma_start3A_114] : memref<4x64x128xf32, #tpu.memory_space<vmem>> -> memref<1x64x128xf32, #tpu.memory_space<vmem>>
    %dma_start3A_116 = tpu.memref_squeeze %dma_start3A_115 : memref<1x64x128xf32, #tpu.memory_space<vmem>> -> memref<64x128xf32, #tpu.memory_space<vmem>>
    %dma_start3A_117 = arith.constant 0 : i32
    %dma_start3A_118 = tpu.memref_slice %arg7[%dma_start3A_117] : memref<10240xi32, #tpu.memory_space<vmem>> -> memref<64xi32, #tpu.memory_space<vmem>>
    %dma_start3A_119 = arith.constant 0 : i32
    %dma_start3A_120 = arith.constant 0 : i32
    %dma_start3A_121 = tpu.memref_slice %arg2[%dma_start3A_119, %dma_start3A_120] : memref<10240x128xf32, #tpu.memory_space<hbm>> -> memref<10240x128xf32, #tpu.memory_space<hbm>>
    tpu.enqueue_indirect_dma source(%dma_start3A_121 : memref<10240x128xf32, #tpu.memory_space<hbm>>) target(%dma_start3A_116 : memref<64x128xf32, #tpu.memory_space<vmem>>) offsets(%dma_start3A_118 : memref<64xi32, #tpu.memory_space<vmem>>) semaphore(%arg12 : memref<!tpu.dma_semaphore, #tpu.memory_space<semaphore_mem>>)
    %dma_start3A_122 = arith.constant 1 : i32
    %dma_start3A_123 = arith.constant 0 : i32
    %dma_start3A_124 = arith.constant 0 : i32
    %dma_start3A_125 = tpu.memref_slice %arg10[%dma_start3A_122, %dma_start3A_123, %dma_start3A_124] : memref<4x64x128xf32, #tpu.memory_space<vmem>> -> memref<1x64x128xf32, #tpu.memory_space<vmem>>
    %dma_start3A_126 = tpu.memref_squeeze %dma_start3A_125 : memref<1x64x128xf32, #tpu.memory_space<vmem>> -> memref<64x128xf32, #tpu.memory_space<vmem>>
    %dma_start3A_127 = arith.constant 64 : i32
    %dma_start3A_128 = tpu.memref_slice %arg7[%dma_start3A_127] : memref<10240xi32, #tpu.memory_space<vmem>> -> memref<64xi32, #tpu.memory_space<vmem>>
    %dma_start3A_129 = arith.constant 0 : i32
    %dma_start3A_130 = arith.constant 0 : i32
    %dma_start3A_131 = tpu.memref_slice %arg2[%dma_start3A_129, %dma_start3A_130] : memref<10240x128xf32, #tpu.memory_space<hbm>> -> memref<10240x128xf32, #tpu.memory_space<hbm>>
    tpu.enqueue_indirect_dma source(%dma_start3A_131 : memref<10240x128xf32, #tpu.memory_space<hbm>>) target(%dma_start3A_126 : memref<64x128xf32, #tpu.memory_space<vmem>>) offsets(%dma_start3A_128 : memref<64xi32, #tpu.memory_space<vmem>>) semaphore(%arg13 : memref<!tpu.dma_semaphore, #tpu.memory_space<semaphore_mem>>)
    %dma_start3A_132 = arith.constant 2 : i32
    %dma_start3A_133 = arith.constant 0 : i32
    %dma_start3A_134 = arith.constant 0 : i32
    %dma_start3A_135 = tpu.memref_slice %arg10[%dma_start3A_132, %dma_start3A_133, %dma_start3A_134] : memref<4x64x128xf32, #tpu.memory_space<vmem>> -> memref<1x64x128xf32, #tpu.memory_space<vmem>>
    %dma_start3A_136 = tpu.memref_squeeze %dma_start3A_135 : memref<1x64x128xf32, #tpu.memory_space<vmem>> -> memref<64x128xf32, #tpu.memory_space<vmem>>
    %dma_start3A_137 = arith.constant 128 : i32
    %dma_start3A_138 = tpu.memref_slice %arg7[%dma_start3A_137] : memref<10240xi32, #tpu.memory_space<vmem>> -> memref<64xi32, #tpu.memory_space<vmem>>
    %dma_start3A_139 = arith.constant 0 : i32
    %dma_start3A_140 = arith.constant 0 : i32
    %dma_start3A_141 = tpu.memref_slice %arg2[%dma_start3A_139, %dma_start3A_140] : memref<10240x128xf32, #tpu.memory_space<hbm>> -> memref<10240x128xf32, #tpu.memory_space<hbm>>
    tpu.enqueue_indirect_dma source(%dma_start3A_141 : memref<10240x128xf32, #tpu.memory_space<hbm>>) target(%dma_start3A_136 : memref<64x128xf32, #tpu.memory_space<vmem>>) offsets(%dma_start3A_138 : memref<64xi32, #tpu.memory_space<vmem>>) semaphore(%arg14 : memref<!tpu.dma_semaphore, #tpu.memory_space<semaphore_mem>>)
    %dma_start3A_142 = arith.constant 3 : i32
    %dma_start3A_143 = arith.constant 0 : i32
    %dma_start3A_144 = arith.constant 0 : i32
    %dma_start3A_145 = tpu.memref_slice %arg10[%dma_start3A_142, %dma_start3A_143, %dma_start3A_144] : memref<4x64x128xf32, #tpu.memory_space<vmem>> -> memref<1x64x128xf32, #tpu.memory_space<vmem>>
    %dma_start3A_146 = tpu.memref_squeeze %dma_start3A_145 : memref<1x64x128xf32, #tpu.memory_space<vmem>> -> memref<64x128xf32, #tpu.memory_space<vmem>>
    %dma_start3A_147 = arith.constant 192 : i32
    %dma_start3A_148 = tpu.memref_slice %arg7[%dma_start3A_147] : memref<10240xi32, #tpu.memory_space<vmem>> -> memref<64xi32, #tpu.memory_space<vmem>>
    %dma_start3A_149 = arith.constant 0 : i32
    %dma_start3A_150 = arith.constant 0 : i32
    %dma_start3A_151 = tpu.memref_slice %arg2[%dma_start3A_149, %dma_start3A_150] : memref<10240x128xf32, #tpu.memory_space<hbm>> -> memref<10240x128xf32, #tpu.memory_space<hbm>>
    tpu.enqueue_indirect_dma source(%dma_start3A_151 : memref<10240x128xf32, #tpu.memory_space<hbm>>) target(%dma_start3A_146 : memref<64x128xf32, #tpu.memory_space<vmem>>) offsets(%dma_start3A_148 : memref<64xi32, #tpu.memory_space<vmem>>) semaphore(%arg15 : memref<!tpu.dma_semaphore, #tpu.memory_space<semaphore_mem>>)
    %scan3A = arith.constant 0 : i32
    %scan3A_152 = arith.constant 0 : i32
    %scan3A_153 = arith.constant 41 : i32
    %scan3A_154 = arith.addi %scan3A_152, %scan3A_153 : i32
    %scan3A_155 = arith.constant 1 : i32
    %scan3A_156 = scf.for %scan3A_163 = %scan3A_152 to %scan3A_154 step %scan3A_155 iter_args(%scan3A_164 = %scan3A) -> (i32)  : i32 {
      %mul3A_165 = arith.constant 4 : i32
      %mul3A_166 = arith.muli %scan3A_163, %mul3A_165 : i32
      %add3A_167 = arith.constant 0 : i32
      %add3A_168 = arith.addi %mul3A_166, %add3A_167 : i32
      %ge3A = arith.constant 1 : i32
      %ge3A_169 = arith.cmpi sge, %add3A_168, %ge3A : i32
      %le3A = arith.cmpi sle, %add3A_168, %sub3A_102 : i32
      %and3A_170 = arith.andi %ge3A_169, %le3A : i1
      %convert_element_type3A = arith.extui %and3A_170 : i1 to i32
      %cond3A = arith.constant 0 : i32
      %cond3A_171 = arith.cmpi ne, %convert_element_type3A, %cond3A : i32
      scf.if %cond3A_171 {
        %dma_wait3A = arith.constant 3 : i32
        %dma_wait3A_289 = arith.constant 0 : i32
        %dma_wait3A_290 = arith.constant 0 : i32
        %dma_wait3A_291 = tpu.memref_slice %arg10[%dma_wait3A, %dma_wait3A_289, %dma_wait3A_290] : memref<4x64x128xf32, #tpu.memory_space<vmem>> -> memref<1x64x128xf32, #tpu.memory_space<vmem>>
        %dma_wait3A_292 = tpu.memref_squeeze %dma_wait3A_291 : memref<1x64x128xf32, #tpu.memory_space<vmem>> -> memref<64x128xf32, #tpu.memory_space<vmem>>
        %dma_wait3A_293 = arith.constant 0 : i32
        %dma_wait3A_294 = arith.constant 0 : i32
        %dma_wait3A_295 = tpu.memref_slice %arg11[%dma_wait3A_293, %dma_wait3A_294] : memref<10240x128xf32, #tpu.memory_space<vmem_shared>> -> memref<10240x128xf32, #tpu.memory_space<vmem_shared>>
        tpu.wait_indirect_dma semaphore(%arg19 : memref<!tpu.dma_semaphore, #tpu.memory_space<semaphore_mem>>) src(%dma_wait3A_292 : memref<64x128xf32, #tpu.memory_space<vmem>>) dst(%dma_wait3A_295 : memref<10240x128xf32, #tpu.memory_space<vmem_shared>>)
      } else {
      }
      %add3A_172 = arith.constant 1 : i32
      %add3A_173 = arith.addi %add3A_168, %add3A_172 : i32
      %lt3A = arith.cmpi slt, %add3A_173, %sub3A_102 : i32
      %convert_element_type3A_174 = arith.extui %lt3A : i1 to i32
      %cond3A_175 = arith.constant 0 : i32
      %cond3A_176 = arith.cmpi ne, %convert_element_type3A_174, %cond3A_175 : i32
      scf.if %cond3A_176 {
        %add3A_289 = arith.constant 1 : i32
        %add3A_290 = arith.addi %add3A_168, %add3A_289 : i32
        %add3A_291 = arith.addi %mul3A_44, %add3A_290 : i32
        %mul3A_292 = arith.constant 64 : i32
        %mul3A_293 = arith.muli %add3A_291, %mul3A_292 : i32
        %dma_start3A_294 = tpu.memref_slice %arg4[%mul3A_293] : memref<320000xi32, #tpu.memory_space<hbm>> -> memref<64xi32, #tpu.memory_space<hbm>>
        %dma_start3A_295 = tpu.memref_slice %arg4[%mul3A_293] : memref<320000xi32, #tpu.memory_space<hbm>> -> memref<64xi32, #tpu.memory_space<hbm>>
        tpu.enqueue_dma source(%dma_start3A_295 : memref<64xi32, #tpu.memory_space<hbm>>) target(%arg9 : memref<64xi32, #tpu.memory_space<vmem>>) target_semaphore(%arg17 : memref<!tpu.dma_semaphore, #tpu.memory_space<semaphore_mem>>)
      } else {
      }
      %ge3A_177 = arith.constant 1 : i32
      %ge3A_178 = arith.cmpi sge, %add3A_168, %ge3A_177 : i32
      %add3A_179 = arith.constant 4 : i32
      %add3A_180 = arith.addi %add3A_168, %add3A_179 : i32
      %sub3A_181 = arith.constant 1 : i32
      %sub3A_182 = arith.subi %add3A_180, %sub3A_181 : i32
      %lt3A_183 = arith.cmpi slt, %sub3A_182, %sub3A_102 : i32
      %and3A_184 = arith.andi %ge3A_178, %lt3A_183 : i1
      %convert_element_type3A_185 = arith.extui %and3A_184 : i1 to i32
      %cond3A_186 = arith.constant 0 : i32
      %cond3A_187 = arith.cmpi ne, %convert_element_type3A_185, %cond3A_186 : i32
      scf.if %cond3A_187 {
        %add3A_289 = arith.constant 4 : i32
        %add3A_290 = arith.addi %add3A_168, %add3A_289 : i32
        %sub3A_291 = arith.constant 1 : i32
        %sub3A_292 = arith.subi %add3A_290, %sub3A_291 : i32
        %mul3A_293 = arith.constant 64 : i32
        %mul3A_294 = arith.muli %sub3A_292, %mul3A_293 : i32
        %dma_start3A_295 = arith.constant 3 : i32
        %dma_start3A_296 = arith.constant 0 : i32
        %dma_start3A_297 = arith.constant 0 : i32
        %dma_start3A_298 = tpu.memref_slice %arg10[%dma_start3A_295, %dma_start3A_296, %dma_start3A_297] : memref<4x64x128xf32, #tpu.memory_space<vmem>> -> memref<1x64x128xf32, #tpu.memory_space<vmem>>
        %dma_start3A_299 = tpu.memref_squeeze %dma_start3A_298 : memref<1x64x128xf32, #tpu.memory_space<vmem>> -> memref<64x128xf32, #tpu.memory_space<vmem>>
        %dma_start3A_300 = tpu.memref_slice %arg7[%mul3A_294] : memref<10240xi32, #tpu.memory_space<vmem>> -> memref<64xi32, #tpu.memory_space<vmem>>
        %dma_start3A_301 = arith.constant 0 : i32
        %dma_start3A_302 = arith.constant 0 : i32
        %dma_start3A_303 = tpu.memref_slice %arg2[%dma_start3A_301, %dma_start3A_302] : memref<10240x128xf32, #tpu.memory_space<hbm>> -> memref<10240x128xf32, #tpu.memory_space<hbm>>
        tpu.enqueue_indirect_dma source(%dma_start3A_303 : memref<10240x128xf32, #tpu.memory_space<hbm>>) target(%dma_start3A_299 : memref<64x128xf32, #tpu.memory_space<vmem>>) offsets(%dma_start3A_300 : memref<64xi32, #tpu.memory_space<vmem>>) semaphore(%arg15 : memref<!tpu.dma_semaphore, #tpu.memory_space<semaphore_mem>>)
      } else {
      }
      %lt3A_188 = arith.cmpi slt, %add3A_168, %sub3A_102 : i32
      %convert_element_type3A_189 = arith.extui %lt3A_188 : i1 to i32
      %cond3A_190 = arith.constant 0 : i32
      %cond3A_191 = arith.cmpi ne, %convert_element_type3A_189, %cond3A_190 : i32
      scf.if %cond3A_191 {
        %mul3A_289 = arith.constant 64 : i32
        %mul3A_290 = arith.muli %add3A_168, %mul3A_289 : i32
        %dma_wait3A = arith.constant 0 : i32
        %dma_wait3A_291 = arith.constant 0 : i32
        %dma_wait3A_292 = arith.constant 0 : i32
        %dma_wait3A_293 = tpu.memref_slice %arg10[%dma_wait3A, %dma_wait3A_291, %dma_wait3A_292] : memref<4x64x128xf32, #tpu.memory_space<vmem>> -> memref<1x64x128xf32, #tpu.memory_space<vmem>>
        %dma_wait3A_294 = tpu.memref_squeeze %dma_wait3A_293 : memref<1x64x128xf32, #tpu.memory_space<vmem>> -> memref<64x128xf32, #tpu.memory_space<vmem>>
        %dma_wait3A_295 = tpu.memref_slice %arg7[%mul3A_290] : memref<10240xi32, #tpu.memory_space<vmem>> -> memref<64xi32, #tpu.memory_space<vmem>>
        %dma_wait3A_296 = arith.constant 0 : i32
        %dma_wait3A_297 = arith.constant 0 : i32
        %dma_wait3A_298 = tpu.memref_slice %arg2[%dma_wait3A_296, %dma_wait3A_297] : memref<10240x128xf32, #tpu.memory_space<hbm>> -> memref<10240x128xf32, #tpu.memory_space<hbm>>
        tpu.wait_indirect_dma semaphore(%arg12 : memref<!tpu.dma_semaphore, #tpu.memory_space<semaphore_mem>>) src(%dma_wait3A_298 : memref<10240x128xf32, #tpu.memory_space<hbm>>) dst(%dma_wait3A_294 : memref<64x128xf32, #tpu.memory_space<vmem>>)
        %add3A_299 = arith.addi %mul3A_44, %add3A_168 : i32
        %mul3A_300 = arith.constant 64 : i32
        %mul3A_301 = arith.muli %add3A_299, %mul3A_300 : i32
        %dma_wait3A_302 = tpu.memref_slice %arg4[%mul3A_301] : memref<320000xi32, #tpu.memory_space<hbm>> -> memref<64xi32, #tpu.memory_space<hbm>>
        %dma_wait3A_303 = tpu.memref_slice %arg4[%mul3A_301] : memref<320000xi32, #tpu.memory_space<hbm>> -> memref<64xi32, #tpu.memory_space<hbm>>
        tpu.wait_dma2 semaphore(%arg16 : memref<!tpu.dma_semaphore, #tpu.memory_space<semaphore_mem>>) src(%dma_wait3A_303 : memref<64xi32, #tpu.memory_space<hbm>>) dst(%arg8 : memref<64xi32, #tpu.memory_space<vmem>>)
        %dma_start3A_304 = arith.constant 0 : i32
        %dma_start3A_305 = arith.constant 0 : i32
        %dma_start3A_306 = arith.constant 0 : i32
        %dma_start3A_307 = tpu.memref_slice %arg10[%dma_start3A_304, %dma_start3A_305, %dma_start3A_306] : memref<4x64x128xf32, #tpu.memory_space<vmem>> -> memref<1x64x128xf32, #tpu.memory_space<vmem>>
        %dma_start3A_308 = tpu.memref_squeeze %dma_start3A_307 : memref<1x64x128xf32, #tpu.memory_space<vmem>> -> memref<64x128xf32, #tpu.memory_space<vmem>>
        %dma_start3A_309 = arith.constant 0 : i32
        %dma_start3A_310 = arith.constant 0 : i32
        %dma_start3A_311 = tpu.memref_slice %arg11[%dma_start3A_309, %dma_start3A_310] : memref<10240x128xf32, #tpu.memory_space<vmem_shared>> -> memref<10240x128xf32, #tpu.memory_space<vmem_shared>>
        tpu.enqueue_indirect_dma source(%dma_start3A_308 : memref<64x128xf32, #tpu.memory_space<vmem>>) target(%dma_start3A_311 : memref<10240x128xf32, #tpu.memory_space<vmem_shared>>) offsets(%arg8 : memref<64xi32, #tpu.memory_space<vmem>>) semaphore(%arg18 : memref<!tpu.dma_semaphore, #tpu.memory_space<semaphore_mem>>) {add = true}
      } else {
      }
      %mul3A_192 = arith.constant 4 : i32
      %mul3A_193 = arith.muli %scan3A_163, %mul3A_192 : i32
      %add3A_194 = arith.constant 1 : i32
      %add3A_195 = arith.addi %mul3A_193, %add3A_194 : i32
      %ge3A_196 = arith.constant 1 : i32
      %ge3A_197 = arith.cmpi sge, %add3A_195, %ge3A_196 : i32
      %le3A_198 = arith.cmpi sle, %add3A_195, %sub3A_102 : i32
      %and3A_199 = arith.andi %ge3A_197, %le3A_198 : i1
      %convert_element_type3A_200 = arith.extui %and3A_199 : i1 to i32
      %cond3A_201 = arith.constant 0 : i32
      %cond3A_202 = arith.cmpi ne, %convert_element_type3A_200, %cond3A_201 : i32
      scf.if %cond3A_202 {
        %dma_wait3A = arith.constant 0 : i32
        %dma_wait3A_289 = arith.constant 0 : i32
        %dma_wait3A_290 = arith.constant 0 : i32
        %dma_wait3A_291 = tpu.memref_slice %arg10[%dma_wait3A, %dma_wait3A_289, %dma_wait3A_290] : memref<4x64x128xf32, #tpu.memory_space<vmem>> -> memref<1x64x128xf32, #tpu.memory_space<vmem>>
        %dma_wait3A_292 = tpu.memref_squeeze %dma_wait3A_291 : memref<1x64x128xf32, #tpu.memory_space<vmem>> -> memref<64x128xf32, #tpu.memory_space<vmem>>
        %dma_wait3A_293 = arith.constant 0 : i32
        %dma_wait3A_294 = arith.constant 0 : i32
        %dma_wait3A_295 = tpu.memref_slice %arg11[%dma_wait3A_293, %dma_wait3A_294] : memref<10240x128xf32, #tpu.memory_space<vmem_shared>> -> memref<10240x128xf32, #tpu.memory_space<vmem_shared>>
        tpu.wait_indirect_dma semaphore(%arg18 : memref<!tpu.dma_semaphore, #tpu.memory_space<semaphore_mem>>) src(%dma_wait3A_292 : memref<64x128xf32, #tpu.memory_space<vmem>>) dst(%dma_wait3A_295 : memref<10240x128xf32, #tpu.memory_space<vmem_shared>>)
      } else {
      }
      %add3A_203 = arith.constant 1 : i32
      %add3A_204 = arith.addi %add3A_195, %add3A_203 : i32
      %lt3A_205 = arith.cmpi slt, %add3A_204, %sub3A_102 : i32
      %convert_element_type3A_206 = arith.extui %lt3A_205 : i1 to i32
      %cond3A_207 = arith.constant 0 : i32
      %cond3A_208 = arith.cmpi ne, %convert_element_type3A_206, %cond3A_207 : i32
      scf.if %cond3A_208 {
        %add3A_289 = arith.constant 1 : i32
        %add3A_290 = arith.addi %add3A_195, %add3A_289 : i32
        %add3A_291 = arith.addi %mul3A_44, %add3A_290 : i32
        %mul3A_292 = arith.constant 64 : i32
        %mul3A_293 = arith.muli %add3A_291, %mul3A_292 : i32
        %dma_start3A_294 = tpu.memref_slice %arg4[%mul3A_293] : memref<320000xi32, #tpu.memory_space<hbm>> -> memref<64xi32, #tpu.memory_space<hbm>>
        %dma_start3A_295 = tpu.memref_slice %arg4[%mul3A_293] : memref<320000xi32, #tpu.memory_space<hbm>> -> memref<64xi32, #tpu.memory_space<hbm>>
        tpu.enqueue_dma source(%dma_start3A_295 : memref<64xi32, #tpu.memory_space<hbm>>) target(%arg8 : memref<64xi32, #tpu.memory_space<vmem>>) target_semaphore(%arg16 : memref<!tpu.dma_semaphore, #tpu.memory_space<semaphore_mem>>)
      } else {
      }
      %ge3A_209 = arith.constant 1 : i32
      %ge3A_210 = arith.cmpi sge, %add3A_195, %ge3A_209 : i32
      %add3A_211 = arith.constant 4 : i32
      %add3A_212 = arith.addi %add3A_195, %add3A_211 : i32
      %sub3A_213 = arith.constant 1 : i32
      %sub3A_214 = arith.subi %add3A_212, %sub3A_213 : i32
      %lt3A_215 = arith.cmpi slt, %sub3A_214, %sub3A_102 : i32
      %and3A_216 = arith.andi %ge3A_210, %lt3A_215 : i1
      %convert_element_type3A_217 = arith.extui %and3A_216 : i1 to i32
      %cond3A_218 = arith.constant 0 : i32
      %cond3A_219 = arith.cmpi ne, %convert_element_type3A_217, %cond3A_218 : i32
      scf.if %cond3A_219 {
        %add3A_289 = arith.constant 4 : i32
        %add3A_290 = arith.addi %add3A_195, %add3A_289 : i32
        %sub3A_291 = arith.constant 1 : i32
        %sub3A_292 = arith.subi %add3A_290, %sub3A_291 : i32
        %mul3A_293 = arith.constant 64 : i32
        %mul3A_294 = arith.muli %sub3A_292, %mul3A_293 : i32
        %dma_start3A_295 = arith.constant 0 : i32
        %dma_start3A_296 = arith.constant 0 : i32
        %dma_start3A_297 = arith.constant 0 : i32
        %dma_start3A_298 = tpu.memref_slice %arg10[%dma_start3A_295, %dma_start3A_296, %dma_start3A_297] : memref<4x64x128xf32, #tpu.memory_space<vmem>> -> memref<1x64x128xf32, #tpu.memory_space<vmem>>
        %dma_start3A_299 = tpu.memref_squeeze %dma_start3A_298 : memref<1x64x128xf32, #tpu.memory_space<vmem>> -> memref<64x128xf32, #tpu.memory_space<vmem>>
        %dma_start3A_300 = tpu.memref_slice %arg7[%mul3A_294] : memref<10240xi32, #tpu.memory_space<vmem>> -> memref<64xi32, #tpu.memory_space<vmem>>
        %dma_start3A_301 = arith.constant 0 : i32
        %dma_start3A_302 = arith.constant 0 : i32
        %dma_start3A_303 = tpu.memref_slice %arg2[%dma_start3A_301, %dma_start3A_302] : memref<10240x128xf32, #tpu.memory_space<hbm>> -> memref<10240x128xf32, #tpu.memory_space<hbm>>
        tpu.enqueue_indirect_dma source(%dma_start3A_303 : memref<10240x128xf32, #tpu.memory_space<hbm>>) target(%dma_start3A_299 : memref<64x128xf32, #tpu.memory_space<vmem>>) offsets(%dma_start3A_300 : memref<64xi32, #tpu.memory_space<vmem>>) semaphore(%arg12 : memref<!tpu.dma_semaphore, #tpu.memory_space<semaphore_mem>>)
      } else {
      }
      %lt3A_220 = arith.cmpi slt, %add3A_195, %sub3A_102 : i32
      %convert_element_type3A_221 = arith.extui %lt3A_220 : i1 to i32
      %cond3A_222 = arith.constant 0 : i32
      %cond3A_223 = arith.cmpi ne, %convert_element_type3A_221, %cond3A_222 : i32
      scf.if %cond3A_223 {
        %mul3A_289 = arith.constant 64 : i32
        %mul3A_290 = arith.muli %add3A_195, %mul3A_289 : i32
        %dma_wait3A = arith.constant 1 : i32
        %dma_wait3A_291 = arith.constant 0 : i32
        %dma_wait3A_292 = arith.constant 0 : i32
        %dma_wait3A_293 = tpu.memref_slice %arg10[%dma_wait3A, %dma_wait3A_291, %dma_wait3A_292] : memref<4x64x128xf32, #tpu.memory_space<vmem>> -> memref<1x64x128xf32, #tpu.memory_space<vmem>>
        %dma_wait3A_294 = tpu.memref_squeeze %dma_wait3A_293 : memref<1x64x128xf32, #tpu.memory_space<vmem>> -> memref<64x128xf32, #tpu.memory_space<vmem>>
        %dma_wait3A_295 = tpu.memref_slice %arg7[%mul3A_290] : memref<10240xi32, #tpu.memory_space<vmem>> -> memref<64xi32, #tpu.memory_space<vmem>>
        %dma_wait3A_296 = arith.constant 0 : i32
        %dma_wait3A_297 = arith.constant 0 : i32
        %dma_wait3A_298 = tpu.memref_slice %arg2[%dma_wait3A_296, %dma_wait3A_297] : memref<10240x128xf32, #tpu.memory_space<hbm>> -> memref<10240x128xf32, #tpu.memory_space<hbm>>
        tpu.wait_indirect_dma semaphore(%arg13 : memref<!tpu.dma_semaphore, #tpu.memory_space<semaphore_mem>>) src(%dma_wait3A_298 : memref<10240x128xf32, #tpu.memory_space<hbm>>) dst(%dma_wait3A_294 : memref<64x128xf32, #tpu.memory_space<vmem>>)
        %add3A_299 = arith.addi %mul3A_44, %add3A_195 : i32
        %mul3A_300 = arith.constant 64 : i32
        %mul3A_301 = arith.muli %add3A_299, %mul3A_300 : i32
        %dma_wait3A_302 = tpu.memref_slice %arg4[%mul3A_301] : memref<320000xi32, #tpu.memory_space<hbm>> -> memref<64xi32, #tpu.memory_space<hbm>>
        %dma_wait3A_303 = tpu.memref_slice %arg4[%mul3A_301] : memref<320000xi32, #tpu.memory_space<hbm>> -> memref<64xi32, #tpu.memory_space<hbm>>
        tpu.wait_dma2 semaphore(%arg17 : memref<!tpu.dma_semaphore, #tpu.memory_space<semaphore_mem>>) src(%dma_wait3A_303 : memref<64xi32, #tpu.memory_space<hbm>>) dst(%arg9 : memref<64xi32, #tpu.memory_space<vmem>>)
        %dma_start3A_304 = arith.constant 1 : i32
        %dma_start3A_305 = arith.constant 0 : i32
        %dma_start3A_306 = arith.constant 0 : i32
        %dma_start3A_307 = tpu.memref_slice %arg10[%dma_start3A_304, %dma_start3A_305, %dma_start3A_306] : memref<4x64x128xf32, #tpu.memory_space<vmem>> -> memref<1x64x128xf32, #tpu.memory_space<vmem>>
        %dma_start3A_308 = tpu.memref_squeeze %dma_start3A_307 : memref<1x64x128xf32, #tpu.memory_space<vmem>> -> memref<64x128xf32, #tpu.memory_space<vmem>>
        %dma_start3A_309 = arith.constant 0 : i32
        %dma_start3A_310 = arith.constant 0 : i32
        %dma_start3A_311 = tpu.memref_slice %arg11[%dma_start3A_309, %dma_start3A_310] : memref<10240x128xf32, #tpu.memory_space<vmem_shared>> -> memref<10240x128xf32, #tpu.memory_space<vmem_shared>>
        tpu.enqueue_indirect_dma source(%dma_start3A_308 : memref<64x128xf32, #tpu.memory_space<vmem>>) target(%dma_start3A_311 : memref<10240x128xf32, #tpu.memory_space<vmem_shared>>) offsets(%arg9 : memref<64xi32, #tpu.memory_space<vmem>>) semaphore(%arg19 : memref<!tpu.dma_semaphore, #tpu.memory_space<semaphore_mem>>) {add = true}
      } else {
      }
      %mul3A_224 = arith.constant 4 : i32
      %mul3A_225 = arith.muli %scan3A_163, %mul3A_224 : i32
      %add3A_226 = arith.constant 2 : i32
      %add3A_227 = arith.addi %mul3A_225, %add3A_226 : i32
      %ge3A_228 = arith.constant 1 : i32
      %ge3A_229 = arith.cmpi sge, %add3A_227, %ge3A_228 : i32
      %le3A_230 = arith.cmpi sle, %add3A_227, %sub3A_102 : i32
      %and3A_231 = arith.andi %ge3A_229, %le3A_230 : i1
      %convert_element_type3A_232 = arith.extui %and3A_231 : i1 to i32
      %cond3A_233 = arith.constant 0 : i32
      %cond3A_234 = arith.cmpi ne, %convert_element_type3A_232, %cond3A_233 : i32
      scf.if %cond3A_234 {
        %dma_wait3A = arith.constant 1 : i32
        %dma_wait3A_289 = arith.constant 0 : i32
        %dma_wait3A_290 = arith.constant 0 : i32
        %dma_wait3A_291 = tpu.memref_slice %arg10[%dma_wait3A, %dma_wait3A_289, %dma_wait3A_290] : memref<4x64x128xf32, #tpu.memory_space<vmem>> -> memref<1x64x128xf32, #tpu.memory_space<vmem>>
        %dma_wait3A_292 = tpu.memref_squeeze %dma_wait3A_291 : memref<1x64x128xf32, #tpu.memory_space<vmem>> -> memref<64x128xf32, #tpu.memory_space<vmem>>
        %dma_wait3A_293 = arith.constant 0 : i32
        %dma_wait3A_294 = arith.constant 0 : i32
        %dma_wait3A_295 = tpu.memref_slice %arg11[%dma_wait3A_293, %dma_wait3A_294] : memref<10240x128xf32, #tpu.memory_space<vmem_shared>> -> memref<10240x128xf32, #tpu.memory_space<vmem_shared>>
        tpu.wait_indirect_dma semaphore(%arg19 : memref<!tpu.dma_semaphore, #tpu.memory_space<semaphore_mem>>) src(%dma_wait3A_292 : memref<64x128xf32, #tpu.memory_space<vmem>>) dst(%dma_wait3A_295 : memref<10240x128xf32, #tpu.memory_space<vmem_shared>>)
      } else {
      }
      %add3A_235 = arith.constant 1 : i32
      %add3A_236 = arith.addi %add3A_227, %add3A_235 : i32
      %lt3A_237 = arith.cmpi slt, %add3A_236, %sub3A_102 : i32
      %convert_element_type3A_238 = arith.extui %lt3A_237 : i1 to i32
      %cond3A_239 = arith.constant 0 : i32
      %cond3A_240 = arith.cmpi ne, %convert_element_type3A_238, %cond3A_239 : i32
      scf.if %cond3A_240 {
        %add3A_289 = arith.constant 1 : i32
        %add3A_290 = arith.addi %add3A_227, %add3A_289 : i32
        %add3A_291 = arith.addi %mul3A_44, %add3A_290 : i32
        %mul3A_292 = arith.constant 64 : i32
        %mul3A_293 = arith.muli %add3A_291, %mul3A_292 : i32
        %dma_start3A_294 = tpu.memref_slice %arg4[%mul3A_293] : memref<320000xi32, #tpu.memory_space<hbm>> -> memref<64xi32, #tpu.memory_space<hbm>>
        %dma_start3A_295 = tpu.memref_slice %arg4[%mul3A_293] : memref<320000xi32, #tpu.memory_space<hbm>> -> memref<64xi32, #tpu.memory_space<hbm>>
        tpu.enqueue_dma source(%dma_start3A_295 : memref<64xi32, #tpu.memory_space<hbm>>) target(%arg9 : memref<64xi32, #tpu.memory_space<vmem>>) target_semaphore(%arg17 : memref<!tpu.dma_semaphore, #tpu.memory_space<semaphore_mem>>)
      } else {
      }
      %ge3A_241 = arith.constant 1 : i32
      %ge3A_242 = arith.cmpi sge, %add3A_227, %ge3A_241 : i32
      %add3A_243 = arith.constant 4 : i32
      %add3A_244 = arith.addi %add3A_227, %add3A_243 : i32
      %sub3A_245 = arith.constant 1 : i32
      %sub3A_246 = arith.subi %add3A_244, %sub3A_245 : i32
      %lt3A_247 = arith.cmpi slt, %sub3A_246, %sub3A_102 : i32
      %and3A_248 = arith.andi %ge3A_242, %lt3A_247 : i1
      %convert_element_type3A_249 = arith.extui %and3A_248 : i1 to i32
      %cond3A_250 = arith.constant 0 : i32
      %cond3A_251 = arith.cmpi ne, %convert_element_type3A_249, %cond3A_250 : i32
      scf.if %cond3A_251 {
        %add3A_289 = arith.constant 4 : i32
        %add3A_290 = arith.addi %add3A_227, %add3A_289 : i32
        %sub3A_291 = arith.constant 1 : i32
        %sub3A_292 = arith.subi %add3A_290, %sub3A_291 : i32
        %mul3A_293 = arith.constant 64 : i32
        %mul3A_294 = arith.muli %sub3A_292, %mul3A_293 : i32
        %dma_start3A_295 = arith.constant 1 : i32
        %dma_start3A_296 = arith.constant 0 : i32
        %dma_start3A_297 = arith.constant 0 : i32
        %dma_start3A_298 = tpu.memref_slice %arg10[%dma_start3A_295, %dma_start3A_296, %dma_start3A_297] : memref<4x64x128xf32, #tpu.memory_space<vmem>> -> memref<1x64x128xf32, #tpu.memory_space<vmem>>
        %dma_start3A_299 = tpu.memref_squeeze %dma_start3A_298 : memref<1x64x128xf32, #tpu.memory_space<vmem>> -> memref<64x128xf32, #tpu.memory_space<vmem>>
        %dma_start3A_300 = tpu.memref_slice %arg7[%mul3A_294] : memref<10240xi32, #tpu.memory_space<vmem>> -> memref<64xi32, #tpu.memory_space<vmem>>
        %dma_start3A_301 = arith.constant 0 : i32
        %dma_start3A_302 = arith.constant 0 : i32
        %dma_start3A_303 = tpu.memref_slice %arg2[%dma_start3A_301, %dma_start3A_302] : memref<10240x128xf32, #tpu.memory_space<hbm>> -> memref<10240x128xf32, #tpu.memory_space<hbm>>
        tpu.enqueue_indirect_dma source(%dma_start3A_303 : memref<10240x128xf32, #tpu.memory_space<hbm>>) target(%dma_start3A_299 : memref<64x128xf32, #tpu.memory_space<vmem>>) offsets(%dma_start3A_300 : memref<64xi32, #tpu.memory_space<vmem>>) semaphore(%arg13 : memref<!tpu.dma_semaphore, #tpu.memory_space<semaphore_mem>>)
      } else {
      }
      %lt3A_252 = arith.cmpi slt, %add3A_227, %sub3A_102 : i32
      %convert_element_type3A_253 = arith.extui %lt3A_252 : i1 to i32
      %cond3A_254 = arith.constant 0 : i32
      %cond3A_255 = arith.cmpi ne, %convert_element_type3A_253, %cond3A_254 : i32
      scf.if %cond3A_255 {
        %mul3A_289 = arith.constant 64 : i32
        %mul3A_290 = arith.muli %add3A_227, %mul3A_289 : i32
        %dma_wait3A = arith.constant 2 : i32
        %dma_wait3A_291 = arith.constant 0 : i32
        %dma_wait3A_292 = arith.constant 0 : i32
        %dma_wait3A_293 = tpu.memref_slice %arg10[%dma_wait3A, %dma_wait3A_291, %dma_wait3A_292] : memref<4x64x128xf32, #tpu.memory_space<vmem>> -> memref<1x64x128xf32, #tpu.memory_space<vmem>>
        %dma_wait3A_294 = tpu.memref_squeeze %dma_wait3A_293 : memref<1x64x128xf32, #tpu.memory_space<vmem>> -> memref<64x128xf32, #tpu.memory_space<vmem>>
        %dma_wait3A_295 = tpu.memref_slice %arg7[%mul3A_290] : memref<10240xi32, #tpu.memory_space<vmem>> -> memref<64xi32, #tpu.memory_space<vmem>>
        %dma_wait3A_296 = arith.constant 0 : i32
        %dma_wait3A_297 = arith.constant 0 : i32
        %dma_wait3A_298 = tpu.memref_slice %arg2[%dma_wait3A_296, %dma_wait3A_297] : memref<10240x128xf32, #tpu.memory_space<hbm>> -> memref<10240x128xf32, #tpu.memory_space<hbm>>
        tpu.wait_indirect_dma semaphore(%arg14 : memref<!tpu.dma_semaphore, #tpu.memory_space<semaphore_mem>>) src(%dma_wait3A_298 : memref<10240x128xf32, #tpu.memory_space<hbm>>) dst(%dma_wait3A_294 : memref<64x128xf32, #tpu.memory_space<vmem>>)
        %add3A_299 = arith.addi %mul3A_44, %add3A_227 : i32
        %mul3A_300 = arith.constant 64 : i32
        %mul3A_301 = arith.muli %add3A_299, %mul3A_300 : i32
        %dma_wait3A_302 = tpu.memref_slice %arg4[%mul3A_301] : memref<320000xi32, #tpu.memory_space<hbm>> -> memref<64xi32, #tpu.memory_space<hbm>>
        %dma_wait3A_303 = tpu.memref_slice %arg4[%mul3A_301] : memref<320000xi32, #tpu.memory_space<hbm>> -> memref<64xi32, #tpu.memory_space<hbm>>
        tpu.wait_dma2 semaphore(%arg16 : memref<!tpu.dma_semaphore, #tpu.memory_space<semaphore_mem>>) src(%dma_wait3A_303 : memref<64xi32, #tpu.memory_space<hbm>>) dst(%arg8 : memref<64xi32, #tpu.memory_space<vmem>>)
        %dma_start3A_304 = arith.constant 2 : i32
        %dma_start3A_305 = arith.constant 0 : i32
        %dma_start3A_306 = arith.constant 0 : i32
        %dma_start3A_307 = tpu.memref_slice %arg10[%dma_start3A_304, %dma_start3A_305, %dma_start3A_306] : memref<4x64x128xf32, #tpu.memory_space<vmem>> -> memref<1x64x128xf32, #tpu.memory_space<vmem>>
        %dma_start3A_308 = tpu.memref_squeeze %dma_start3A_307 : memref<1x64x128xf32, #tpu.memory_space<vmem>> -> memref<64x128xf32, #tpu.memory_space<vmem>>
        %dma_start3A_309 = arith.constant 0 : i32
        %dma_start3A_310 = arith.constant 0 : i32
        %dma_start3A_311 = tpu.memref_slice %arg11[%dma_start3A_309, %dma_start3A_310] : memref<10240x128xf32, #tpu.memory_space<vmem_shared>> -> memref<10240x128xf32, #tpu.memory_space<vmem_shared>>
        tpu.enqueue_indirect_dma source(%dma_start3A_308 : memref<64x128xf32, #tpu.memory_space<vmem>>) target(%dma_start3A_311 : memref<10240x128xf32, #tpu.memory_space<vmem_shared>>) offsets(%arg8 : memref<64xi32, #tpu.memory_space<vmem>>) semaphore(%arg18 : memref<!tpu.dma_semaphore, #tpu.memory_space<semaphore_mem>>) {add = true}
      } else {
      }
      %mul3A_256 = arith.constant 4 : i32
      %mul3A_257 = arith.muli %scan3A_163, %mul3A_256 : i32
      %add3A_258 = arith.constant 3 : i32
      %add3A_259 = arith.addi %mul3A_257, %add3A_258 : i32
      %ge3A_260 = arith.constant 1 : i32
      %ge3A_261 = arith.cmpi sge, %add3A_259, %ge3A_260 : i32
      %le3A_262 = arith.cmpi sle, %add3A_259, %sub3A_102 : i32
      %and3A_263 = arith.andi %ge3A_261, %le3A_262 : i1
      %convert_element_type3A_264 = arith.extui %and3A_263 : i1 to i32
      %cond3A_265 = arith.constant 0 : i32
      %cond3A_266 = arith.cmpi ne, %convert_element_type3A_264, %cond3A_265 : i32
      scf.if %cond3A_266 {
        %dma_wait3A = arith.constant 2 : i32
        %dma_wait3A_289 = arith.constant 0 : i32
        %dma_wait3A_290 = arith.constant 0 : i32
        %dma_wait3A_291 = tpu.memref_slice %arg10[%dma_wait3A, %dma_wait3A_289, %dma_wait3A_290] : memref<4x64x128xf32, #tpu.memory_space<vmem>> -> memref<1x64x128xf32, #tpu.memory_space<vmem>>
        %dma_wait3A_292 = tpu.memref_squeeze %dma_wait3A_291 : memref<1x64x128xf32, #tpu.memory_space<vmem>> -> memref<64x128xf32, #tpu.memory_space<vmem>>
        %dma_wait3A_293 = arith.constant 0 : i32
        %dma_wait3A_294 = arith.constant 0 : i32
        %dma_wait3A_295 = tpu.memref_slice %arg11[%dma_wait3A_293, %dma_wait3A_294] : memref<10240x128xf32, #tpu.memory_space<vmem_shared>> -> memref<10240x128xf32, #tpu.memory_space<vmem_shared>>
        tpu.wait_indirect_dma semaphore(%arg18 : memref<!tpu.dma_semaphore, #tpu.memory_space<semaphore_mem>>) src(%dma_wait3A_292 : memref<64x128xf32, #tpu.memory_space<vmem>>) dst(%dma_wait3A_295 : memref<10240x128xf32, #tpu.memory_space<vmem_shared>>)
      } else {
      }
      %add3A_267 = arith.constant 1 : i32
      %add3A_268 = arith.addi %add3A_259, %add3A_267 : i32
      %lt3A_269 = arith.cmpi slt, %add3A_268, %sub3A_102 : i32
      %convert_element_type3A_270 = arith.extui %lt3A_269 : i1 to i32
      %cond3A_271 = arith.constant 0 : i32
      %cond3A_272 = arith.cmpi ne, %convert_element_type3A_270, %cond3A_271 : i32
      scf.if %cond3A_272 {
        %add3A_289 = arith.constant 1 : i32
        %add3A_290 = arith.addi %add3A_259, %add3A_289 : i32
        %add3A_291 = arith.addi %mul3A_44, %add3A_290 : i32
        %mul3A_292 = arith.constant 64 : i32
        %mul3A_293 = arith.muli %add3A_291, %mul3A_292 : i32
        %dma_start3A_294 = tpu.memref_slice %arg4[%mul3A_293] : memref<320000xi32, #tpu.memory_space<hbm>> -> memref<64xi32, #tpu.memory_space<hbm>>
        %dma_start3A_295 = tpu.memref_slice %arg4[%mul3A_293] : memref<320000xi32, #tpu.memory_space<hbm>> -> memref<64xi32, #tpu.memory_space<hbm>>
        tpu.enqueue_dma source(%dma_start3A_295 : memref<64xi32, #tpu.memory_space<hbm>>) target(%arg8 : memref<64xi32, #tpu.memory_space<vmem>>) target_semaphore(%arg16 : memref<!tpu.dma_semaphore, #tpu.memory_space<semaphore_mem>>)
      } else {
      }
      %ge3A_273 = arith.constant 1 : i32
      %ge3A_274 = arith.cmpi sge, %add3A_259, %ge3A_273 : i32
      %add3A_275 = arith.constant 4 : i32
      %add3A_276 = arith.addi %add3A_259, %add3A_275 : i32
      %sub3A_277 = arith.constant 1 : i32
      %sub3A_278 = arith.subi %add3A_276, %sub3A_277 : i32
      %lt3A_279 = arith.cmpi slt, %sub3A_278, %sub3A_102 : i32
      %and3A_280 = arith.andi %ge3A_274, %lt3A_279 : i1
      %convert_element_type3A_281 = arith.extui %and3A_280 : i1 to i32
      %cond3A_282 = arith.constant 0 : i32
      %cond3A_283 = arith.cmpi ne, %convert_element_type3A_281, %cond3A_282 : i32
      scf.if %cond3A_283 {
        %add3A_289 = arith.constant 4 : i32
        %add3A_290 = arith.addi %add3A_259, %add3A_289 : i32
        %sub3A_291 = arith.constant 1 : i32
        %sub3A_292 = arith.subi %add3A_290, %sub3A_291 : i32
        %mul3A_293 = arith.constant 64 : i32
        %mul3A_294 = arith.muli %sub3A_292, %mul3A_293 : i32
        %dma_start3A_295 = arith.constant 2 : i32
        %dma_start3A_296 = arith.constant 0 : i32
        %dma_start3A_297 = arith.constant 0 : i32
        %dma_start3A_298 = tpu.memref_slice %arg10[%dma_start3A_295, %dma_start3A_296, %dma_start3A_297] : memref<4x64x128xf32, #tpu.memory_space<vmem>> -> memref<1x64x128xf32, #tpu.memory_space<vmem>>
        %dma_start3A_299 = tpu.memref_squeeze %dma_start3A_298 : memref<1x64x128xf32, #tpu.memory_space<vmem>> -> memref<64x128xf32, #tpu.memory_space<vmem>>
        %dma_start3A_300 = tpu.memref_slice %arg7[%mul3A_294] : memref<10240xi32, #tpu.memory_space<vmem>> -> memref<64xi32, #tpu.memory_space<vmem>>
        %dma_start3A_301 = arith.constant 0 : i32
        %dma_start3A_302 = arith.constant 0 : i32
        %dma_start3A_303 = tpu.memref_slice %arg2[%dma_start3A_301, %dma_start3A_302] : memref<10240x128xf32, #tpu.memory_space<hbm>> -> memref<10240x128xf32, #tpu.memory_space<hbm>>
        tpu.enqueue_indirect_dma source(%dma_start3A_303 : memref<10240x128xf32, #tpu.memory_space<hbm>>) target(%dma_start3A_299 : memref<64x128xf32, #tpu.memory_space<vmem>>) offsets(%dma_start3A_300 : memref<64xi32, #tpu.memory_space<vmem>>) semaphore(%arg14 : memref<!tpu.dma_semaphore, #tpu.memory_space<semaphore_mem>>)
      } else {
      }
      %lt3A_284 = arith.cmpi slt, %add3A_259, %sub3A_102 : i32
      %convert_element_type3A_285 = arith.extui %lt3A_284 : i1 to i32
      %cond3A_286 = arith.constant 0 : i32
      %cond3A_287 = arith.cmpi ne, %convert_element_type3A_285, %cond3A_286 : i32
      scf.if %cond3A_287 {
        %mul3A_289 = arith.constant 64 : i32
        %mul3A_290 = arith.muli %add3A_259, %mul3A_289 : i32
        %dma_wait3A = arith.constant 3 : i32
        %dma_wait3A_291 = arith.constant 0 : i32
        %dma_wait3A_292 = arith.constant 0 : i32
        %dma_wait3A_293 = tpu.memref_slice %arg10[%dma_wait3A, %dma_wait3A_291, %dma_wait3A_292] : memref<4x64x128xf32, #tpu.memory_space<vmem>> -> memref<1x64x128xf32, #tpu.memory_space<vmem>>
        %dma_wait3A_294 = tpu.memref_squeeze %dma_wait3A_293 : memref<1x64x128xf32, #tpu.memory_space<vmem>> -> memref<64x128xf32, #tpu.memory_space<vmem>>
        %dma_wait3A_295 = tpu.memref_slice %arg7[%mul3A_290] : memref<10240xi32, #tpu.memory_space<vmem>> -> memref<64xi32, #tpu.memory_space<vmem>>
        %dma_wait3A_296 = arith.constant 0 : i32
        %dma_wait3A_297 = arith.constant 0 : i32
        %dma_wait3A_298 = tpu.memref_slice %arg2[%dma_wait3A_296, %dma_wait3A_297] : memref<10240x128xf32, #tpu.memory_space<hbm>> -> memref<10240x128xf32, #tpu.memory_space<hbm>>
        tpu.wait_indirect_dma semaphore(%arg15 : memref<!tpu.dma_semaphore, #tpu.memory_space<semaphore_mem>>) src(%dma_wait3A_298 : memref<10240x128xf32, #tpu.memory_space<hbm>>) dst(%dma_wait3A_294 : memref<64x128xf32, #tpu.memory_space<vmem>>)
        %add3A_299 = arith.addi %mul3A_44, %add3A_259 : i32
        %mul3A_300 = arith.constant 64 : i32
        %mul3A_301 = arith.muli %add3A_299, %mul3A_300 : i32
        %dma_wait3A_302 = tpu.memref_slice %arg4[%mul3A_301] : memref<320000xi32, #tpu.memory_space<hbm>> -> memref<64xi32, #tpu.memory_space<hbm>>
        %dma_wait3A_303 = tpu.memref_slice %arg4[%mul3A_301] : memref<320000xi32, #tpu.memory_space<hbm>> -> memref<64xi32, #tpu.memory_space<hbm>>
        tpu.wait_dma2 semaphore(%arg17 : memref<!tpu.dma_semaphore, #tpu.memory_space<semaphore_mem>>) src(%dma_wait3A_303 : memref<64xi32, #tpu.memory_space<hbm>>) dst(%arg9 : memref<64xi32, #tpu.memory_space<vmem>>)
        %dma_start3A_304 = arith.constant 3 : i32
        %dma_start3A_305 = arith.constant 0 : i32
        %dma_start3A_306 = arith.constant 0 : i32
        %dma_start3A_307 = tpu.memref_slice %arg10[%dma_start3A_304, %dma_start3A_305, %dma_start3A_306] : memref<4x64x128xf32, #tpu.memory_space<vmem>> -> memref<1x64x128xf32, #tpu.memory_space<vmem>>
        %dma_start3A_308 = tpu.memref_squeeze %dma_start3A_307 : memref<1x64x128xf32, #tpu.memory_space<vmem>> -> memref<64x128xf32, #tpu.memory_space<vmem>>
        %dma_start3A_309 = arith.constant 0 : i32
        %dma_start3A_310 = arith.constant 0 : i32
        %dma_start3A_311 = tpu.memref_slice %arg11[%dma_start3A_309, %dma_start3A_310] : memref<10240x128xf32, #tpu.memory_space<vmem_shared>> -> memref<10240x128xf32, #tpu.memory_space<vmem_shared>>
        tpu.enqueue_indirect_dma source(%dma_start3A_308 : memref<64x128xf32, #tpu.memory_space<vmem>>) target(%dma_start3A_311 : memref<10240x128xf32, #tpu.memory_space<vmem_shared>>) offsets(%arg9 : memref<64xi32, #tpu.memory_space<vmem>>) semaphore(%arg19 : memref<!tpu.dma_semaphore, #tpu.memory_space<semaphore_mem>>) {add = true}
      } else {
      }
      %scan3A_288 = arith.constant 0 : i32
      scf.yield %scan3A_288 : i32
    }
    %scan3A_157 = arith.constant 41 : i32
    %barrier3A_158 = arith.constant 0 : index
    tpu.barrier barrier_id(%barrier3A_158)
    %mul3A_159 = arith.constant 640 : i32
    %mul3A_160 = arith.muli %arg1, %mul3A_159 : i32
    %mul3A_161 = arith.constant 640 : i32
    %mul3A_162 = arith.muli %arg1, %mul3A_161 : i32
    "tpu.region"() ({
      %run_scoped3A = tpu.sem_alloc : memref<!tpu.dma_semaphore, #tpu.memory_space<semaphore_mem>>
      %dma_start3A_163 = arith.constant 0 : i32
      %dma_start3A_164 = tpu.memref_slice %arg6[%arg0, %mul3A_162, %dma_start3A_163] : memref<2x10240x128xf32, #tpu.memory_space<hbm>> -> memref<1x640x128xf32, #tpu.memory_space<hbm>>
      %dma_start3A_165 = tpu.memref_squeeze %dma_start3A_164 : memref<1x640x128xf32, #tpu.memory_space<hbm>> -> memref<640x128xf32, #tpu.memory_space<hbm>>
      %dma_start3A_166 = arith.constant 0 : i32
      %dma_start3A_167 = tpu.memref_slice %arg11[%mul3A_160, %dma_start3A_166] : memref<10240x128xf32, #tpu.memory_space<vmem_shared>> -> memref<640x128xf32, #tpu.memory_space<vmem_shared>>
      tpu.enqueue_dma source(%dma_start3A_167 : memref<640x128xf32, #tpu.memory_space<vmem_shared>>) target(%dma_start3A_165 : memref<640x128xf32, #tpu.memory_space<hbm>>) target_semaphore(%run_scoped3A : memref<!tpu.dma_semaphore, #tpu.memory_space<semaphore_mem>>)
      %dma_wait3A = arith.constant 0 : i32
      %dma_wait3A_168 = tpu.memref_slice %arg6[%arg0, %mul3A_162, %dma_wait3A] : memref<2x10240x128xf32, #tpu.memory_space<hbm>> -> memref<1x640x128xf32, #tpu.memory_space<hbm>>
      %dma_wait3A_169 = tpu.memref_squeeze %dma_wait3A_168 : memref<1x640x128xf32, #tpu.memory_space<hbm>> -> memref<640x128xf32, #tpu.memory_space<hbm>>
      %dma_wait3A_170 = arith.constant 0 : i32
      %dma_wait3A_171 = tpu.memref_slice %arg11[%mul3A_160, %dma_wait3A_170] : memref<10240x128xf32, #tpu.memory_space<vmem_shared>> -> memref<640x128xf32, #tpu.memory_space<vmem_shared>>
      tpu.wait_dma2 semaphore(%run_scoped3A : memref<!tpu.dma_semaphore, #tpu.memory_space<semaphore_mem>>) src(%dma_wait3A_171 : memref<640x128xf32, #tpu.memory_space<vmem_shared>>) dst(%dma_wait3A_169 : memref<640x128xf32, #tpu.memory_space<hbm>>)
      tpu.yield
    }) : () -> ()
    return
  }
}

#map = affine_map<(d0, d1) -> (0, 0)>
#map1 = affine_map<(d0, d1) -> (0)>
#map2 = affine_map<(d0, d1) -> (0, 0, 0)>
module attributes {stable_mosaic.version = 14 : i64} {
  func.func @_agg_body(%arg0: i32, %arg1: i32, %arg2: memref<10240x128xf32, #tpu.memory_space<hbm>>, %arg3: memref<320000xi32, #tpu.memory_space<hbm>>, %arg4: memref<320000xi32, #tpu.memory_space<hbm>>, %arg5: memref<640x128xf32, #tpu.memory_space<hbm>>, %arg6: memref<2x10240x128xf32, #tpu.memory_space<hbm>>, %arg7: memref<10240xi32, #tpu.memory_space<vmem>>, %arg8: memref<64xi32, #tpu.memory_space<vmem>>, %arg9: memref<64xi32, #tpu.memory_space<vmem>>, %arg10: memref<4x64x128xf32, #tpu.memory_space<vmem>>, %arg11: memref<10240x128xf32, #tpu.memory_space<vmem_shared>>, %arg12: memref<!tpu.dma_semaphore, #tpu.memory_space<semaphore_mem>>, %arg13: memref<!tpu.dma_semaphore, #tpu.memory_space<semaphore_mem>>, %arg14: memref<!tpu.dma_semaphore, #tpu.memory_space<semaphore_mem>>, %arg15: memref<!tpu.dma_semaphore, #tpu.memory_space<semaphore_mem>>, %arg16: memref<!tpu.dma_semaphore, #tpu.memory_space<semaphore_mem>>, %arg17: memref<!tpu.dma_semaphore, #tpu.memory_space<semaphore_mem>>, %arg18: memref<!tpu.dma_semaphore, #tpu.memory_space<semaphore_mem>>, %arg19: memref<!tpu.dma_semaphore, #tpu.memory_space<semaphore_mem>>) attributes {dimension_semantics = [#tpu.dimension_semantics<core_parallel>, #tpu.dimension_semantics<subcore_parallel>], iteration_bounds = array<i64: 2, 16>, scalar_prefetch = 0 : i64, scratch_operands = 13 : i64, tpu.core_type = #tpu.core_type<sc_vector_subcore>, window_params = [{transform_indices = #map}, {transform_indices = #map1}, {transform_indices = #map1}, {transform_indices = #map}, {transform_indices = #map2}]} {
    %mul3A = arith.constant 16 : i32
    %mul3A_0 = arith.muli %arg0, %mul3A : i32
    %add3A = arith.addi %mul3A_0, %arg1 : i32
    %mul3A_1 = arith.constant 5000 : i32
    %mul3A_2 = arith.muli %add3A, %mul3A_1 : i32
    %jit3A = arith.constant 32 : i32
    %div3A = arith.divsi %mul3A_2, %jit3A : i32
    %sign3A = arith.constant 0 : i32
    %sign3A_3 = arith.cmpi sgt, %mul3A_2, %sign3A : i32
    %sign3A_4 = arith.extui %sign3A_3 : i1 to i32
    %sign3A_5 = arith.constant 0 : i32
    %sign3A_6 = arith.cmpi slt, %mul3A_2, %sign3A_5 : i32
    %sign3A_7 = arith.extui %sign3A_6 : i1 to i32
    %sign3A_8 = arith.subi %sign3A_4, %sign3A_7 : i32
    %sign3A_9 = arith.constant 0 : i32
    %sign3A_10 = arith.cmpi sgt, %jit3A, %sign3A_9 : i32
    %sign3A_11 = arith.extui %sign3A_10 : i1 to i32
    %sign3A_12 = arith.constant 0 : i32
    %sign3A_13 = arith.cmpi slt, %jit3A, %sign3A_12 : i32
    %sign3A_14 = arith.extui %sign3A_13 : i1 to i32
    %sign3A_15 = arith.subi %sign3A_11, %sign3A_14 : i32
    %ne3A = arith.cmpi ne, %sign3A_8, %sign3A_15 : i32
    %rem3A = arith.remsi %mul3A_2, %jit3A : i32
    %ne3A_16 = arith.constant 0 : i32
    %ne3A_17 = arith.cmpi ne, %rem3A, %ne3A_16 : i32
    %and3A = arith.andi %ne3A, %ne3A_17 : i1
    %sub3A = arith.constant 1 : i32
    %sub3A_18 = arith.subi %div3A, %sub3A : i32
    %select_n3A = arith.select %and3A, %sub3A_18, %div3A : i32
    %jit3A_19 = arith.constant 8 : i32
    %div3A_20 = arith.divsi %select_n3A, %jit3A_19 : i32
    %sign3A_21 = arith.constant 0 : i32
    %sign3A_22 = arith.cmpi sgt, %select_n3A, %sign3A_21 : i32
    %sign3A_23 = arith.extui %sign3A_22 : i1 to i32
    %sign3A_24 = arith.constant 0 : i32
    %sign3A_25 = arith.cmpi slt, %select_n3A, %sign3A_24 : i32
    %sign3A_26 = arith.extui %sign3A_25 : i1 to i32
    %sign3A_27 = arith.subi %sign3A_23, %sign3A_26 : i32
    %sign3A_28 = arith.constant 0 : i32
    %sign3A_29 = arith.cmpi sgt, %jit3A_19, %sign3A_28 : i32
    %sign3A_30 = arith.extui %sign3A_29 : i1 to i32
    %sign3A_31 = arith.constant 0 : i32
    %sign3A_32 = arith.cmpi slt, %jit3A_19, %sign3A_31 : i32
    %sign3A_33 = arith.extui %sign3A_32 : i1 to i32
    %sign3A_34 = arith.subi %sign3A_30, %sign3A_33 : i32
    %ne3A_35 = arith.cmpi ne, %sign3A_27, %sign3A_34 : i32
    %rem3A_36 = arith.remsi %select_n3A, %jit3A_19 : i32
    %ne3A_37 = arith.constant 0 : i32
    %ne3A_38 = arith.cmpi ne, %rem3A_36, %ne3A_37 : i32
    %and3A_39 = arith.andi %ne3A_35, %ne3A_38 : i1
    %sub3A_40 = arith.constant 1 : i32
    %sub3A_41 = arith.subi %div3A_20, %sub3A_40 : i32
    %select_n3A_42 = arith.select %and3A_39, %sub3A_41, %div3A_20 : i32
    %mul3A_43 = arith.constant 8 : i32
    %mul3A_44 = arith.muli %select_n3A_42, %mul3A_43 : i32
    %add3A_45 = arith.constant 1 : i32
    %add3A_46 = arith.addi %add3A, %add3A_45 : i32
    %mul3A_47 = arith.constant 5000 : i32
    %mul3A_48 = arith.muli %add3A_46, %mul3A_47 : i32
    %jit3A_49 = arith.constant 32 : i32
    %div3A_50 = arith.divsi %mul3A_48, %jit3A_49 : i32
    %sign3A_51 = arith.constant 0 : i32
    %sign3A_52 = arith.cmpi sgt, %mul3A_48, %sign3A_51 : i32
    %sign3A_53 = arith.extui %sign3A_52 : i1 to i32
    %sign3A_54 = arith.constant 0 : i32
    %sign3A_55 = arith.cmpi slt, %mul3A_48, %sign3A_54 : i32
    %sign3A_56 = arith.extui %sign3A_55 : i1 to i32
    %sign3A_57 = arith.subi %sign3A_53, %sign3A_56 : i32
    %sign3A_58 = arith.constant 0 : i32
    %sign3A_59 = arith.cmpi sgt, %jit3A_49, %sign3A_58 : i32
    %sign3A_60 = arith.extui %sign3A_59 : i1 to i32
    %sign3A_61 = arith.constant 0 : i32
    %sign3A_62 = arith.cmpi slt, %jit3A_49, %sign3A_61 : i32
    %sign3A_63 = arith.extui %sign3A_62 : i1 to i32
    %sign3A_64 = arith.subi %sign3A_60, %sign3A_63 : i32
    %ne3A_65 = arith.cmpi ne, %sign3A_57, %sign3A_64 : i32
    %rem3A_66 = arith.remsi %mul3A_48, %jit3A_49 : i32
    %ne3A_67 = arith.constant 0 : i32
    %ne3A_68 = arith.cmpi ne, %rem3A_66, %ne3A_67 : i32
    %and3A_69 = arith.andi %ne3A_65, %ne3A_68 : i1
    %sub3A_70 = arith.constant 1 : i32
    %sub3A_71 = arith.subi %div3A_50, %sub3A_70 : i32
    %select_n3A_72 = arith.select %and3A_69, %sub3A_71, %div3A_50 : i32
    %jit3A_73 = arith.constant 8 : i32
    %div3A_74 = arith.divsi %select_n3A_72, %jit3A_73 : i32
    %sign3A_75 = arith.constant 0 : i32
    %sign3A_76 = arith.cmpi sgt, %select_n3A_72, %sign3A_75 : i32
    %sign3A_77 = arith.extui %sign3A_76 : i1 to i32
    %sign3A_78 = arith.constant 0 : i32
    %sign3A_79 = arith.cmpi slt, %select_n3A_72, %sign3A_78 : i32
    %sign3A_80 = arith.extui %sign3A_79 : i1 to i32
    %sign3A_81 = arith.subi %sign3A_77, %sign3A_80 : i32
    %sign3A_82 = arith.constant 0 : i32
    %sign3A_83 = arith.cmpi sgt, %jit3A_73, %sign3A_82 : i32
    %sign3A_84 = arith.extui %sign3A_83 : i1 to i32
    %sign3A_85 = arith.constant 0 : i32
    %sign3A_86 = arith.cmpi slt, %jit3A_73, %sign3A_85 : i32
    %sign3A_87 = arith.extui %sign3A_86 : i1 to i32
    %sign3A_88 = arith.subi %sign3A_84, %sign3A_87 : i32
    %ne3A_89 = arith.cmpi ne, %sign3A_81, %sign3A_88 : i32
    %rem3A_90 = arith.remsi %select_n3A_72, %jit3A_73 : i32
    %ne3A_91 = arith.constant 0 : i32
    %ne3A_92 = arith.cmpi ne, %rem3A_90, %ne3A_91 : i32
    %and3A_93 = arith.andi %ne3A_89, %ne3A_92 : i1
    %sub3A_94 = arith.constant 1 : i32
    %sub3A_95 = arith.subi %div3A_74, %sub3A_94 : i32
    %select_n3A_96 = arith.select %and3A_93, %sub3A_95, %div3A_74 : i32
    %mul3A_97 = arith.constant 8 : i32
    %mul3A_98 = arith.muli %select_n3A_96, %mul3A_97 : i32
    %eq3A = arith.constant 31 : i32
    %eq3A_99 = arith.cmpi eq, %add3A, %eq3A : i32
    %jit3A_100 = arith.constant 5000 : i32
    %select_n3A_101 = arith.select %eq3A_99, %jit3A_100, %mul3A_98 : i32
    %sub3A_102 = arith.subi %select_n3A_101, %mul3A_44 : i32
    %mul3A_103 = arith.constant 640 : i32
    %mul3A_104 = arith.muli %arg1, %mul3A_103 : i32
    "tpu.region"() ({
      %run_scoped3A = tpu.sem_alloc : memref<!tpu.dma_semaphore, #tpu.memory_space<semaphore_mem>>
      %dma_start3A_163 = arith.constant 0 : i32
      %dma_start3A_164 = tpu.memref_slice %arg11[%mul3A_104, %dma_start3A_163] : memref<10240x128xf32, #tpu.memory_space<vmem_shared>> -> memref<640x128xf32, #tpu.memory_space<vmem_shared>>
      tpu.enqueue_dma source(%arg5 : memref<640x128xf32, #tpu.memory_space<hbm>>) target(%dma_start3A_164 : memref<640x128xf32, #tpu.memory_space<vmem_shared>>) target_semaphore(%run_scoped3A : memref<!tpu.dma_semaphore, #tpu.memory_space<semaphore_mem>>)
      %dma_wait3A = arith.constant 0 : i32
      %dma_wait3A_165 = tpu.memref_slice %arg11[%mul3A_104, %dma_wait3A] : memref<10240x128xf32, #tpu.memory_space<vmem_shared>> -> memref<640x128xf32, #tpu.memory_space<vmem_shared>>
      tpu.wait_dma2 semaphore(%run_scoped3A : memref<!tpu.dma_semaphore, #tpu.memory_space<semaphore_mem>>) src(%arg5 : memref<640x128xf32, #tpu.memory_space<hbm>>) dst(%dma_wait3A_165 : memref<640x128xf32, #tpu.memory_space<vmem_shared>>)
      tpu.yield
    }) : () -> ()
    %mul3A_105 = arith.constant 64 : i32
    %mul3A_106 = arith.muli %mul3A_44, %mul3A_105 : i32
    "tpu.region"() ({
      %run_scoped3A = tpu.sem_alloc : memref<!tpu.dma_semaphore, #tpu.memory_space<semaphore_mem>>
      %dma_start3A_163 = tpu.memref_slice %arg3[%mul3A_106] : memref<320000xi32, #tpu.memory_space<hbm>> -> memref<10240xi32, #tpu.memory_space<hbm>>
      %dma_start3A_164 = tpu.memref_slice %arg3[%mul3A_106] : memref<320000xi32, #tpu.memory_space<hbm>> -> memref<10240xi32, #tpu.memory_space<hbm>>
      tpu.enqueue_dma source(%dma_start3A_164 : memref<10240xi32, #tpu.memory_space<hbm>>) target(%arg7 : memref<10240xi32, #tpu.memory_space<vmem>>) target_semaphore(%run_scoped3A : memref<!tpu.dma_semaphore, #tpu.memory_space<semaphore_mem>>)
      %dma_wait3A = tpu.memref_slice %arg3[%mul3A_106] : memref<320000xi32, #tpu.memory_space<hbm>> -> memref<10240xi32, #tpu.memory_space<hbm>>
      %dma_wait3A_165 = tpu.memref_slice %arg3[%mul3A_106] : memref<320000xi32, #tpu.memory_space<hbm>> -> memref<10240xi32, #tpu.memory_space<hbm>>
      tpu.wait_dma2 semaphore(%run_scoped3A : memref<!tpu.dma_semaphore, #tpu.memory_space<semaphore_mem>>) src(%dma_wait3A_165 : memref<10240xi32, #tpu.memory_space<hbm>>) dst(%arg7 : memref<10240xi32, #tpu.memory_space<vmem>>)
      tpu.yield
    }) : () -> ()
    %barrier3A = arith.constant 0 : index
    tpu.barrier barrier_id(%barrier3A)
    %add3A_107 = arith.constant 0 : i32
    %add3A_108 = arith.addi %mul3A_44, %add3A_107 : i32
    %mul3A_109 = arith.constant 64 : i32
    %mul3A_110 = arith.muli %add3A_108, %mul3A_109 : i32
    %dma_start3A = tpu.memref_slice %arg4[%mul3A_110] : memref<320000xi32, #tpu.memory_space<hbm>> -> memref<64xi32, #tpu.memory_space<hbm>>
    %dma_start3A_111 = tpu.memref_slice %arg4[%mul3A_110] : memref<320000xi32, #tpu.memory_space<hbm>> -> memref<64xi32, #tpu.memory_space<hbm>>
    tpu.enqueue_dma source(%dma_start3A_111 : memref<64xi32, #tpu.memory_space<hbm>>) target(%arg8 : memref<64xi32, #tpu.memory_space<vmem>>) target_semaphore(%arg16 : memref<!tpu.dma_semaphore, #tpu.memory_space<semaphore_mem>>)
    %dma_start3A_112 = arith.constant 0 : i32
    %dma_start3A_113 = arith.constant 0 : i32
    %dma_start3A_114 = arith.constant 0 : i32
    %dma_start3A_115 = tpu.memref_slice %arg10[%dma_start3A_112, %dma_start3A_113, %dma_start3A_114] : memref<4x64x128xf32, #tpu.memory_space<vmem>> -> memref<1x64x128xf32, #tpu.memory_space<vmem>>
    %dma_start3A_116 = tpu.memref_squeeze %dma_start3A_115 : memref<1x64x128xf32, #tpu.memory_space<vmem>> -> memref<64x128xf32, #tpu.memory_space<vmem>>
    %dma_start3A_117 = arith.constant 0 : i32
    %dma_start3A_118 = tpu.memref_slice %arg7[%dma_start3A_117] : memref<10240xi32, #tpu.memory_space<vmem>> -> memref<64xi32, #tpu.memory_space<vmem>>
    %dma_start3A_119 = arith.constant 0 : i32
    %dma_start3A_120 = arith.constant 0 : i32
    %dma_start3A_121 = tpu.memref_slice %arg2[%dma_start3A_119, %dma_start3A_120] : memref<10240x128xf32, #tpu.memory_space<hbm>> -> memref<10240x128xf32, #tpu.memory_space<hbm>>
    tpu.enqueue_indirect_dma source(%dma_start3A_121 : memref<10240x128xf32, #tpu.memory_space<hbm>>) target(%dma_start3A_116 : memref<64x128xf32, #tpu.memory_space<vmem>>) offsets(%dma_start3A_118 : memref<64xi32, #tpu.memory_space<vmem>>) semaphore(%arg12 : memref<!tpu.dma_semaphore, #tpu.memory_space<semaphore_mem>>)
    %dma_start3A_122 = arith.constant 1 : i32
    %dma_start3A_123 = arith.constant 0 : i32
    %dma_start3A_124 = arith.constant 0 : i32
    %dma_start3A_125 = tpu.memref_slice %arg10[%dma_start3A_122, %dma_start3A_123, %dma_start3A_124] : memref<4x64x128xf32, #tpu.memory_space<vmem>> -> memref<1x64x128xf32, #tpu.memory_space<vmem>>
    %dma_start3A_126 = tpu.memref_squeeze %dma_start3A_125 : memref<1x64x128xf32, #tpu.memory_space<vmem>> -> memref<64x128xf32, #tpu.memory_space<vmem>>
    %dma_start3A_127 = arith.constant 64 : i32
    %dma_start3A_128 = tpu.memref_slice %arg7[%dma_start3A_127] : memref<10240xi32, #tpu.memory_space<vmem>> -> memref<64xi32, #tpu.memory_space<vmem>>
    %dma_start3A_129 = arith.constant 0 : i32
    %dma_start3A_130 = arith.constant 0 : i32
    %dma_start3A_131 = tpu.memref_slice %arg2[%dma_start3A_129, %dma_start3A_130] : memref<10240x128xf32, #tpu.memory_space<hbm>> -> memref<10240x128xf32, #tpu.memory_space<hbm>>
    tpu.enqueue_indirect_dma source(%dma_start3A_131 : memref<10240x128xf32, #tpu.memory_space<hbm>>) target(%dma_start3A_126 : memref<64x128xf32, #tpu.memory_space<vmem>>) offsets(%dma_start3A_128 : memref<64xi32, #tpu.memory_space<vmem>>) semaphore(%arg13 : memref<!tpu.dma_semaphore, #tpu.memory_space<semaphore_mem>>)
    %dma_start3A_132 = arith.constant 2 : i32
    %dma_start3A_133 = arith.constant 0 : i32
    %dma_start3A_134 = arith.constant 0 : i32
    %dma_start3A_135 = tpu.memref_slice %arg10[%dma_start3A_132, %dma_start3A_133, %dma_start3A_134] : memref<4x64x128xf32, #tpu.memory_space<vmem>> -> memref<1x64x128xf32, #tpu.memory_space<vmem>>
    %dma_start3A_136 = tpu.memref_squeeze %dma_start3A_135 : memref<1x64x128xf32, #tpu.memory_space<vmem>> -> memref<64x128xf32, #tpu.memory_space<vmem>>
    %dma_start3A_137 = arith.constant 128 : i32
    %dma_start3A_138 = tpu.memref_slice %arg7[%dma_start3A_137] : memref<10240xi32, #tpu.memory_space<vmem>> -> memref<64xi32, #tpu.memory_space<vmem>>
    %dma_start3A_139 = arith.constant 0 : i32
    %dma_start3A_140 = arith.constant 0 : i32
    %dma_start3A_141 = tpu.memref_slice %arg2[%dma_start3A_139, %dma_start3A_140] : memref<10240x128xf32, #tpu.memory_space<hbm>> -> memref<10240x128xf32, #tpu.memory_space<hbm>>
    tpu.enqueue_indirect_dma source(%dma_start3A_141 : memref<10240x128xf32, #tpu.memory_space<hbm>>) target(%dma_start3A_136 : memref<64x128xf32, #tpu.memory_space<vmem>>) offsets(%dma_start3A_138 : memref<64xi32, #tpu.memory_space<vmem>>) semaphore(%arg14 : memref<!tpu.dma_semaphore, #tpu.memory_space<semaphore_mem>>)
    %dma_start3A_142 = arith.constant 3 : i32
    %dma_start3A_143 = arith.constant 0 : i32
    %dma_start3A_144 = arith.constant 0 : i32
    %dma_start3A_145 = tpu.memref_slice %arg10[%dma_start3A_142, %dma_start3A_143, %dma_start3A_144] : memref<4x64x128xf32, #tpu.memory_space<vmem>> -> memref<1x64x128xf32, #tpu.memory_space<vmem>>
    %dma_start3A_146 = tpu.memref_squeeze %dma_start3A_145 : memref<1x64x128xf32, #tpu.memory_space<vmem>> -> memref<64x128xf32, #tpu.memory_space<vmem>>
    %dma_start3A_147 = arith.constant 192 : i32
    %dma_start3A_148 = tpu.memref_slice %arg7[%dma_start3A_147] : memref<10240xi32, #tpu.memory_space<vmem>> -> memref<64xi32, #tpu.memory_space<vmem>>
    %dma_start3A_149 = arith.constant 0 : i32
    %dma_start3A_150 = arith.constant 0 : i32
    %dma_start3A_151 = tpu.memref_slice %arg2[%dma_start3A_149, %dma_start3A_150] : memref<10240x128xf32, #tpu.memory_space<hbm>> -> memref<10240x128xf32, #tpu.memory_space<hbm>>
    tpu.enqueue_indirect_dma source(%dma_start3A_151 : memref<10240x128xf32, #tpu.memory_space<hbm>>) target(%dma_start3A_146 : memref<64x128xf32, #tpu.memory_space<vmem>>) offsets(%dma_start3A_148 : memref<64xi32, #tpu.memory_space<vmem>>) semaphore(%arg15 : memref<!tpu.dma_semaphore, #tpu.memory_space<semaphore_mem>>)
    %scan3A = arith.constant 0 : i32
    %scan3A_152 = arith.constant 0 : i32
    %scan3A_153 = arith.constant 41 : i32
    %scan3A_154 = arith.addi %scan3A_152, %scan3A_153 : i32
    %scan3A_155 = arith.constant 1 : i32
    %scan3A_156 = scf.for %scan3A_163 = %scan3A_152 to %scan3A_154 step %scan3A_155 iter_args(%scan3A_164 = %scan3A) -> (i32)  : i32 {
      %mul3A_165 = arith.constant 4 : i32
      %mul3A_166 = arith.muli %scan3A_163, %mul3A_165 : i32
      %add3A_167 = arith.constant 0 : i32
      %add3A_168 = arith.addi %mul3A_166, %add3A_167 : i32
      %ge3A = arith.constant 1 : i32
      %ge3A_169 = arith.cmpi sge, %add3A_168, %ge3A : i32
      %le3A = arith.cmpi sle, %add3A_168, %sub3A_102 : i32
      %and3A_170 = arith.andi %ge3A_169, %le3A : i1
      %convert_element_type3A = arith.extui %and3A_170 : i1 to i32
      %cond3A = arith.constant 0 : i32
      %cond3A_171 = arith.cmpi ne, %convert_element_type3A, %cond3A : i32
      scf.if %cond3A_171 {
        %dma_wait3A = arith.constant 3 : i32
        %dma_wait3A_289 = arith.constant 0 : i32
        %dma_wait3A_290 = arith.constant 0 : i32
        %dma_wait3A_291 = tpu.memref_slice %arg10[%dma_wait3A, %dma_wait3A_289, %dma_wait3A_290] : memref<4x64x128xf32, #tpu.memory_space<vmem>> -> memref<1x64x128xf32, #tpu.memory_space<vmem>>
        %dma_wait3A_292 = tpu.memref_squeeze %dma_wait3A_291 : memref<1x64x128xf32, #tpu.memory_space<vmem>> -> memref<64x128xf32, #tpu.memory_space<vmem>>
        %dma_wait3A_293 = arith.constant 0 : i32
        %dma_wait3A_294 = arith.constant 0 : i32
        %dma_wait3A_295 = tpu.memref_slice %arg11[%dma_wait3A_293, %dma_wait3A_294] : memref<10240x128xf32, #tpu.memory_space<vmem_shared>> -> memref<10240x128xf32, #tpu.memory_space<vmem_shared>>
        tpu.wait_indirect_dma semaphore(%arg19 : memref<!tpu.dma_semaphore, #tpu.memory_space<semaphore_mem>>) src(%dma_wait3A_292 : memref<64x128xf32, #tpu.memory_space<vmem>>) dst(%dma_wait3A_295 : memref<10240x128xf32, #tpu.memory_space<vmem_shared>>)
      } else {
      }
      %add3A_172 = arith.constant 1 : i32
      %add3A_173 = arith.addi %add3A_168, %add3A_172 : i32
      %lt3A = arith.cmpi slt, %add3A_173, %sub3A_102 : i32
      %convert_element_type3A_174 = arith.extui %lt3A : i1 to i32
      %cond3A_175 = arith.constant 0 : i32
      %cond3A_176 = arith.cmpi ne, %convert_element_type3A_174, %cond3A_175 : i32
      scf.if %cond3A_176 {
        %add3A_289 = arith.constant 1 : i32
        %add3A_290 = arith.addi %add3A_168, %add3A_289 : i32
        %add3A_291 = arith.addi %mul3A_44, %add3A_290 : i32
        %mul3A_292 = arith.constant 64 : i32
        %mul3A_293 = arith.muli %add3A_291, %mul3A_292 : i32
        %dma_start3A_294 = tpu.memref_slice %arg4[%mul3A_293] : memref<320000xi32, #tpu.memory_space<hbm>> -> memref<64xi32, #tpu.memory_space<hbm>>
        %dma_start3A_295 = tpu.memref_slice %arg4[%mul3A_293] : memref<320000xi32, #tpu.memory_space<hbm>> -> memref<64xi32, #tpu.memory_space<hbm>>
        tpu.enqueue_dma source(%dma_start3A_295 : memref<64xi32, #tpu.memory_space<hbm>>) target(%arg9 : memref<64xi32, #tpu.memory_space<vmem>>) target_semaphore(%arg17 : memref<!tpu.dma_semaphore, #tpu.memory_space<semaphore_mem>>)
      } else {
      }
      %ge3A_177 = arith.constant 1 : i32
      %ge3A_178 = arith.cmpi sge, %add3A_168, %ge3A_177 : i32
      %add3A_179 = arith.constant 4 : i32
      %add3A_180 = arith.addi %add3A_168, %add3A_179 : i32
      %sub3A_181 = arith.constant 1 : i32
      %sub3A_182 = arith.subi %add3A_180, %sub3A_181 : i32
      %lt3A_183 = arith.cmpi slt, %sub3A_182, %sub3A_102 : i32
      %and3A_184 = arith.andi %ge3A_178, %lt3A_183 : i1
      %convert_element_type3A_185 = arith.extui %and3A_184 : i1 to i32
      %cond3A_186 = arith.constant 0 : i32
      %cond3A_187 = arith.cmpi ne, %convert_element_type3A_185, %cond3A_186 : i32
      scf.if %cond3A_187 {
        %add3A_289 = arith.constant 4 : i32
        %add3A_290 = arith.addi %add3A_168, %add3A_289 : i32
        %sub3A_291 = arith.constant 1 : i32
        %sub3A_292 = arith.subi %add3A_290, %sub3A_291 : i32
        %mul3A_293 = arith.constant 64 : i32
        %mul3A_294 = arith.muli %sub3A_292, %mul3A_293 : i32
        %dma_start3A_295 = arith.constant 3 : i32
        %dma_start3A_296 = arith.constant 0 : i32
        %dma_start3A_297 = arith.constant 0 : i32
        %dma_start3A_298 = tpu.memref_slice %arg10[%dma_start3A_295, %dma_start3A_296, %dma_start3A_297] : memref<4x64x128xf32, #tpu.memory_space<vmem>> -> memref<1x64x128xf32, #tpu.memory_space<vmem>>
        %dma_start3A_299 = tpu.memref_squeeze %dma_start3A_298 : memref<1x64x128xf32, #tpu.memory_space<vmem>> -> memref<64x128xf32, #tpu.memory_space<vmem>>
        %dma_start3A_300 = tpu.memref_slice %arg7[%mul3A_294] : memref<10240xi32, #tpu.memory_space<vmem>> -> memref<64xi32, #tpu.memory_space<vmem>>
        %dma_start3A_301 = arith.constant 0 : i32
        %dma_start3A_302 = arith.constant 0 : i32
        %dma_start3A_303 = tpu.memref_slice %arg2[%dma_start3A_301, %dma_start3A_302] : memref<10240x128xf32, #tpu.memory_space<hbm>> -> memref<10240x128xf32, #tpu.memory_space<hbm>>
        tpu.enqueue_indirect_dma source(%dma_start3A_303 : memref<10240x128xf32, #tpu.memory_space<hbm>>) target(%dma_start3A_299 : memref<64x128xf32, #tpu.memory_space<vmem>>) offsets(%dma_start3A_300 : memref<64xi32, #tpu.memory_space<vmem>>) semaphore(%arg15 : memref<!tpu.dma_semaphore, #tpu.memory_space<semaphore_mem>>)
      } else {
      }
      %lt3A_188 = arith.cmpi slt, %add3A_168, %sub3A_102 : i32
      %convert_element_type3A_189 = arith.extui %lt3A_188 : i1 to i32
      %cond3A_190 = arith.constant 0 : i32
      %cond3A_191 = arith.cmpi ne, %convert_element_type3A_189, %cond3A_190 : i32
      scf.if %cond3A_191 {
        %mul3A_289 = arith.constant 64 : i32
        %mul3A_290 = arith.muli %add3A_168, %mul3A_289 : i32
        %dma_wait3A = arith.constant 0 : i32
        %dma_wait3A_291 = arith.constant 0 : i32
        %dma_wait3A_292 = arith.constant 0 : i32
        %dma_wait3A_293 = tpu.memref_slice %arg10[%dma_wait3A, %dma_wait3A_291, %dma_wait3A_292] : memref<4x64x128xf32, #tpu.memory_space<vmem>> -> memref<1x64x128xf32, #tpu.memory_space<vmem>>
        %dma_wait3A_294 = tpu.memref_squeeze %dma_wait3A_293 : memref<1x64x128xf32, #tpu.memory_space<vmem>> -> memref<64x128xf32, #tpu.memory_space<vmem>>
        %dma_wait3A_295 = tpu.memref_slice %arg7[%mul3A_290] : memref<10240xi32, #tpu.memory_space<vmem>> -> memref<64xi32, #tpu.memory_space<vmem>>
        %dma_wait3A_296 = arith.constant 0 : i32
        %dma_wait3A_297 = arith.constant 0 : i32
        %dma_wait3A_298 = tpu.memref_slice %arg2[%dma_wait3A_296, %dma_wait3A_297] : memref<10240x128xf32, #tpu.memory_space<hbm>> -> memref<10240x128xf32, #tpu.memory_space<hbm>>
        tpu.wait_indirect_dma semaphore(%arg12 : memref<!tpu.dma_semaphore, #tpu.memory_space<semaphore_mem>>) src(%dma_wait3A_298 : memref<10240x128xf32, #tpu.memory_space<hbm>>) dst(%dma_wait3A_294 : memref<64x128xf32, #tpu.memory_space<vmem>>)
        %add3A_299 = arith.addi %mul3A_44, %add3A_168 : i32
        %mul3A_300 = arith.constant 64 : i32
        %mul3A_301 = arith.muli %add3A_299, %mul3A_300 : i32
        %dma_wait3A_302 = tpu.memref_slice %arg4[%mul3A_301] : memref<320000xi32, #tpu.memory_space<hbm>> -> memref<64xi32, #tpu.memory_space<hbm>>
        %dma_wait3A_303 = tpu.memref_slice %arg4[%mul3A_301] : memref<320000xi32, #tpu.memory_space<hbm>> -> memref<64xi32, #tpu.memory_space<hbm>>
        tpu.wait_dma2 semaphore(%arg16 : memref<!tpu.dma_semaphore, #tpu.memory_space<semaphore_mem>>) src(%dma_wait3A_303 : memref<64xi32, #tpu.memory_space<hbm>>) dst(%arg8 : memref<64xi32, #tpu.memory_space<vmem>>)
        %dma_start3A_304 = arith.constant 0 : i32
        %dma_start3A_305 = arith.constant 0 : i32
        %dma_start3A_306 = arith.constant 0 : i32
        %dma_start3A_307 = tpu.memref_slice %arg10[%dma_start3A_304, %dma_start3A_305, %dma_start3A_306] : memref<4x64x128xf32, #tpu.memory_space<vmem>> -> memref<1x64x128xf32, #tpu.memory_space<vmem>>
        %dma_start3A_308 = tpu.memref_squeeze %dma_start3A_307 : memref<1x64x128xf32, #tpu.memory_space<vmem>> -> memref<64x128xf32, #tpu.memory_space<vmem>>
        %dma_start3A_309 = arith.constant 0 : i32
        %dma_start3A_310 = arith.constant 0 : i32
        %dma_start3A_311 = tpu.memref_slice %arg11[%dma_start3A_309, %dma_start3A_310] : memref<10240x128xf32, #tpu.memory_space<vmem_shared>> -> memref<10240x128xf32, #tpu.memory_space<vmem_shared>>
        tpu.enqueue_indirect_dma source(%dma_start3A_308 : memref<64x128xf32, #tpu.memory_space<vmem>>) target(%dma_start3A_311 : memref<10240x128xf32, #tpu.memory_space<vmem_shared>>) offsets(%arg8 : memref<64xi32, #tpu.memory_space<vmem>>) semaphore(%arg18 : memref<!tpu.dma_semaphore, #tpu.memory_space<semaphore_mem>>) {add = true}
      } else {
      }
      %mul3A_192 = arith.constant 4 : i32
      %mul3A_193 = arith.muli %scan3A_163, %mul3A_192 : i32
      %add3A_194 = arith.constant 1 : i32
      %add3A_195 = arith.addi %mul3A_193, %add3A_194 : i32
      %ge3A_196 = arith.constant 1 : i32
      %ge3A_197 = arith.cmpi sge, %add3A_195, %ge3A_196 : i32
      %le3A_198 = arith.cmpi sle, %add3A_195, %sub3A_102 : i32
      %and3A_199 = arith.andi %ge3A_197, %le3A_198 : i1
      %convert_element_type3A_200 = arith.extui %and3A_199 : i1 to i32
      %cond3A_201 = arith.constant 0 : i32
      %cond3A_202 = arith.cmpi ne, %convert_element_type3A_200, %cond3A_201 : i32
      scf.if %cond3A_202 {
        %dma_wait3A = arith.constant 0 : i32
        %dma_wait3A_289 = arith.constant 0 : i32
        %dma_wait3A_290 = arith.constant 0 : i32
        %dma_wait3A_291 = tpu.memref_slice %arg10[%dma_wait3A, %dma_wait3A_289, %dma_wait3A_290] : memref<4x64x128xf32, #tpu.memory_space<vmem>> -> memref<1x64x128xf32, #tpu.memory_space<vmem>>
        %dma_wait3A_292 = tpu.memref_squeeze %dma_wait3A_291 : memref<1x64x128xf32, #tpu.memory_space<vmem>> -> memref<64x128xf32, #tpu.memory_space<vmem>>
        %dma_wait3A_293 = arith.constant 0 : i32
        %dma_wait3A_294 = arith.constant 0 : i32
        %dma_wait3A_295 = tpu.memref_slice %arg11[%dma_wait3A_293, %dma_wait3A_294] : memref<10240x128xf32, #tpu.memory_space<vmem_shared>> -> memref<10240x128xf32, #tpu.memory_space<vmem_shared>>
        tpu.wait_indirect_dma semaphore(%arg18 : memref<!tpu.dma_semaphore, #tpu.memory_space<semaphore_mem>>) src(%dma_wait3A_292 : memref<64x128xf32, #tpu.memory_space<vmem>>) dst(%dma_wait3A_295 : memref<10240x128xf32, #tpu.memory_space<vmem_shared>>)
      } else {
      }
      %add3A_203 = arith.constant 1 : i32
      %add3A_204 = arith.addi %add3A_195, %add3A_203 : i32
      %lt3A_205 = arith.cmpi slt, %add3A_204, %sub3A_102 : i32
      %convert_element_type3A_206 = arith.extui %lt3A_205 : i1 to i32
      %cond3A_207 = arith.constant 0 : i32
      %cond3A_208 = arith.cmpi ne, %convert_element_type3A_206, %cond3A_207 : i32
      scf.if %cond3A_208 {
        %add3A_289 = arith.constant 1 : i32
        %add3A_290 = arith.addi %add3A_195, %add3A_289 : i32
        %add3A_291 = arith.addi %mul3A_44, %add3A_290 : i32
        %mul3A_292 = arith.constant 64 : i32
        %mul3A_293 = arith.muli %add3A_291, %mul3A_292 : i32
        %dma_start3A_294 = tpu.memref_slice %arg4[%mul3A_293] : memref<320000xi32, #tpu.memory_space<hbm>> -> memref<64xi32, #tpu.memory_space<hbm>>
        %dma_start3A_295 = tpu.memref_slice %arg4[%mul3A_293] : memref<320000xi32, #tpu.memory_space<hbm>> -> memref<64xi32, #tpu.memory_space<hbm>>
        tpu.enqueue_dma source(%dma_start3A_295 : memref<64xi32, #tpu.memory_space<hbm>>) target(%arg8 : memref<64xi32, #tpu.memory_space<vmem>>) target_semaphore(%arg16 : memref<!tpu.dma_semaphore, #tpu.memory_space<semaphore_mem>>)
      } else {
      }
      %ge3A_209 = arith.constant 1 : i32
      %ge3A_210 = arith.cmpi sge, %add3A_195, %ge3A_209 : i32
      %add3A_211 = arith.constant 4 : i32
      %add3A_212 = arith.addi %add3A_195, %add3A_211 : i32
      %sub3A_213 = arith.constant 1 : i32
      %sub3A_214 = arith.subi %add3A_212, %sub3A_213 : i32
      %lt3A_215 = arith.cmpi slt, %sub3A_214, %sub3A_102 : i32
      %and3A_216 = arith.andi %ge3A_210, %lt3A_215 : i1
      %convert_element_type3A_217 = arith.extui %and3A_216 : i1 to i32
      %cond3A_218 = arith.constant 0 : i32
      %cond3A_219 = arith.cmpi ne, %convert_element_type3A_217, %cond3A_218 : i32
      scf.if %cond3A_219 {
        %add3A_289 = arith.constant 4 : i32
        %add3A_290 = arith.addi %add3A_195, %add3A_289 : i32
        %sub3A_291 = arith.constant 1 : i32
        %sub3A_292 = arith.subi %add3A_290, %sub3A_291 : i32
        %mul3A_293 = arith.constant 64 : i32
        %mul3A_294 = arith.muli %sub3A_292, %mul3A_293 : i32
        %dma_start3A_295 = arith.constant 0 : i32
        %dma_start3A_296 = arith.constant 0 : i32
        %dma_start3A_297 = arith.constant 0 : i32
        %dma_start3A_298 = tpu.memref_slice %arg10[%dma_start3A_295, %dma_start3A_296, %dma_start3A_297] : memref<4x64x128xf32, #tpu.memory_space<vmem>> -> memref<1x64x128xf32, #tpu.memory_space<vmem>>
        %dma_start3A_299 = tpu.memref_squeeze %dma_start3A_298 : memref<1x64x128xf32, #tpu.memory_space<vmem>> -> memref<64x128xf32, #tpu.memory_space<vmem>>
        %dma_start3A_300 = tpu.memref_slice %arg7[%mul3A_294] : memref<10240xi32, #tpu.memory_space<vmem>> -> memref<64xi32, #tpu.memory_space<vmem>>
        %dma_start3A_301 = arith.constant 0 : i32
        %dma_start3A_302 = arith.constant 0 : i32
        %dma_start3A_303 = tpu.memref_slice %arg2[%dma_start3A_301, %dma_start3A_302] : memref<10240x128xf32, #tpu.memory_space<hbm>> -> memref<10240x128xf32, #tpu.memory_space<hbm>>
        tpu.enqueue_indirect_dma source(%dma_start3A_303 : memref<10240x128xf32, #tpu.memory_space<hbm>>) target(%dma_start3A_299 : memref<64x128xf32, #tpu.memory_space<vmem>>) offsets(%dma_start3A_300 : memref<64xi32, #tpu.memory_space<vmem>>) semaphore(%arg12 : memref<!tpu.dma_semaphore, #tpu.memory_space<semaphore_mem>>)
      } else {
      }
      %lt3A_220 = arith.cmpi slt, %add3A_195, %sub3A_102 : i32
      %convert_element_type3A_221 = arith.extui %lt3A_220 : i1 to i32
      %cond3A_222 = arith.constant 0 : i32
      %cond3A_223 = arith.cmpi ne, %convert_element_type3A_221, %cond3A_222 : i32
      scf.if %cond3A_223 {
        %mul3A_289 = arith.constant 64 : i32
        %mul3A_290 = arith.muli %add3A_195, %mul3A_289 : i32
        %dma_wait3A = arith.constant 1 : i32
        %dma_wait3A_291 = arith.constant 0 : i32
        %dma_wait3A_292 = arith.constant 0 : i32
        %dma_wait3A_293 = tpu.memref_slice %arg10[%dma_wait3A, %dma_wait3A_291, %dma_wait3A_292] : memref<4x64x128xf32, #tpu.memory_space<vmem>> -> memref<1x64x128xf32, #tpu.memory_space<vmem>>
        %dma_wait3A_294 = tpu.memref_squeeze %dma_wait3A_293 : memref<1x64x128xf32, #tpu.memory_space<vmem>> -> memref<64x128xf32, #tpu.memory_space<vmem>>
        %dma_wait3A_295 = tpu.memref_slice %arg7[%mul3A_290] : memref<10240xi32, #tpu.memory_space<vmem>> -> memref<64xi32, #tpu.memory_space<vmem>>
        %dma_wait3A_296 = arith.constant 0 : i32
        %dma_wait3A_297 = arith.constant 0 : i32
        %dma_wait3A_298 = tpu.memref_slice %arg2[%dma_wait3A_296, %dma_wait3A_297] : memref<10240x128xf32, #tpu.memory_space<hbm>> -> memref<10240x128xf32, #tpu.memory_space<hbm>>
        tpu.wait_indirect_dma semaphore(%arg13 : memref<!tpu.dma_semaphore, #tpu.memory_space<semaphore_mem>>) src(%dma_wait3A_298 : memref<10240x128xf32, #tpu.memory_space<hbm>>) dst(%dma_wait3A_294 : memref<64x128xf32, #tpu.memory_space<vmem>>)
        %add3A_299 = arith.addi %mul3A_44, %add3A_195 : i32
        %mul3A_300 = arith.constant 64 : i32
        %mul3A_301 = arith.muli %add3A_299, %mul3A_300 : i32
        %dma_wait3A_302 = tpu.memref_slice %arg4[%mul3A_301] : memref<320000xi32, #tpu.memory_space<hbm>> -> memref<64xi32, #tpu.memory_space<hbm>>
        %dma_wait3A_303 = tpu.memref_slice %arg4[%mul3A_301] : memref<320000xi32, #tpu.memory_space<hbm>> -> memref<64xi32, #tpu.memory_space<hbm>>
        tpu.wait_dma2 semaphore(%arg17 : memref<!tpu.dma_semaphore, #tpu.memory_space<semaphore_mem>>) src(%dma_wait3A_303 : memref<64xi32, #tpu.memory_space<hbm>>) dst(%arg9 : memref<64xi32, #tpu.memory_space<vmem>>)
        %dma_start3A_304 = arith.constant 1 : i32
        %dma_start3A_305 = arith.constant 0 : i32
        %dma_start3A_306 = arith.constant 0 : i32
        %dma_start3A_307 = tpu.memref_slice %arg10[%dma_start3A_304, %dma_start3A_305, %dma_start3A_306] : memref<4x64x128xf32, #tpu.memory_space<vmem>> -> memref<1x64x128xf32, #tpu.memory_space<vmem>>
        %dma_start3A_308 = tpu.memref_squeeze %dma_start3A_307 : memref<1x64x128xf32, #tpu.memory_space<vmem>> -> memref<64x128xf32, #tpu.memory_space<vmem>>
        %dma_start3A_309 = arith.constant 0 : i32
        %dma_start3A_310 = arith.constant 0 : i32
        %dma_start3A_311 = tpu.memref_slice %arg11[%dma_start3A_309, %dma_start3A_310] : memref<10240x128xf32, #tpu.memory_space<vmem_shared>> -> memref<10240x128xf32, #tpu.memory_space<vmem_shared>>
        tpu.enqueue_indirect_dma source(%dma_start3A_308 : memref<64x128xf32, #tpu.memory_space<vmem>>) target(%dma_start3A_311 : memref<10240x128xf32, #tpu.memory_space<vmem_shared>>) offsets(%arg9 : memref<64xi32, #tpu.memory_space<vmem>>) semaphore(%arg19 : memref<!tpu.dma_semaphore, #tpu.memory_space<semaphore_mem>>) {add = true}
      } else {
      }
      %mul3A_224 = arith.constant 4 : i32
      %mul3A_225 = arith.muli %scan3A_163, %mul3A_224 : i32
      %add3A_226 = arith.constant 2 : i32
      %add3A_227 = arith.addi %mul3A_225, %add3A_226 : i32
      %ge3A_228 = arith.constant 1 : i32
      %ge3A_229 = arith.cmpi sge, %add3A_227, %ge3A_228 : i32
      %le3A_230 = arith.cmpi sle, %add3A_227, %sub3A_102 : i32
      %and3A_231 = arith.andi %ge3A_229, %le3A_230 : i1
      %convert_element_type3A_232 = arith.extui %and3A_231 : i1 to i32
      %cond3A_233 = arith.constant 0 : i32
      %cond3A_234 = arith.cmpi ne, %convert_element_type3A_232, %cond3A_233 : i32
      scf.if %cond3A_234 {
        %dma_wait3A = arith.constant 1 : i32
        %dma_wait3A_289 = arith.constant 0 : i32
        %dma_wait3A_290 = arith.constant 0 : i32
        %dma_wait3A_291 = tpu.memref_slice %arg10[%dma_wait3A, %dma_wait3A_289, %dma_wait3A_290] : memref<4x64x128xf32, #tpu.memory_space<vmem>> -> memref<1x64x128xf32, #tpu.memory_space<vmem>>
        %dma_wait3A_292 = tpu.memref_squeeze %dma_wait3A_291 : memref<1x64x128xf32, #tpu.memory_space<vmem>> -> memref<64x128xf32, #tpu.memory_space<vmem>>
        %dma_wait3A_293 = arith.constant 0 : i32
        %dma_wait3A_294 = arith.constant 0 : i32
        %dma_wait3A_295 = tpu.memref_slice %arg11[%dma_wait3A_293, %dma_wait3A_294] : memref<10240x128xf32, #tpu.memory_space<vmem_shared>> -> memref<10240x128xf32, #tpu.memory_space<vmem_shared>>
        tpu.wait_indirect_dma semaphore(%arg19 : memref<!tpu.dma_semaphore, #tpu.memory_space<semaphore_mem>>) src(%dma_wait3A_292 : memref<64x128xf32, #tpu.memory_space<vmem>>) dst(%dma_wait3A_295 : memref<10240x128xf32, #tpu.memory_space<vmem_shared>>)
      } else {
      }
      %add3A_235 = arith.constant 1 : i32
      %add3A_236 = arith.addi %add3A_227, %add3A_235 : i32
      %lt3A_237 = arith.cmpi slt, %add3A_236, %sub3A_102 : i32
      %convert_element_type3A_238 = arith.extui %lt3A_237 : i1 to i32
      %cond3A_239 = arith.constant 0 : i32
      %cond3A_240 = arith.cmpi ne, %convert_element_type3A_238, %cond3A_239 : i32
      scf.if %cond3A_240 {
        %add3A_289 = arith.constant 1 : i32
        %add3A_290 = arith.addi %add3A_227, %add3A_289 : i32
        %add3A_291 = arith.addi %mul3A_44, %add3A_290 : i32
        %mul3A_292 = arith.constant 64 : i32
        %mul3A_293 = arith.muli %add3A_291, %mul3A_292 : i32
        %dma_start3A_294 = tpu.memref_slice %arg4[%mul3A_293] : memref<320000xi32, #tpu.memory_space<hbm>> -> memref<64xi32, #tpu.memory_space<hbm>>
        %dma_start3A_295 = tpu.memref_slice %arg4[%mul3A_293] : memref<320000xi32, #tpu.memory_space<hbm>> -> memref<64xi32, #tpu.memory_space<hbm>>
        tpu.enqueue_dma source(%dma_start3A_295 : memref<64xi32, #tpu.memory_space<hbm>>) target(%arg9 : memref<64xi32, #tpu.memory_space<vmem>>) target_semaphore(%arg17 : memref<!tpu.dma_semaphore, #tpu.memory_space<semaphore_mem>>)
      } else {
      }
      %ge3A_241 = arith.constant 1 : i32
      %ge3A_242 = arith.cmpi sge, %add3A_227, %ge3A_241 : i32
      %add3A_243 = arith.constant 4 : i32
      %add3A_244 = arith.addi %add3A_227, %add3A_243 : i32
      %sub3A_245 = arith.constant 1 : i32
      %sub3A_246 = arith.subi %add3A_244, %sub3A_245 : i32
      %lt3A_247 = arith.cmpi slt, %sub3A_246, %sub3A_102 : i32
      %and3A_248 = arith.andi %ge3A_242, %lt3A_247 : i1
      %convert_element_type3A_249 = arith.extui %and3A_248 : i1 to i32
      %cond3A_250 = arith.constant 0 : i32
      %cond3A_251 = arith.cmpi ne, %convert_element_type3A_249, %cond3A_250 : i32
      scf.if %cond3A_251 {
        %add3A_289 = arith.constant 4 : i32
        %add3A_290 = arith.addi %add3A_227, %add3A_289 : i32
        %sub3A_291 = arith.constant 1 : i32
        %sub3A_292 = arith.subi %add3A_290, %sub3A_291 : i32
        %mul3A_293 = arith.constant 64 : i32
        %mul3A_294 = arith.muli %sub3A_292, %mul3A_293 : i32
        %dma_start3A_295 = arith.constant 1 : i32
        %dma_start3A_296 = arith.constant 0 : i32
        %dma_start3A_297 = arith.constant 0 : i32
        %dma_start3A_298 = tpu.memref_slice %arg10[%dma_start3A_295, %dma_start3A_296, %dma_start3A_297] : memref<4x64x128xf32, #tpu.memory_space<vmem>> -> memref<1x64x128xf32, #tpu.memory_space<vmem>>
        %dma_start3A_299 = tpu.memref_squeeze %dma_start3A_298 : memref<1x64x128xf32, #tpu.memory_space<vmem>> -> memref<64x128xf32, #tpu.memory_space<vmem>>
        %dma_start3A_300 = tpu.memref_slice %arg7[%mul3A_294] : memref<10240xi32, #tpu.memory_space<vmem>> -> memref<64xi32, #tpu.memory_space<vmem>>
        %dma_start3A_301 = arith.constant 0 : i32
        %dma_start3A_302 = arith.constant 0 : i32
        %dma_start3A_303 = tpu.memref_slice %arg2[%dma_start3A_301, %dma_start3A_302] : memref<10240x128xf32, #tpu.memory_space<hbm>> -> memref<10240x128xf32, #tpu.memory_space<hbm>>
        tpu.enqueue_indirect_dma source(%dma_start3A_303 : memref<10240x128xf32, #tpu.memory_space<hbm>>) target(%dma_start3A_299 : memref<64x128xf32, #tpu.memory_space<vmem>>) offsets(%dma_start3A_300 : memref<64xi32, #tpu.memory_space<vmem>>) semaphore(%arg13 : memref<!tpu.dma_semaphore, #tpu.memory_space<semaphore_mem>>)
      } else {
      }
      %lt3A_252 = arith.cmpi slt, %add3A_227, %sub3A_102 : i32
      %convert_element_type3A_253 = arith.extui %lt3A_252 : i1 to i32
      %cond3A_254 = arith.constant 0 : i32
      %cond3A_255 = arith.cmpi ne, %convert_element_type3A_253, %cond3A_254 : i32
      scf.if %cond3A_255 {
        %mul3A_289 = arith.constant 64 : i32
        %mul3A_290 = arith.muli %add3A_227, %mul3A_289 : i32
        %dma_wait3A = arith.constant 2 : i32
        %dma_wait3A_291 = arith.constant 0 : i32
        %dma_wait3A_292 = arith.constant 0 : i32
        %dma_wait3A_293 = tpu.memref_slice %arg10[%dma_wait3A, %dma_wait3A_291, %dma_wait3A_292] : memref<4x64x128xf32, #tpu.memory_space<vmem>> -> memref<1x64x128xf32, #tpu.memory_space<vmem>>
        %dma_wait3A_294 = tpu.memref_squeeze %dma_wait3A_293 : memref<1x64x128xf32, #tpu.memory_space<vmem>> -> memref<64x128xf32, #tpu.memory_space<vmem>>
        %dma_wait3A_295 = tpu.memref_slice %arg7[%mul3A_290] : memref<10240xi32, #tpu.memory_space<vmem>> -> memref<64xi32, #tpu.memory_space<vmem>>
        %dma_wait3A_296 = arith.constant 0 : i32
        %dma_wait3A_297 = arith.constant 0 : i32
        %dma_wait3A_298 = tpu.memref_slice %arg2[%dma_wait3A_296, %dma_wait3A_297] : memref<10240x128xf32, #tpu.memory_space<hbm>> -> memref<10240x128xf32, #tpu.memory_space<hbm>>
        tpu.wait_indirect_dma semaphore(%arg14 : memref<!tpu.dma_semaphore, #tpu.memory_space<semaphore_mem>>) src(%dma_wait3A_298 : memref<10240x128xf32, #tpu.memory_space<hbm>>) dst(%dma_wait3A_294 : memref<64x128xf32, #tpu.memory_space<vmem>>)
        %add3A_299 = arith.addi %mul3A_44, %add3A_227 : i32
        %mul3A_300 = arith.constant 64 : i32
        %mul3A_301 = arith.muli %add3A_299, %mul3A_300 : i32
        %dma_wait3A_302 = tpu.memref_slice %arg4[%mul3A_301] : memref<320000xi32, #tpu.memory_space<hbm>> -> memref<64xi32, #tpu.memory_space<hbm>>
        %dma_wait3A_303 = tpu.memref_slice %arg4[%mul3A_301] : memref<320000xi32, #tpu.memory_space<hbm>> -> memref<64xi32, #tpu.memory_space<hbm>>
        tpu.wait_dma2 semaphore(%arg16 : memref<!tpu.dma_semaphore, #tpu.memory_space<semaphore_mem>>) src(%dma_wait3A_303 : memref<64xi32, #tpu.memory_space<hbm>>) dst(%arg8 : memref<64xi32, #tpu.memory_space<vmem>>)
        %dma_start3A_304 = arith.constant 2 : i32
        %dma_start3A_305 = arith.constant 0 : i32
        %dma_start3A_306 = arith.constant 0 : i32
        %dma_start3A_307 = tpu.memref_slice %arg10[%dma_start3A_304, %dma_start3A_305, %dma_start3A_306] : memref<4x64x128xf32, #tpu.memory_space<vmem>> -> memref<1x64x128xf32, #tpu.memory_space<vmem>>
        %dma_start3A_308 = tpu.memref_squeeze %dma_start3A_307 : memref<1x64x128xf32, #tpu.memory_space<vmem>> -> memref<64x128xf32, #tpu.memory_space<vmem>>
        %dma_start3A_309 = arith.constant 0 : i32
        %dma_start3A_310 = arith.constant 0 : i32
        %dma_start3A_311 = tpu.memref_slice %arg11[%dma_start3A_309, %dma_start3A_310] : memref<10240x128xf32, #tpu.memory_space<vmem_shared>> -> memref<10240x128xf32, #tpu.memory_space<vmem_shared>>
        tpu.enqueue_indirect_dma source(%dma_start3A_308 : memref<64x128xf32, #tpu.memory_space<vmem>>) target(%dma_start3A_311 : memref<10240x128xf32, #tpu.memory_space<vmem_shared>>) offsets(%arg8 : memref<64xi32, #tpu.memory_space<vmem>>) semaphore(%arg18 : memref<!tpu.dma_semaphore, #tpu.memory_space<semaphore_mem>>) {add = true}
      } else {
      }
      %mul3A_256 = arith.constant 4 : i32
      %mul3A_257 = arith.muli %scan3A_163, %mul3A_256 : i32
      %add3A_258 = arith.constant 3 : i32
      %add3A_259 = arith.addi %mul3A_257, %add3A_258 : i32
      %ge3A_260 = arith.constant 1 : i32
      %ge3A_261 = arith.cmpi sge, %add3A_259, %ge3A_260 : i32
      %le3A_262 = arith.cmpi sle, %add3A_259, %sub3A_102 : i32
      %and3A_263 = arith.andi %ge3A_261, %le3A_262 : i1
      %convert_element_type3A_264 = arith.extui %and3A_263 : i1 to i32
      %cond3A_265 = arith.constant 0 : i32
      %cond3A_266 = arith.cmpi ne, %convert_element_type3A_264, %cond3A_265 : i32
      scf.if %cond3A_266 {
        %dma_wait3A = arith.constant 2 : i32
        %dma_wait3A_289 = arith.constant 0 : i32
        %dma_wait3A_290 = arith.constant 0 : i32
        %dma_wait3A_291 = tpu.memref_slice %arg10[%dma_wait3A, %dma_wait3A_289, %dma_wait3A_290] : memref<4x64x128xf32, #tpu.memory_space<vmem>> -> memref<1x64x128xf32, #tpu.memory_space<vmem>>
        %dma_wait3A_292 = tpu.memref_squeeze %dma_wait3A_291 : memref<1x64x128xf32, #tpu.memory_space<vmem>> -> memref<64x128xf32, #tpu.memory_space<vmem>>
        %dma_wait3A_293 = arith.constant 0 : i32
        %dma_wait3A_294 = arith.constant 0 : i32
        %dma_wait3A_295 = tpu.memref_slice %arg11[%dma_wait3A_293, %dma_wait3A_294] : memref<10240x128xf32, #tpu.memory_space<vmem_shared>> -> memref<10240x128xf32, #tpu.memory_space<vmem_shared>>
        tpu.wait_indirect_dma semaphore(%arg18 : memref<!tpu.dma_semaphore, #tpu.memory_space<semaphore_mem>>) src(%dma_wait3A_292 : memref<64x128xf32, #tpu.memory_space<vmem>>) dst(%dma_wait3A_295 : memref<10240x128xf32, #tpu.memory_space<vmem_shared>>)
      } else {
      }
      %add3A_267 = arith.constant 1 : i32
      %add3A_268 = arith.addi %add3A_259, %add3A_267 : i32
      %lt3A_269 = arith.cmpi slt, %add3A_268, %sub3A_102 : i32
      %convert_element_type3A_270 = arith.extui %lt3A_269 : i1 to i32
      %cond3A_271 = arith.constant 0 : i32
      %cond3A_272 = arith.cmpi ne, %convert_element_type3A_270, %cond3A_271 : i32
      scf.if %cond3A_272 {
        %add3A_289 = arith.constant 1 : i32
        %add3A_290 = arith.addi %add3A_259, %add3A_289 : i32
        %add3A_291 = arith.addi %mul3A_44, %add3A_290 : i32
        %mul3A_292 = arith.constant 64 : i32
        %mul3A_293 = arith.muli %add3A_291, %mul3A_292 : i32
        %dma_start3A_294 = tpu.memref_slice %arg4[%mul3A_293] : memref<320000xi32, #tpu.memory_space<hbm>> -> memref<64xi32, #tpu.memory_space<hbm>>
        %dma_start3A_295 = tpu.memref_slice %arg4[%mul3A_293] : memref<320000xi32, #tpu.memory_space<hbm>> -> memref<64xi32, #tpu.memory_space<hbm>>
        tpu.enqueue_dma source(%dma_start3A_295 : memref<64xi32, #tpu.memory_space<hbm>>) target(%arg8 : memref<64xi32, #tpu.memory_space<vmem>>) target_semaphore(%arg16 : memref<!tpu.dma_semaphore, #tpu.memory_space<semaphore_mem>>)
      } else {
      }
      %ge3A_273 = arith.constant 1 : i32
      %ge3A_274 = arith.cmpi sge, %add3A_259, %ge3A_273 : i32
      %add3A_275 = arith.constant 4 : i32
      %add3A_276 = arith.addi %add3A_259, %add3A_275 : i32
      %sub3A_277 = arith.constant 1 : i32
      %sub3A_278 = arith.subi %add3A_276, %sub3A_277 : i32
      %lt3A_279 = arith.cmpi slt, %sub3A_278, %sub3A_102 : i32
      %and3A_280 = arith.andi %ge3A_274, %lt3A_279 : i1
      %convert_element_type3A_281 = arith.extui %and3A_280 : i1 to i32
      %cond3A_282 = arith.constant 0 : i32
      %cond3A_283 = arith.cmpi ne, %convert_element_type3A_281, %cond3A_282 : i32
      scf.if %cond3A_283 {
        %add3A_289 = arith.constant 4 : i32
        %add3A_290 = arith.addi %add3A_259, %add3A_289 : i32
        %sub3A_291 = arith.constant 1 : i32
        %sub3A_292 = arith.subi %add3A_290, %sub3A_291 : i32
        %mul3A_293 = arith.constant 64 : i32
        %mul3A_294 = arith.muli %sub3A_292, %mul3A_293 : i32
        %dma_start3A_295 = arith.constant 2 : i32
        %dma_start3A_296 = arith.constant 0 : i32
        %dma_start3A_297 = arith.constant 0 : i32
        %dma_start3A_298 = tpu.memref_slice %arg10[%dma_start3A_295, %dma_start3A_296, %dma_start3A_297] : memref<4x64x128xf32, #tpu.memory_space<vmem>> -> memref<1x64x128xf32, #tpu.memory_space<vmem>>
        %dma_start3A_299 = tpu.memref_squeeze %dma_start3A_298 : memref<1x64x128xf32, #tpu.memory_space<vmem>> -> memref<64x128xf32, #tpu.memory_space<vmem>>
        %dma_start3A_300 = tpu.memref_slice %arg7[%mul3A_294] : memref<10240xi32, #tpu.memory_space<vmem>> -> memref<64xi32, #tpu.memory_space<vmem>>
        %dma_start3A_301 = arith.constant 0 : i32
        %dma_start3A_302 = arith.constant 0 : i32
        %dma_start3A_303 = tpu.memref_slice %arg2[%dma_start3A_301, %dma_start3A_302] : memref<10240x128xf32, #tpu.memory_space<hbm>> -> memref<10240x128xf32, #tpu.memory_space<hbm>>
        tpu.enqueue_indirect_dma source(%dma_start3A_303 : memref<10240x128xf32, #tpu.memory_space<hbm>>) target(%dma_start3A_299 : memref<64x128xf32, #tpu.memory_space<vmem>>) offsets(%dma_start3A_300 : memref<64xi32, #tpu.memory_space<vmem>>) semaphore(%arg14 : memref<!tpu.dma_semaphore, #tpu.memory_space<semaphore_mem>>)
      } else {
      }
      %lt3A_284 = arith.cmpi slt, %add3A_259, %sub3A_102 : i32
      %convert_element_type3A_285 = arith.extui %lt3A_284 : i1 to i32
      %cond3A_286 = arith.constant 0 : i32
      %cond3A_287 = arith.cmpi ne, %convert_element_type3A_285, %cond3A_286 : i32
      scf.if %cond3A_287 {
        %mul3A_289 = arith.constant 64 : i32
        %mul3A_290 = arith.muli %add3A_259, %mul3A_289 : i32
        %dma_wait3A = arith.constant 3 : i32
        %dma_wait3A_291 = arith.constant 0 : i32
        %dma_wait3A_292 = arith.constant 0 : i32
        %dma_wait3A_293 = tpu.memref_slice %arg10[%dma_wait3A, %dma_wait3A_291, %dma_wait3A_292] : memref<4x64x128xf32, #tpu.memory_space<vmem>> -> memref<1x64x128xf32, #tpu.memory_space<vmem>>
        %dma_wait3A_294 = tpu.memref_squeeze %dma_wait3A_293 : memref<1x64x128xf32, #tpu.memory_space<vmem>> -> memref<64x128xf32, #tpu.memory_space<vmem>>
        %dma_wait3A_295 = tpu.memref_slice %arg7[%mul3A_290] : memref<10240xi32, #tpu.memory_space<vmem>> -> memref<64xi32, #tpu.memory_space<vmem>>
        %dma_wait3A_296 = arith.constant 0 : i32
        %dma_wait3A_297 = arith.constant 0 : i32
        %dma_wait3A_298 = tpu.memref_slice %arg2[%dma_wait3A_296, %dma_wait3A_297] : memref<10240x128xf32, #tpu.memory_space<hbm>> -> memref<10240x128xf32, #tpu.memory_space<hbm>>
        tpu.wait_indirect_dma semaphore(%arg15 : memref<!tpu.dma_semaphore, #tpu.memory_space<semaphore_mem>>) src(%dma_wait3A_298 : memref<10240x128xf32, #tpu.memory_space<hbm>>) dst(%dma_wait3A_294 : memref<64x128xf32, #tpu.memory_space<vmem>>)
        %add3A_299 = arith.addi %mul3A_44, %add3A_259 : i32
        %mul3A_300 = arith.constant 64 : i32
        %mul3A_301 = arith.muli %add3A_299, %mul3A_300 : i32
        %dma_wait3A_302 = tpu.memref_slice %arg4[%mul3A_301] : memref<320000xi32, #tpu.memory_space<hbm>> -> memref<64xi32, #tpu.memory_space<hbm>>
        %dma_wait3A_303 = tpu.memref_slice %arg4[%mul3A_301] : memref<320000xi32, #tpu.memory_space<hbm>> -> memref<64xi32, #tpu.memory_space<hbm>>
        tpu.wait_dma2 semaphore(%arg17 : memref<!tpu.dma_semaphore, #tpu.memory_space<semaphore_mem>>) src(%dma_wait3A_303 : memref<64xi32, #tpu.memory_space<hbm>>) dst(%arg9 : memref<64xi32, #tpu.memory_space<vmem>>)
        %dma_start3A_304 = arith.constant 3 : i32
        %dma_start3A_305 = arith.constant 0 : i32
        %dma_start3A_306 = arith.constant 0 : i32
        %dma_start3A_307 = tpu.memref_slice %arg10[%dma_start3A_304, %dma_start3A_305, %dma_start3A_306] : memref<4x64x128xf32, #tpu.memory_space<vmem>> -> memref<1x64x128xf32, #tpu.memory_space<vmem>>
        %dma_start3A_308 = tpu.memref_squeeze %dma_start3A_307 : memref<1x64x128xf32, #tpu.memory_space<vmem>> -> memref<64x128xf32, #tpu.memory_space<vmem>>
        %dma_start3A_309 = arith.constant 0 : i32
        %dma_start3A_310 = arith.constant 0 : i32
        %dma_start3A_311 = tpu.memref_slice %arg11[%dma_start3A_309, %dma_start3A_310] : memref<10240x128xf32, #tpu.memory_space<vmem_shared>> -> memref<10240x128xf32, #tpu.memory_space<vmem_shared>>
        tpu.enqueue_indirect_dma source(%dma_start3A_308 : memref<64x128xf32, #tpu.memory_space<vmem>>) target(%dma_start3A_311 : memref<10240x128xf32, #tpu.memory_space<vmem_shared>>) offsets(%arg9 : memref<64xi32, #tpu.memory_space<vmem>>) semaphore(%arg19 : memref<!tpu.dma_semaphore, #tpu.memory_space<semaphore_mem>>) {add = true}
      } else {
      }
      %scan3A_288 = arith.constant 0 : i32
      scf.yield %scan3A_288 : i32
    }
    %scan3A_157 = arith.constant 41 : i32
    %barrier3A_158 = arith.constant 0 : index
    tpu.barrier barrier_id(%barrier3A_158)
    %mul3A_159 = arith.constant 640 : i32
    %mul3A_160 = arith.muli %arg1, %mul3A_159 : i32
    %mul3A_161 = arith.constant 640 : i32
    %mul3A_162 = arith.muli %arg1, %mul3A_161 : i32
    "tpu.region"() ({
      %run_scoped3A = tpu.sem_alloc : memref<!tpu.dma_semaphore, #tpu.memory_space<semaphore_mem>>
      %dma_start3A_163 = arith.constant 0 : i32
      %dma_start3A_164 = tpu.memref_slice %arg6[%arg0, %mul3A_162, %dma_start3A_163] : memref<2x10240x128xf32, #tpu.memory_space<hbm>> -> memref<1x640x128xf32, #tpu.memory_space<hbm>>
      %dma_start3A_165 = tpu.memref_squeeze %dma_start3A_164 : memref<1x640x128xf32, #tpu.memory_space<hbm>> -> memref<640x128xf32, #tpu.memory_space<hbm>>
      %dma_start3A_166 = arith.constant 0 : i32
      %dma_start3A_167 = tpu.memref_slice %arg11[%mul3A_160, %dma_start3A_166] : memref<10240x128xf32, #tpu.memory_space<vmem_shared>> -> memref<640x128xf32, #tpu.memory_space<vmem_shared>>
      tpu.enqueue_dma source(%dma_start3A_167 : memref<640x128xf32, #tpu.memory_space<vmem_shared>>) target(%dma_start3A_165 : memref<640x128xf32, #tpu.memory_space<hbm>>) target_semaphore(%run_scoped3A : memref<!tpu.dma_semaphore, #tpu.memory_space<semaphore_mem>>)
      %dma_wait3A = arith.constant 0 : i32
      %dma_wait3A_168 = tpu.memref_slice %arg6[%arg0, %mul3A_162, %dma_wait3A] : memref<2x10240x128xf32, #tpu.memory_space<hbm>> -> memref<1x640x128xf32, #tpu.memory_space<hbm>>
      %dma_wait3A_169 = tpu.memref_squeeze %dma_wait3A_168 : memref<1x640x128xf32, #tpu.memory_space<hbm>> -> memref<640x128xf32, #tpu.memory_space<hbm>>
      %dma_wait3A_170 = arith.constant 0 : i32
      %dma_wait3A_171 = tpu.memref_slice %arg11[%mul3A_160, %dma_wait3A_170] : memref<10240x128xf32, #tpu.memory_space<vmem_shared>> -> memref<640x128xf32, #tpu.memory_space<vmem_shared>>
      tpu.wait_dma2 semaphore(%run_scoped3A : memref<!tpu.dma_semaphore, #tpu.memory_space<semaphore_mem>>) src(%dma_wait3A_171 : memref<640x128xf32, #tpu.memory_space<vmem_shared>>) dst(%dma_wait3A_169 : memref<640x128xf32, #tpu.memory_space<hbm>>)
      tpu.yield
    }) : () -> ()
    return
  }
}

#map = affine_map<(d0, d1) -> (0)>
#map1 = affine_map<(d0, d1) -> (0, 0, 0)>
module attributes {stable_mosaic.version = 14 : i64} {
  func.func @_degrees_body(%arg0: i32, %arg1: i32, %arg2: memref<320000xi32, #tpu.memory_space<hbm>>, %arg3: memref<320000xi32, #tpu.memory_space<hbm>>, %arg4: memref<10240xf32, #tpu.memory_space<hbm>>, %arg5: memref<2x32x10240xf32, #tpu.memory_space<hbm>>, %arg6: memref<10000xi32, #tpu.memory_space<vmem>>, %arg7: memref<10240xf32, #tpu.memory_space<vmem>>) attributes {dimension_semantics = [#tpu.dimension_semantics<core_parallel>, #tpu.dimension_semantics<subcore_parallel>], iteration_bounds = array<i64: 2, 16>, scalar_prefetch = 0 : i64, scratch_operands = 2 : i64, tpu.core_type = #tpu.core_type<sc_vector_subcore>, window_params = [{transform_indices = #map}, {transform_indices = #map}, {transform_indices = #map}, {transform_indices = #map1}]} {
    %mul3A = arith.constant 16 : i32
    %mul3A_0 = arith.muli %arg0, %mul3A : i32
    %add3A = arith.addi %mul3A_0, %arg1 : i32
    %broadcast_in_dim3A = arith.constant 1.000000e+00 : f32
    %broadcast_in_dim3A_1 = vector.broadcast %broadcast_in_dim3A : f32 to vector<16xf32>
    "tpu.region"() ({
      %run_scoped3A_23 = tpu.sem_alloc : memref<!tpu.dma_semaphore, #tpu.memory_space<semaphore_mem>>
      tpu.enqueue_dma source(%arg4 : memref<10240xf32, #tpu.memory_space<hbm>>) target(%arg7 : memref<10240xf32, #tpu.memory_space<vmem>>) target_semaphore(%run_scoped3A_23 : memref<!tpu.dma_semaphore, #tpu.memory_space<semaphore_mem>>)
      tpu.wait_dma2 semaphore(%run_scoped3A_23 : memref<!tpu.dma_semaphore, #tpu.memory_space<semaphore_mem>>) src(%arg4 : memref<10240xf32, #tpu.memory_space<hbm>>) dst(%arg7 : memref<10240xf32, #tpu.memory_space<vmem>>)
      tpu.yield
    }) : () -> ()
    %mul3A_2 = arith.constant 10000 : i32
    %mul3A_3 = arith.muli %add3A, %mul3A_2 : i32
    "tpu.region"() ({
      %run_scoped3A_23 = tpu.sem_alloc : memref<!tpu.dma_semaphore, #tpu.memory_space<semaphore_mem>>
      %dma_start3A = tpu.memref_slice %arg2[%mul3A_3] : memref<320000xi32, #tpu.memory_space<hbm>> -> memref<10000xi32, #tpu.memory_space<hbm>>
      %dma_start3A_24 = tpu.memref_slice %arg2[%mul3A_3] : memref<320000xi32, #tpu.memory_space<hbm>> -> memref<10000xi32, #tpu.memory_space<hbm>>
      tpu.enqueue_dma source(%dma_start3A_24 : memref<10000xi32, #tpu.memory_space<hbm>>) target(%arg6 : memref<10000xi32, #tpu.memory_space<vmem>>) target_semaphore(%run_scoped3A_23 : memref<!tpu.dma_semaphore, #tpu.memory_space<semaphore_mem>>)
      %dma_wait3A = tpu.memref_slice %arg2[%mul3A_3] : memref<320000xi32, #tpu.memory_space<hbm>> -> memref<10000xi32, #tpu.memory_space<hbm>>
      %dma_wait3A_25 = tpu.memref_slice %arg2[%mul3A_3] : memref<320000xi32, #tpu.memory_space<hbm>> -> memref<10000xi32, #tpu.memory_space<hbm>>
      tpu.wait_dma2 semaphore(%run_scoped3A_23 : memref<!tpu.dma_semaphore, #tpu.memory_space<semaphore_mem>>) src(%dma_wait3A_25 : memref<10000xi32, #tpu.memory_space<hbm>>) dst(%arg6 : memref<10000xi32, #tpu.memory_space<vmem>>)
      tpu.yield
    }) : () -> ()
    %scan3A = arith.constant 0 : i32
    %scan3A_4 = arith.constant 0 : i32
    %scan3A_5 = arith.constant 156 : i32
    %scan3A_6 = arith.addi %scan3A_4, %scan3A_5 : i32
    %scan3A_7 = arith.constant 1 : i32
    %scan3A_8 = scf.for %scan3A_23 = %scan3A_4 to %scan3A_6 step %scan3A_7 iter_args(%scan3A_24 = %scan3A) -> (i32)  : i32 {
      %mul3A_25 = arith.constant 64 : i32
      %mul3A_26 = arith.muli %scan3A_23, %mul3A_25 : i32
      %add3A_27 = arith.constant 0 : i32
      %add3A_28 = arith.addi %mul3A_26, %add3A_27 : i32
      %get3A_29 = arith.index_cast %add3A_28 : i32 to index
      %get3A_30 = tpu.vector_load %arg6[%get3A_29] {strides = array<i32>} : memref<10000xi32, #tpu.memory_space<vmem>>, vector<16xi32>,
      tpu.vector_store_idx %arg7[%get3A_30], %broadcast_in_dim3A_1 {add = true} : memref<10240xf32, #tpu.memory_space<vmem>>[vector<16xi32>], vector<16xf32>,
      %mul3A_31 = arith.constant 64 : i32
      %mul3A_32 = arith.muli %scan3A_23, %mul3A_31 : i32
      %add3A_33 = arith.constant 16 : i32
      %add3A_34 = arith.addi %mul3A_32, %add3A_33 : i32
      %get3A_35 = arith.index_cast %add3A_34 : i32 to index
      %get3A_36 = tpu.vector_load %arg6[%get3A_35] {strides = array<i32>} : memref<10000xi32, #tpu.memory_space<vmem>>, vector<16xi32>,
      tpu.vector_store_idx %arg7[%get3A_36], %broadcast_in_dim3A_1 {add = true} : memref<10240xf32, #tpu.memory_space<vmem>>[vector<16xi32>], vector<16xf32>,
      %mul3A_37 = arith.constant 64 : i32
      %mul3A_38 = arith.muli %scan3A_23, %mul3A_37 : i32
      %add3A_39 = arith.constant 32 : i32
      %add3A_40 = arith.addi %mul3A_38, %add3A_39 : i32
      %get3A_41 = arith.index_cast %add3A_40 : i32 to index
      %get3A_42 = tpu.vector_load %arg6[%get3A_41] {strides = array<i32>} : memref<10000xi32, #tpu.memory_space<vmem>>, vector<16xi32>,
      tpu.vector_store_idx %arg7[%get3A_42], %broadcast_in_dim3A_1 {add = true} : memref<10240xf32, #tpu.memory_space<vmem>>[vector<16xi32>], vector<16xf32>,
      %mul3A_43 = arith.constant 64 : i32
      %mul3A_44 = arith.muli %scan3A_23, %mul3A_43 : i32
      %add3A_45 = arith.constant 48 : i32
      %add3A_46 = arith.addi %mul3A_44, %add3A_45 : i32
      %get3A_47 = arith.index_cast %add3A_46 : i32 to index
      %get3A_48 = tpu.vector_load %arg6[%get3A_47] {strides = array<i32>} : memref<10000xi32, #tpu.memory_space<vmem>>, vector<16xi32>,
      tpu.vector_store_idx %arg7[%get3A_48], %broadcast_in_dim3A_1 {add = true} : memref<10240xf32, #tpu.memory_space<vmem>>[vector<16xi32>], vector<16xf32>,
      %scan3A_49 = arith.constant 0 : i32
      scf.yield %scan3A_49 : i32
    }
    %scan3A_9 = arith.constant 156 : i32
    %get3A = arith.constant 9984 : index
    %get3A_10 = tpu.vector_load %arg6[%get3A] {strides = array<i32>} : memref<10000xi32, #tpu.memory_space<vmem>>, vector<16xi32>,
    tpu.vector_store_idx %arg7[%get3A_10], %broadcast_in_dim3A_1 {add = true} : memref<10240xf32, #tpu.memory_space<vmem>>[vector<16xi32>], vector<16xf32>,
    %run_scoped3A = arith.constant 0 : i32
    "tpu.region"() ({
      %run_scoped3A_23 = tpu.sem_alloc : memref<!tpu.dma_semaphore, #tpu.memory_space<semaphore_mem>>
      %dma_start3A = arith.constant 0 : i32
      %dma_start3A_24 = tpu.memref_slice %arg5[%run_scoped3A, %add3A, %dma_start3A] : memref<2x32x10240xf32, #tpu.memory_space<hbm>> -> memref<1x1x10240xf32, #tpu.memory_space<hbm>>
      %dma_start3A_25 = tpu.memref_squeeze %dma_start3A_24 : memref<1x1x10240xf32, #tpu.memory_space<hbm>> -> memref<10240xf32, #tpu.memory_space<hbm>>
      %dma_start3A_26 = arith.constant 0 : i32
      %dma_start3A_27 = tpu.memref_slice %arg5[%run_scoped3A, %add3A, %dma_start3A_26] : memref<2x32x10240xf32, #tpu.memory_space<hbm>> -> memref<1x1x10240xf32, #tpu.memory_space<hbm>>
      %dma_start3A_28 = tpu.memref_squeeze %dma_start3A_27 : memref<1x1x10240xf32, #tpu.memory_space<hbm>> -> memref<10240xf32, #tpu.memory_space<hbm>>
      tpu.enqueue_dma source(%arg7 : memref<10240xf32, #tpu.memory_space<vmem>>) target(%dma_start3A_28 : memref<10240xf32, #tpu.memory_space<hbm>>) target_semaphore(%run_scoped3A_23 : memref<!tpu.dma_semaphore, #tpu.memory_space<semaphore_mem>>)
      %dma_wait3A = arith.constant 0 : i32
      %dma_wait3A_29 = tpu.memref_slice %arg5[%run_scoped3A, %add3A, %dma_wait3A] : memref<2x32x10240xf32, #tpu.memory_space<hbm>> -> memref<1x1x10240xf32, #tpu.memory_space<hbm>>
      %dma_wait3A_30 = tpu.memref_squeeze %dma_wait3A_29 : memref<1x1x10240xf32, #tpu.memory_space<hbm>> -> memref<10240xf32, #tpu.memory_space<hbm>>
      %dma_wait3A_31 = arith.constant 0 : i32
      %dma_wait3A_32 = tpu.memref_slice %arg5[%run_scoped3A, %add3A, %dma_wait3A_31] : memref<2x32x10240xf32, #tpu.memory_space<hbm>> -> memref<1x1x10240xf32, #tpu.memory_space<hbm>>
      %dma_wait3A_33 = tpu.memref_squeeze %dma_wait3A_32 : memref<1x1x10240xf32, #tpu.memory_space<hbm>> -> memref<10240xf32, #tpu.memory_space<hbm>>
      tpu.wait_dma2 semaphore(%run_scoped3A_23 : memref<!tpu.dma_semaphore, #tpu.memory_space<semaphore_mem>>) src(%arg7 : memref<10240xf32, #tpu.memory_space<vmem>>) dst(%dma_wait3A_33 : memref<10240xf32, #tpu.memory_space<hbm>>)
      tpu.yield
    }) : () -> ()
    "tpu.region"() ({
      %run_scoped3A_23 = tpu.sem_alloc : memref<!tpu.dma_semaphore, #tpu.memory_space<semaphore_mem>>
      tpu.enqueue_dma source(%arg4 : memref<10240xf32, #tpu.memory_space<hbm>>) target(%arg7 : memref<10240xf32, #tpu.memory_space<vmem>>) target_semaphore(%run_scoped3A_23 : memref<!tpu.dma_semaphore, #tpu.memory_space<semaphore_mem>>)
      tpu.wait_dma2 semaphore(%run_scoped3A_23 : memref<!tpu.dma_semaphore, #tpu.memory_space<semaphore_mem>>) src(%arg4 : memref<10240xf32, #tpu.memory_space<hbm>>) dst(%arg7 : memref<10240xf32, #tpu.memory_space<vmem>>)
      tpu.yield
    }) : () -> ()
    %mul3A_11 = arith.constant 10000 : i32
    %mul3A_12 = arith.muli %add3A, %mul3A_11 : i32
    "tpu.region"() ({
      %run_scoped3A_23 = tpu.sem_alloc : memref<!tpu.dma_semaphore, #tpu.memory_space<semaphore_mem>>
      %dma_start3A = tpu.memref_slice %arg3[%mul3A_12] : memref<320000xi32, #tpu.memory_space<hbm>> -> memref<10000xi32, #tpu.memory_space<hbm>>
      %dma_start3A_24 = tpu.memref_slice %arg3[%mul3A_12] : memref<320000xi32, #tpu.memory_space<hbm>> -> memref<10000xi32, #tpu.memory_space<hbm>>
      tpu.enqueue_dma source(%dma_start3A_24 : memref<10000xi32, #tpu.memory_space<hbm>>) target(%arg6 : memref<10000xi32, #tpu.memory_space<vmem>>) target_semaphore(%run_scoped3A_23 : memref<!tpu.dma_semaphore, #tpu.memory_space<semaphore_mem>>)
      %dma_wait3A = tpu.memref_slice %arg3[%mul3A_12] : memref<320000xi32, #tpu.memory_space<hbm>> -> memref<10000xi32, #tpu.memory_space<hbm>>
      %dma_wait3A_25 = tpu.memref_slice %arg3[%mul3A_12] : memref<320000xi32, #tpu.memory_space<hbm>> -> memref<10000xi32, #tpu.memory_space<hbm>>
      tpu.wait_dma2 semaphore(%run_scoped3A_23 : memref<!tpu.dma_semaphore, #tpu.memory_space<semaphore_mem>>) src(%dma_wait3A_25 : memref<10000xi32, #tpu.memory_space<hbm>>) dst(%arg6 : memref<10000xi32, #tpu.memory_space<vmem>>)
      tpu.yield
    }) : () -> ()
    %scan3A_13 = arith.constant 0 : i32
    %scan3A_14 = arith.constant 0 : i32
    %scan3A_15 = arith.constant 156 : i32
    %scan3A_16 = arith.addi %scan3A_14, %scan3A_15 : i32
    %scan3A_17 = arith.constant 1 : i32
    %scan3A_18 = scf.for %scan3A_23 = %scan3A_14 to %scan3A_16 step %scan3A_17 iter_args(%scan3A_24 = %scan3A_13) -> (i32)  : i32 {
      %mul3A_25 = arith.constant 64 : i32
      %mul3A_26 = arith.muli %scan3A_23, %mul3A_25 : i32
      %add3A_27 = arith.constant 0 : i32
      %add3A_28 = arith.addi %mul3A_26, %add3A_27 : i32
      %get3A_29 = arith.index_cast %add3A_28 : i32 to index
      %get3A_30 = tpu.vector_load %arg6[%get3A_29] {strides = array<i32>} : memref<10000xi32, #tpu.memory_space<vmem>>, vector<16xi32>,
      tpu.vector_store_idx %arg7[%get3A_30], %broadcast_in_dim3A_1 {add = true} : memref<10240xf32, #tpu.memory_space<vmem>>[vector<16xi32>], vector<16xf32>,
      %mul3A_31 = arith.constant 64 : i32
      %mul3A_32 = arith.muli %scan3A_23, %mul3A_31 : i32
      %add3A_33 = arith.constant 16 : i32
      %add3A_34 = arith.addi %mul3A_32, %add3A_33 : i32
      %get3A_35 = arith.index_cast %add3A_34 : i32 to index
      %get3A_36 = tpu.vector_load %arg6[%get3A_35] {strides = array<i32>} : memref<10000xi32, #tpu.memory_space<vmem>>, vector<16xi32>,
      tpu.vector_store_idx %arg7[%get3A_36], %broadcast_in_dim3A_1 {add = true} : memref<10240xf32, #tpu.memory_space<vmem>>[vector<16xi32>], vector<16xf32>,
      %mul3A_37 = arith.constant 64 : i32
      %mul3A_38 = arith.muli %scan3A_23, %mul3A_37 : i32
      %add3A_39 = arith.constant 32 : i32
      %add3A_40 = arith.addi %mul3A_38, %add3A_39 : i32
      %get3A_41 = arith.index_cast %add3A_40 : i32 to index
      %get3A_42 = tpu.vector_load %arg6[%get3A_41] {strides = array<i32>} : memref<10000xi32, #tpu.memory_space<vmem>>, vector<16xi32>,
      tpu.vector_store_idx %arg7[%get3A_42], %broadcast_in_dim3A_1 {add = true} : memref<10240xf32, #tpu.memory_space<vmem>>[vector<16xi32>], vector<16xf32>,
      %mul3A_43 = arith.constant 64 : i32
      %mul3A_44 = arith.muli %scan3A_23, %mul3A_43 : i32
      %add3A_45 = arith.constant 48 : i32
      %add3A_46 = arith.addi %mul3A_44, %add3A_45 : i32
      %get3A_47 = arith.index_cast %add3A_46 : i32 to index
      %get3A_48 = tpu.vector_load %arg6[%get3A_47] {strides = array<i32>} : memref<10000xi32, #tpu.memory_space<vmem>>, vector<16xi32>,
      tpu.vector_store_idx %arg7[%get3A_48], %broadcast_in_dim3A_1 {add = true} : memref<10240xf32, #tpu.memory_space<vmem>>[vector<16xi32>], vector<16xf32>,
      %scan3A_49 = arith.constant 0 : i32
      scf.yield %scan3A_49 : i32
    }
    %scan3A_19 = arith.constant 156 : i32
    %get3A_20 = arith.constant 9984 : index
    %get3A_21 = tpu.vector_load %arg6[%get3A_20] {strides = array<i32>} : memref<10000xi32, #tpu.memory_space<vmem>>, vector<16xi32>,
    tpu.vector_store_idx %arg7[%get3A_21], %broadcast_in_dim3A_1 {add = true} : memref<10240xf32, #tpu.memory_space<vmem>>[vector<16xi32>], vector<16xf32>,
    %run_scoped3A_22 = arith.constant 1 : i32
    "tpu.region"() ({
      %run_scoped3A_23 = tpu.sem_alloc : memref<!tpu.dma_semaphore, #tpu.memory_space<semaphore_mem>>
      %dma_start3A = arith.constant 0 : i32
      %dma_start3A_24 = tpu.memref_slice %arg5[%run_scoped3A_22, %add3A, %dma_start3A] : memref<2x32x10240xf32, #tpu.memory_space<hbm>> -> memref<1x1x10240xf32, #tpu.memory_space<hbm>>
      %dma_start3A_25 = tpu.memref_squeeze %dma_start3A_24 : memref<1x1x10240xf32, #tpu.memory_space<hbm>> -> memref<10240xf32, #tpu.memory_space<hbm>>
      %dma_start3A_26 = arith.constant 0 : i32
      %dma_start3A_27 = tpu.memref_slice %arg5[%run_scoped3A_22, %add3A, %dma_start3A_26] : memref<2x32x10240xf32, #tpu.memory_space<hbm>> -> memref<1x1x10240xf32, #tpu.memory_space<hbm>>
      %dma_start3A_28 = tpu.memref_squeeze %dma_start3A_27 : memref<1x1x10240xf32, #tpu.memory_space<hbm>> -> memref<10240xf32, #tpu.memory_space<hbm>>
      tpu.enqueue_dma source(%arg7 : memref<10240xf32, #tpu.memory_space<vmem>>) target(%dma_start3A_28 : memref<10240xf32, #tpu.memory_space<hbm>>) target_semaphore(%run_scoped3A_23 : memref<!tpu.dma_semaphore, #tpu.memory_space<semaphore_mem>>)
      %dma_wait3A = arith.constant 0 : i32
      %dma_wait3A_29 = tpu.memref_slice %arg5[%run_scoped3A_22, %add3A, %dma_wait3A] : memref<2x32x10240xf32, #tpu.memory_space<hbm>> -> memref<1x1x10240xf32, #tpu.memory_space<hbm>>
      %dma_wait3A_30 = tpu.memref_squeeze %dma_wait3A_29 : memref<1x1x10240xf32, #tpu.memory_space<hbm>> -> memref<10240xf32, #tpu.memory_space<hbm>>
      %dma_wait3A_31 = arith.constant 0 : i32
      %dma_wait3A_32 = tpu.memref_slice %arg5[%run_scoped3A_22, %add3A, %dma_wait3A_31] : memref<2x32x10240xf32, #tpu.memory_space<hbm>> -> memref<1x1x10240xf32, #tpu.memory_space<hbm>>
      %dma_wait3A_33 = tpu.memref_squeeze %dma_wait3A_32 : memref<1x1x10240xf32, #tpu.memory_space<hbm>> -> memref<10240xf32, #tpu.memory_space<hbm>>
      tpu.wait_dma2 semaphore(%run_scoped3A_23 : memref<!tpu.dma_semaphore, #tpu.memory_space<semaphore_mem>>) src(%arg7 : memref<10240xf32, #tpu.memory_space<vmem>>) dst(%dma_wait3A_33 : memref<10240xf32, #tpu.memory_space<hbm>>)
      tpu.yield
    }) : () -> ()
    return
  }
}

module attributes {stable_mosaic.version = 14 : i64} {
  func.func @_norms_body(%arg0: memref<2x32x80x128xf32, #tpu.memory_space<vmem>>, %arg1: memref<2x80x128xf32, #tpu.memory_space<vmem>>) attributes {dimension_semantics = [], scalar_prefetch = 0 : i64, scratch_operands = 0 : i64, tpu.core_type = #tpu.core_type<tc>} {
    %get3A = arith.constant 0 : index
    %get3A_0 = arith.constant 0 : index
    %get3A_1 = arith.constant 0 : index
    %get3A_2 = arith.constant 0 : index
    %get3A_3 = vector.load %arg0[%get3A, %get3A_0, %get3A_1, %get3A_2] : memref<2x32x80x128xf32, #tpu.memory_space<vmem>>, vector<2x32x80x128xf32>
    %reduce_sum3A = arith.constant dense<0.000000e+00> : vector<2x80x128xf32>
    %reduce_sum3A_4 = vector.multi_reduction <add>, %get3A_3, %reduce_sum3A [1] : vector<2x32x80x128xf32> to vector<2x80x128xf32>
    %gt3A = arith.constant 0.000000e+00 : f32
    %gt3A_5 = vector.broadcast %gt3A : f32 to vector<2x80x128xf32>
    %gt3A_6 = arith.cmpf ogt, %reduce_sum3A_4, %gt3A_5 : vector<2x80x128xf32>
    %rsqrt3A = math.rsqrt %reduce_sum3A_4 : vector<2x80x128xf32>
    %jit3A = arith.constant 0.000000e+00 : f32
    %broadcast_in_dim3A = vector.broadcast %jit3A : f32 to vector<2x80x128xf32>
    %select_n3A = arith.select %gt3A_6, %rsqrt3A, %broadcast_in_dim3A : vector<2x80x128xi1>, vector<2x80x128xf32>
    %swap3A = arith.constant 0 : index
    %swap3A_7 = arith.constant 0 : index
    %swap3A_8 = arith.constant 0 : index
    %swap3A_9 = vector.load %arg1[%swap3A, %swap3A_7, %swap3A_8] : memref<2x80x128xf32, #tpu.memory_space<vmem>>, vector<2x80x128xf32>
    tpu.vector_store %arg1[%swap3A, %swap3A_7, %swap3A_8], %select_n3A {strides = array<i32>} : memref<2x80x128xf32, #tpu.memory_space<vmem>>, vector<2x80x128xf32>,
    return
  }
}

module attributes {stable_mosaic.version = 14 : i64} {
  func.func @_mm1_body(%arg0: i32, %arg1: memref<2048x128xf32, #tpu.memory_space<vmem>>, %arg2: memref<128x128xf32, #tpu.memory_space<vmem>>, %arg3: memref<2048x1xf32, #tpu.memory_space<vmem>>, %arg4: memref<2048x128xf32, #tpu.memory_space<vmem>>) attributes {dimension_semantics = [#tpu.dimension_semantics<arbitrary>], iteration_bounds = array<i64: 5>, scalar_prefetch = 0 : i64, scratch_operands = 0 : i64, tpu.core_type = #tpu.core_type<tc>, window_params = [{transform_indices = @transform_0, window_bounds = array<i64: 2048, 128>}, {pipeline_mode = #tpu.pipeline_mode<synchronous>, transform_indices = @transform_1, window_bounds = array<i64: 128, 128>}, {transform_indices = @transform_2, window_bounds = array<i64: 2048, 1>}, {transform_indices = @transform_3, window_bounds = array<i64: 2048, 128>}]} {
    %get3A = arith.constant 0 : index
    %get3A_0 = arith.constant 0 : index
    %get3A_1 = vector.load %arg1[%get3A, %get3A_0] : memref<2048x128xf32, #tpu.memory_space<vmem>>, vector<2048x128xf32>
    %get3A_2 = arith.constant 0 : index
    %get3A_3 = arith.constant 0 : index
    %get3A_4 = vector.load %arg2[%get3A_2, %get3A_3] : memref<128x128xf32, #tpu.memory_space<vmem>>, vector<128x128xf32>
    %dot_general3A = arith.constant dense<0.000000e+00> : vector<2048x128xf32>
    %dot_general3A_5 = tpu.matmul %get3A_1, %get3A_4, %dot_general3A {dimension_numbers = #tpu.dot_dimension_numbers<[1], [0], [0], [1], [0, 0, 1, 1], [], []>, transpose_lhs_hint = false} : vector<2048x128xf32>, vector<128x128xf32>, vector<2048x128xf32> -> vector<2048x128xf32>
    %get3A_6 = arith.constant 0 : index
    %get3A_7 = arith.constant 0 : index
    %get3A_8 = vector.load %arg3[%get3A_6, %get3A_7] : memref<2048x1xf32, #tpu.memory_space<vmem>>, vector<2048x1xf32>
    %mul3A = vector.broadcast %get3A_8 : vector<2048x1xf32> to vector<2048x128xf32>
    %mul3A_9 = arith.mulf %dot_general3A_5, %mul3A : vector<2048x128xf32>
    %swap3A = arith.constant 0 : index
    %swap3A_10 = arith.constant 0 : index
    %swap3A_11 = vector.load %arg4[%swap3A, %swap3A_10] : memref<2048x128xf32, #tpu.memory_space<vmem>>, vector<2048x128xf32>
    tpu.vector_store %arg4[%swap3A, %swap3A_10], %mul3A_9 {strides = array<i32>} : memref<2048x128xf32, #tpu.memory_space<vmem>>, vector<2048x128xf32>,
    return
  }
  func.func @transform_0(%arg0: i32) -> (i32, i32) {
    %c0_i32 = arith.constant 0 : i32
    %c0_i32_0 = arith.constant 0 : i32
    return %arg0, %c0_i32 : i32, i32
  }
  func.func @transform_1(%arg0: i32) -> (i32, i32) {
    %c0_i32 = arith.constant 0 : i32
    %c0_i32_0 = arith.constant 0 : i32
    %c0_i32_1 = arith.constant 0 : i32
    return %c0_i32, %c0_i32_0 : i32, i32
  }
  func.func @transform_2(%arg0: i32) -> (i32, i32) {
    %c0_i32 = arith.constant 0 : i32
    %c0_i32_0 = arith.constant 0 : i32
    return %arg0, %c0_i32 : i32, i32
  }
  func.func @transform_3(%arg0: i32) -> (i32, i32) {
    %c0_i32 = arith.constant 0 : i32
    %c0_i32_0 = arith.constant 0 : i32
    return %arg0, %c0_i32 : i32, i32
  }
}

module attributes {stable_mosaic.version = 14 : i64} {
  func.func @_mm2_body(%arg0: i32, %arg1: memref<2x2048x128xf32, #tpu.memory_space<vmem>>, %arg2: memref<2048x1xf32, #tpu.memory_space<vmem>>, %arg3: memref<1x128xf32, #tpu.memory_space<vmem>>, %arg4: memref<128x128xf32, #tpu.memory_space<vmem>>, %arg5: memref<2048x1xf32, #tpu.memory_space<vmem>>, %arg6: memref<2048x128xf32, #tpu.memory_space<vmem>>) attributes {dimension_semantics = [#tpu.dimension_semantics<arbitrary>], iteration_bounds = array<i64: 5>, scalar_prefetch = 0 : i64, scratch_operands = 0 : i64, tpu.core_type = #tpu.core_type<tc>, window_params = [{transform_indices = @transform_0, window_bounds = array<i64: 2, 2048, 128>}, {transform_indices = @transform_1, window_bounds = array<i64: 2048, 1>}, {pipeline_mode = #tpu.pipeline_mode<synchronous>, transform_indices = @transform_2, window_bounds = array<i64: 1, 128>}, {pipeline_mode = #tpu.pipeline_mode<synchronous>, transform_indices = @transform_3, window_bounds = array<i64: 128, 128>}, {transform_indices = @transform_4, window_bounds = array<i64: 2048, 1>}, {transform_indices = @transform_5, window_bounds = array<i64: 2048, 128>}]} {
    %get3A = arith.constant 0 : index
    %get3A_0 = arith.constant 0 : index
    %get3A_1 = arith.constant 0 : index
    %get3A_2 = vector.load %arg1[%get3A, %get3A_0, %get3A_1] : memref<2x2048x128xf32, #tpu.memory_space<vmem>>, vector<1x2048x128xf32>
    %get3A_3 = vector.shape_cast %get3A_2 : vector<1x2048x128xf32> to vector<2048x128xf32>
    %get3A_4 = arith.constant 1 : index
    %get3A_5 = arith.constant 0 : index
    %get3A_6 = arith.constant 0 : index
    %get3A_7 = vector.load %arg1[%get3A_4, %get3A_5, %get3A_6] : memref<2x2048x128xf32, #tpu.memory_space<vmem>>, vector<1x2048x128xf32>
    %get3A_8 = vector.shape_cast %get3A_7 : vector<1x2048x128xf32> to vector<2048x128xf32>
    %add3A = arith.addf %get3A_3, %get3A_8 : vector<2048x128xf32>
    %get3A_9 = arith.constant 0 : index
    %get3A_10 = arith.constant 0 : index
    %get3A_11 = vector.load %arg2[%get3A_9, %get3A_10] : memref<2048x1xf32, #tpu.memory_space<vmem>>, vector<2048x1xf32>
    %mul3A = vector.broadcast %get3A_11 : vector<2048x1xf32> to vector<2048x128xf32>
    %mul3A_12 = arith.mulf %add3A, %mul3A : vector<2048x128xf32>
    %get3A_13 = arith.constant 0 : index
    %get3A_14 = arith.constant 0 : index
    %get3A_15 = vector.load %arg3[%get3A_13, %get3A_14] : memref<1x128xf32, #tpu.memory_space<vmem>>, vector<1x128xf32>
    %add3A_16 = vector.broadcast %get3A_15 : vector<1x128xf32> to vector<2048x128xf32>
    %add3A_17 = arith.addf %mul3A_12, %add3A_16 : vector<2048x128xf32>
    %max3A = arith.constant 0.000000e+00 : f32
    %max3A_18 = vector.broadcast %max3A : f32 to vector<2048x128xf32>
    %max3A_19 = arith.maximumf %add3A_17, %max3A_18 : vector<2048x128xf32>
    %get3A_20 = arith.constant 0 : index
    %get3A_21 = arith.constant 0 : index
    %get3A_22 = vector.load %arg4[%get3A_20, %get3A_21] : memref<128x128xf32, #tpu.memory_space<vmem>>, vector<128x128xf32>
    %dot_general3A = arith.constant dense<0.000000e+00> : vector<2048x128xf32>
    %dot_general3A_23 = tpu.matmul %max3A_19, %get3A_22, %dot_general3A {dimension_numbers = #tpu.dot_dimension_numbers<[1], [0], [0], [1], [0, 0, 1, 1], [], []>, transpose_lhs_hint = false} : vector<2048x128xf32>, vector<128x128xf32>, vector<2048x128xf32> -> vector<2048x128xf32>
    %get3A_24 = arith.constant 0 : index
    %get3A_25 = arith.constant 0 : index
    %get3A_26 = vector.load %arg5[%get3A_24, %get3A_25] : memref<2048x1xf32, #tpu.memory_space<vmem>>, vector<2048x1xf32>
    %mul3A_27 = vector.broadcast %get3A_26 : vector<2048x1xf32> to vector<2048x128xf32>
    %mul3A_28 = arith.mulf %dot_general3A_23, %mul3A_27 : vector<2048x128xf32>
    %swap3A = arith.constant 0 : index
    %swap3A_29 = arith.constant 0 : index
    %swap3A_30 = vector.load %arg6[%swap3A, %swap3A_29] : memref<2048x128xf32, #tpu.memory_space<vmem>>, vector<2048x128xf32>
    tpu.vector_store %arg6[%swap3A, %swap3A_29], %mul3A_28 {strides = array<i32>} : memref<2048x128xf32, #tpu.memory_space<vmem>>, vector<2048x128xf32>,
    return
  }
  func.func @transform_0(%arg0: i32) -> (i32, i32, i32) {
    %c0_i32 = arith.constant 0 : i32
    %c0_i32_0 = arith.constant 0 : i32
    %c0_i32_1 = arith.constant 0 : i32
    return %c0_i32, %arg0, %c0_i32_0 : i32, i32, i32
  }
  func.func @transform_1(%arg0: i32) -> (i32, i32) {
    %c0_i32 = arith.constant 0 : i32
    %c0_i32_0 = arith.constant 0 : i32
    return %arg0, %c0_i32 : i32, i32
  }
  func.func @transform_2(%arg0: i32) -> (i32, i32) {
    %c0_i32 = arith.constant 0 : i32
    %c0_i32_0 = arith.constant 0 : i32
    %c0_i32_1 = arith.constant 0 : i32
    return %c0_i32, %c0_i32_0 : i32, i32
  }
  func.func @transform_3(%arg0: i32) -> (i32, i32) {
    %c0_i32 = arith.constant 0 : i32
    %c0_i32_0 = arith.constant 0 : i32
    %c0_i32_1 = arith.constant 0 : i32
    return %c0_i32, %c0_i32_0 : i32, i32
  }
  func.func @transform_4(%arg0: i32) -> (i32, i32) {
    %c0_i32 = arith.constant 0 : i32
    %c0_i32_0 = arith.constant 0 : i32
    return %arg0, %c0_i32 : i32, i32
  }
  func.func @transform_5(%arg0: i32) -> (i32, i32) {
    %c0_i32 = arith.constant 0 : i32
    %c0_i32_0 = arith.constant 0 : i32
    return %arg0, %c0_i32 : i32, i32
  }
}

module attributes {stable_mosaic.version = 14 : i64} {
  func.func @_final_body(%arg0: i32, %arg1: memref<2x2048x128xf32, #tpu.memory_space<vmem>>, %arg2: memref<2048x1xf32, #tpu.memory_space<vmem>>, %arg3: memref<1x128xf32, #tpu.memory_space<vmem>>, %arg4: memref<1x128xf32, #tpu.memory_space<vmem>>) attributes {dimension_semantics = [#tpu.dimension_semantics<arbitrary>], iteration_bounds = array<i64: 5>, scalar_prefetch = 0 : i64, scratch_operands = 0 : i64, tpu.core_type = #tpu.core_type<tc>, window_params = [{transform_indices = @transform_0, window_bounds = array<i64: 2, 2048, 128>}, {transform_indices = @transform_1, window_bounds = array<i64: 2048, 1>}, {pipeline_mode = #tpu.pipeline_mode<synchronous>, transform_indices = @transform_2, window_bounds = array<i64: 1, 128>}, {pipeline_mode = #tpu.pipeline_mode<synchronous>, transform_indices = @transform_3, window_bounds = array<i64: 1, 128>}]} {
    %get3A = arith.constant 0 : index
    %get3A_0 = arith.constant 0 : index
    %get3A_1 = arith.constant 0 : index
    %get3A_2 = vector.load %arg1[%get3A, %get3A_0, %get3A_1] : memref<2x2048x128xf32, #tpu.memory_space<vmem>>, vector<1x2048x128xf32>
    %get3A_3 = vector.shape_cast %get3A_2 : vector<1x2048x128xf32> to vector<2048x128xf32>
    %get3A_4 = arith.constant 1 : index
    %get3A_5 = arith.constant 0 : index
    %get3A_6 = arith.constant 0 : index
    %get3A_7 = vector.load %arg1[%get3A_4, %get3A_5, %get3A_6] : memref<2x2048x128xf32, #tpu.memory_space<vmem>>, vector<1x2048x128xf32>
    %get3A_8 = vector.shape_cast %get3A_7 : vector<1x2048x128xf32> to vector<2048x128xf32>
    %add3A = arith.addf %get3A_3, %get3A_8 : vector<2048x128xf32>
    %get3A_9 = arith.constant 0 : index
    %get3A_10 = arith.constant 0 : index
    %get3A_11 = vector.load %arg2[%get3A_9, %get3A_10] : memref<2048x1xf32, #tpu.memory_space<vmem>>, vector<2048x1xf32>
    %mul3A = vector.broadcast %get3A_11 : vector<2048x1xf32> to vector<2048x128xf32>
    %mul3A_12 = arith.mulf %add3A, %mul3A : vector<2048x128xf32>
    %get3A_13 = arith.constant 0 : index
    %get3A_14 = arith.constant 0 : index
    %get3A_15 = vector.load %arg3[%get3A_13, %get3A_14] : memref<1x128xf32, #tpu.memory_space<vmem>>, vector<1x128xf32>
    %add3A_16 = vector.broadcast %get3A_15 : vector<1x128xf32> to vector<2048x128xf32>
    %add3A_17 = arith.addf %mul3A_12, %add3A_16 : vector<2048x128xf32>
    %max3A = arith.constant 0.000000e+00 : f32
    %max3A_18 = vector.broadcast %max3A : f32 to vector<2048x128xf32>
    %max3A_19 = arith.maximumf %add3A_17, %max3A_18 : vector<2048x128xf32>
    %iota3A = tpu.iota {dimensions = array<i32: 0>} : vector<2048x1xi32>
    %mul3A_20 = arith.constant 2048 : i32
    %mul3A_21 = arith.muli %arg0, %mul3A_20 : i32
    %add3A_22 = vector.broadcast %mul3A_21 : i32 to vector<2048x1xi32>
    %add3A_23 = arith.addi %iota3A, %add3A_22 : vector<2048x1xi32>
    %lt3A = arith.constant 10000 : i32
    %lt3A_24 = vector.broadcast %lt3A : i32 to vector<2048x1xi32>
    %lt3A_25 = arith.cmpi slt, %add3A_23, %lt3A_24 : vector<2048x1xi32>
    %jit3A = arith.constant 0.000000e+00 : f32
    %broadcast_in_dim3A = vector.shape_cast %lt3A_25 : vector<2048x1xi1> to vector<2048x1xi1>
    %broadcast_in_dim3A_26 = vector.broadcast %broadcast_in_dim3A : vector<2048x1xi1> to vector<2048x128xi1>
    %broadcast_in_dim3A_27 = vector.broadcast %jit3A : f32 to vector<2048x128xf32>
    %select_n3A = arith.select %broadcast_in_dim3A_26, %max3A_19, %broadcast_in_dim3A_27 : vector<2048x128xi1>, vector<2048x128xf32>
    %reduce_sum3A = arith.constant dense<0.000000e+00> : vector<128xf32>
    %reduce_sum3A_28 = vector.multi_reduction <add>, %select_n3A, %reduce_sum3A [0] : vector<2048x128xf32> to vector<128xf32>
    %broadcast_in_dim3A_29 = vector.shape_cast %reduce_sum3A_28 : vector<128xf32> to vector<1x128xf32>
    %mul3A_30 = arith.constant 9.99999974E-5 : f32
    %mul3A_31 = vector.broadcast %mul3A_30 : f32 to vector<1x128xf32>
    %mul3A_32 = arith.mulf %broadcast_in_dim3A_29, %mul3A_31 : vector<1x128xf32>
    %eq3A = arith.constant 0 : i32
    %eq3A_33 = arith.cmpi eq, %arg0, %eq3A : i32
    %convert_element_type3A = arith.extui %eq3A_33 : i1 to i32
    %cond3A = arith.constant 0 : i32
    %cond3A_34 = arith.cmpi ne, %convert_element_type3A, %cond3A : i32
    scf.if %cond3A_34 {
      %swap3A = arith.constant 0 : index
      %swap3A_39 = arith.constant 0 : index
      %swap3A_40 = vector.load %arg4[%swap3A, %swap3A_39] : memref<1x128xf32, #tpu.memory_space<vmem>>, vector<1x128xf32>
      tpu.vector_store %arg4[%swap3A, %swap3A_39], %mul3A_32 {strides = array<i32>} : memref<1x128xf32, #tpu.memory_space<vmem>>, vector<1x128xf32>,
    } else {
    }
    %gt3A = arith.constant 0 : i32
    %gt3A_35 = arith.cmpi sgt, %arg0, %gt3A : i32
    %convert_element_type3A_36 = arith.extui %gt3A_35 : i1 to i32
    %cond3A_37 = arith.constant 0 : i32
    %cond3A_38 = arith.cmpi ne, %convert_element_type3A_36, %cond3A_37 : i32
    scf.if %cond3A_38 {
      %get3A_39 = arith.constant 0 : index
      %get3A_40 = arith.constant 0 : index
      %get3A_41 = vector.load %arg4[%get3A_39, %get3A_40] : memref<1x128xf32, #tpu.memory_space<vmem>>, vector<1x128xf32>
      %add3A_42 = arith.addf %get3A_41, %mul3A_32 : vector<1x128xf32>
      %swap3A = arith.constant 0 : index
      %swap3A_43 = arith.constant 0 : index
      %swap3A_44 = vector.load %arg4[%swap3A, %swap3A_43] : memref<1x128xf32, #tpu.memory_space<vmem>>, vector<1x128xf32>
      tpu.vector_store %arg4[%swap3A, %swap3A_43], %add3A_42 {strides = array<i32>} : memref<1x128xf32, #tpu.memory_space<vmem>>, vector<1x128xf32>,
    } else {
    }
    return
  }
  func.func @transform_0(%arg0: i32) -> (i32, i32, i32) {
    %c0_i32 = arith.constant 0 : i32
    %c0_i32_0 = arith.constant 0 : i32
    %c0_i32_1 = arith.constant 0 : i32
    return %c0_i32, %arg0, %c0_i32_0 : i32, i32, i32
  }
  func.func @transform_1(%arg0: i32) -> (i32, i32) {
    %c0_i32 = arith.constant 0 : i32
    %c0_i32_0 = arith.constant 0 : i32
    return %arg0, %c0_i32 : i32, i32
  }
  func.func @transform_2(%arg0: i32) -> (i32, i32) {
    %c0_i32 = arith.constant 0 : i32
    %c0_i32_0 = arith.constant 0 : i32
    %c0_i32_1 = arith.constant 0 : i32
    return %c0_i32, %c0_i32_0 : i32, i32
  }
  func.func @transform_3(%arg0: i32) -> (i32, i32) {
    %c0_i32 = arith.constant 0 : i32
    %c0_i32_0 = arith.constant 0 : i32
    %c0_i32_1 = arith.constant 0 : i32
    return %c0_i32, %c0_i32_0 : i32, i32
  }
}

</mosaic_0001>

<sc_bundles>
// kernel: kernel.12.cloned.1.call-start
scs
__scs_entry_jumppad:
0x0: {  	(pc) =	sbr.rel $0x88, $3  }
0x1: {  	(tag) =	ssettag $0x0;
	lr =	simm.s32 $0x1  }
0x2: {  	[smem:$0x3F9B] =	sst lr;
	_ =	strace $0xD0000000  }
0x3: {  	_ = 	snop  }
0x4: {  	_ = 	snop  }
0x5: {  	_ = 	snop  }
0x6: {  	_ = 	snop  }
0x7: {  	_ = 	snop  }
__scs_overlays_trampoline_lowered:
0x8: {  	[smem:$0x3FAA] =	sst s0  }
0x9: {  	[smem:$0x3FAB] =	sst s1  }
0xa: {  	[smem:$0x3FAC] =	sst s2  }
0xb: {  	[smem:$0x3FAD] =	sst s3  }
0xc: {  	[smem:$0x3FAE] =	sst s4  }
0xd: {  	[smem:$0x3FAF] =	sst s5  }
0xe: {  	[smem:$0x3FB0] =	sst s6  }
0xf: {  	[smem:$0x3FB1] =	sst s7  }
0x10: {  	[smem:$0x3FB2] =	sst s8  }
0x11: {  	[smem:$0x3FB3] =	sst s9;
	s0 =	simm.s32 @!p0 $0x0  }
0x12: {  	s1 =	sld [smem:$0x3F99];
	s0 =	simm.s32 @p0 $0x1  }
0x13: {  	[smem:$0x3FB4] =	sst s0;
	s0 =	simm.s32 @!p1 $0x0  }
0x14: {  	s2 =	sld [smem:$0x3F98];
	s0 =	simm.s32 @p1 $0x1  }
0x15: {  	[smem:$0x3FB5] =	sst s0;
	s0 =	simm.s32 @!p2 $0x0  }
0x16: {  	s3 =	sld [smem:$0x3FDB];
	s0 =	simm.s32 @p2 $0x1  }
0x17: {  	s4 =	simm.s32 $0x1BF5;
	[smem:$0x3FB7] =	sst s0  }
0x18: {  	s0 =	sld [smem:$0x3F9A];
	_ =	swait.ge [sflag:s4], $0x0  }
0x19: {  	s7 =	sld [smem:$0x3F9B]  }
0x1a: {  	s8 =	sadd.s32 $0xFFFFE003, lr  }
0x1b: {  	s9 =	sadd.s32 $0xFFFFFEF7, lr;
	s5 =	simm.s32 $0xFFFFFFFF;
	p2 =	slt.u32 s8, $0xFFFFF086  }
0x1c: {  	p1 =	slt.u32 s9, $0xF7A;
	s5 =	simm.s32 @!p2 $0x0  }
0x1d: {  	s5 =	simm.s32 @p1 $0x1;
	p0 =	seq.s32 s7, s2  }
0x1e: {  	s7 =	smul.u32 @!p0 $0xF7A, s2;
	p2 =	seq.s32 @!p0 s5, $0x0  }
0x1f: {  	s9 =	smul.u32 $0xF7A, s1;
	s8 =	simm.s32 @!p0 $0x1BF5;
	p2 =	por !p2, p0  }
0x20: {  	[sflag:s8] =	ssyncset.s32 @!p0 $0xFFFFF086;
	s6 =	sadd.s32 @!p0 s3, s7;
	s7 =	simm.s32 @!p0 $0x108  }
0x21: {  	s3 =	sadd.s32 s3, s9;
	s6 =	sadd.s32 @!p0 $0x88, s6;
	s7 =	simm.s32 @p2 $0x1082  }
0x22: {  	[simem:s7], [sflag:s8] =	dma.local @!p0 [hbm:s6], $0xF7A  }
0x23: {  	s9 =	sor.u32 $0xD0000000, s2;
	s6 =	simm.s32 $0x108;
	_ =	swait.ge @!p0 [sflag:s8], $0x0  }
0x24: {  	s3 =	sadd.s32 $0x88, s3;
	s6 =	simm.s32 @!p1 $0x1082;
	[sflag:s4] =	ssyncset.s32 $0xFFFFF086  }
0x25: {  	[simem:s6], [sflag:s4] =	dma.local [hbm:s3], $0xF7A  }
0x26: {  	[smem:$0x3F9B] =	sst s1;
	(tag) =	ssettag s2;
	_ =	strace s9  }
0x27: {  	s1 =	sld [smem:$0x3FAB]  }
0x28: {  	s2 =	sld [smem:$0x3FAC]  }
0x29: {  	s4 =	sld [smem:$0x3FAE]  }
0x2a: {  	p0 =	seq.s32 s5, $0x0;
	s5 =	sld [smem:$0x3FAF]  }
0x2b: {  	s6 =	sld [smem:$0x3FB0]  }
0x2c: {  	s7 =	sld [smem:$0x3FB1]  }
0x2d: {  	s3 =	simm.s32 $0x108;
	s8 =	sld [smem:$0x3FB2]  }
0x2e: {  	s3 =	simm.s32 @!p0 $0x1082;
	s9 =	sld [smem:$0x3FB3]  }
0x2f: {  	lr =	sadd.s32 s0, s3;
	s0 =	sld [smem:$0x3FAA]  }
0x30: {  	s3 =	sld [smem:$0x3FAD]  }
0x31: {  	[smem:$0x3FB6] =	sst s10  }
0x32: {  	s10 =	sld [smem:$0x3FB4];
	_ =	sdelay $0x3  }
0x33: {  	p0 =	seq.s32 s10, $0x1;
	s10 =	sld [smem:$0x3FB6];
	_ =	sdelay $0x3  }
0x34: {  	[smem:$0x3FB6] =	sst s10  }
0x35: {  	s10 =	sld [smem:$0x3FB5];
	_ =	sdelay $0x3  }
0x36: {  	p1 =	seq.s32 s10, $0x1;
	s10 =	sld [smem:$0x3FB6];
	_ =	sdelay $0x3  }
0x37: {  	[smem:$0x3FB6] =	sst s10  }
0x38: {  	s10 =	sld [smem:$0x3FB7]  }
0x39: {  	_ = 	snop;
	(pc) =	sbr.ind lr, $3  }
0x3a: {  	_ = 	snop  }
0x3b: {  	_ = 	snop  }
0x3c: {  	p2 =	seq.s32 s10, $0x1;
	s10 =	sld [smem:$0x3FB6]  }
0x3d: {  	_ =	shalt  }
0x3e: {  	_ =	shalt  }
0x3f: {  	_ =	shalt  }
0x40: {  	_ =	shalt  }
0x41: {  	_ =	shalt  }
0x42: {  	_ =	shalt  }
0x43: {  	_ =	shalt  }
0x44: {  	_ =	shalt  }
0x45: {  	_ =	shalt  }
0x46: {  	_ =	shalt  }
0x47: {  	_ =	shalt  }
0x48: {  	_ =	shalt  }
0x49: {  	_ =	shalt  }
0x4a: {  	_ =	shalt  }
0x4b: {  	_ =	shalt  }
0x4c: {  	_ =	shalt  }
0x4d: {  	_ =	shalt  }
0x4e: {  	_ =	shalt  }
0x4f: {  	_ =	shalt  }
0x50: {  	_ =	shalt  }
0x51: {  	_ =	shalt  }
0x52: {  	_ =	shalt  }
0x53: {  	_ =	shalt  }
0x54: {  	_ =	shalt  }
0x55: {  	_ =	shalt  }
0x56: {  	_ =	shalt  }
0x57: {  	_ =	shalt  }
0x58: {  	_ =	shalt  }
0x59: {  	_ =	shalt  }
0x5a: {  	_ =	shalt  }
0x5b: {  	_ =	shalt  }
0x5c: {  	_ =	shalt  }
0x5d: {  	_ =	shalt  }
0x5e: {  	_ =	shalt  }
0x5f: {  	_ =	shalt  }
0x60: {  	_ =	shalt  }
0x61: {  	_ =	shalt  }
0x62: {  	_ =	shalt  }
0x63: {  	_ =	shalt  }
0x64: {  	_ =	shalt  }
0x65: {  	_ =	shalt  }
0x66: {  	_ =	shalt  }
0x67: {  	_ =	shalt  }
0x68: {  	_ =	shalt  }
0x69: {  	_ =	shalt  }
0x6a: {  	_ =	shalt  }
0x6b: {  	_ =	shalt  }
0x6c: {  	_ =	shalt  }
0x6d: {  	_ =	shalt  }
0x6e: {  	_ =	shalt  }
0x6f: {  	_ =	shalt  }
0x70: {  	_ =	shalt  }
0x71: {  	_ =	shalt  }
0x72: {  	_ =	shalt  }
0x73: {  	_ =	shalt  }
0x74: {  	_ =	shalt  }
0x75: {  	_ =	shalt  }
0x76: {  	_ =	shalt  }
0x77: {  	_ =	shalt  }
0x78: {  	_ =	shalt  }
0x79: {  	_ =	shalt  }
0x7a: {  	_ =	shalt  }
0x7b: {  	_ =	shalt  }
0x7c: {  	_ =	shalt  }
0x7d: {  	_ =	shalt  }
0x7e: {  	_ =	shalt  }
0x7f: {  	_ =	shalt  }
0x80: {  	_ =	shalt  }
0x81: {  	_ =	shalt  }
0x82: {  	_ =	shalt  }
0x83: {  	_ =	shalt  }
0x84: {  	_ =	shalt  }
0x85: {  	_ =	shalt  }
0x86: {  	_ =	shalt  }
0x87: {  	_ =	shalt  }
.Lfunc_end0:
.L_simem_size_0:
called_computation.1_lowered:
.L_overlay_start_0:
0x88: {  	s2 =	sld [smem:$0x3FD9]  }
0x89: {  	s3 =	sld [smem:$0x3FFE];
	_ =	sdelay $0x1  }
0x8a: {  	s1 =	srdreg.scid  }
0x8b: {  	s0 =	sand.u32 $0x1, s1  }
0x8c: {  	s16 =	sshll.u32 s0, $0xA;
	s2 =	sadd.s32 s3, s2  }
0x8d: {  	s2 =	sadd.s32 s2, s16  }
0x8e: {  	[smem:$0x3FC2] =	sst s2  }
0x8f: {  	_ = 	snop  }
0x90: {  	(tm) =	ssettm $0x1  }
0x91: {  	s17 =	sld [smem:$0x3FFB];
	_ =	sdelay $0x3  }
0x92: {  	_ =	strace s17  }
0x93: {  	s2 =	sld [smem:$0x3FFC];
	_ =	sdelay $0x3  }
0x94: {  	_ =	strace s2  }
0x95: {  	s2 =	sld [smem:$0x3FFD];
	_ =	sdelay $0x3  }
0x96: {  	_ =	strace s2  }
0x97: {  	_ =	strace $0x8FFFFFFF  }
0x98: {  	s18 =	sld [smem:$0x3FDB];
	_ =	sdelay $0x1  }
0x99: {  	s19 =	simm.s32 $_scs_section_size  }
0x9a: {  	s4 =	simm.s32 $_size__tile_overlayer_lowered;
	s5 =	simm.s32 $_tile_overlayer_lowered  }
0x9b: {  	s22 =	simm.s32 $0x1BFF;
	s21 =	sshll.u32 s5, $0x1;
	s2 =	sadd.s32 s19, s18  }
0x9c: {  	s6 =	simm.s32 $0x0;
	s20 =	sshll.u32 s4, $0x1;
	s4 =	sadd.s32 s21, s2  }
0x9d: {  	[timem:s6], [sflag:s22] =	dma.local [hbm:s4], s20  }
0x9e: {  	_ =	swait.ge [sflag:s22], s20  }
0x9f: {  	s3 =	ssub.s32 $0x0, s20;
	[sflag:s22] =	ssyncset.done $0x0  }
0xa0: {  	[sflag:s22] =	ssyncadd.s32 s3;
	_ =	sdelay $0x1  }
0xa1: {  	s23 =	simm.s32 $0x1B8B  }
0xa2: {  	_ =	swait.ge [sflag:s23], $0x1  }
0xa3: {  	[sflag:s23] =	ssyncset.done $0x0  }
0xa4: {  	s25 =	simm.s32 $0x1B8E;
	s24 =	sld [smem:$0x3FFE];
	[sflag:s23] =	ssyncadd.s32 $0xFFFFFFFF  }
0xa5: {  	s26 =	simm.s32 $execute0_lowered;
	[smem:$0x3FD2] =	sst s25  }
0xa6: {  	s4 =	sshll.u32 s26, $0x1;
	_ =	strace $0x80000049;
	[dreg:$0x1] =	wrdreg $0xFFFFFFFF  }
0xa7: {  	s28 =	simm.s32 $_size_execute0_lowered;
	s2 =	sadd.s32 s2, s4;
	[dreg:$0x0] =	wrdreg $0x0  }
0xa8: {  	s4 =	sshll.u32 s28, $0x1;
	[dreg:$0x2] =	wrdreg s2  }
0xa9: {  	[dreg:$0x3] =	wrdreg s4  }
0xaa: {  	[dreg:$0x4] =	wrdreg $0xC0  }
0xab: {  	_ =	task [dreg:s6], $0x5FFFF  }
0xac: {  	[dreg:$0x1] =	wrdreg $0xFFFFFFFF  }
0xad: {  	[dreg:$0x0] =	wrdreg $0x60  }
0xae: {  	[dreg:$0x2] =	wrdreg s24  }
0xaf: {  	[dreg:$0x3] =	wrdreg $0xA9000  }
0xb0: {  	[dreg:$0x4] =	wrdreg $0x9  }
0xb1: {  	_ =	task.clear_ibuf [dreg:s6], $0x5FFFF;
	_ =	strace $0x90000049  }
0xb2: {  	s29 =	simm.s32 $0x9;
	_ =	strace $0x8000004B  }
0xb3: {  	_ =	swait.ge [sflag:s29], $0x1  }
0xb4: {  	[sflag:s29] =	ssyncadd.s32 $0xFFFFFFFF  }
0xb5: {  	_ =	strace $0x9000004B  }
0xb6: {  	_ =	sfence  }
0xb7: {  	s30 =	sld [smem:$0x0];
	_ =	sdelay $0x2  }
0xb8: {  	s31 =	sshll.u32 s1, $0xD;
	s1 =	sshrl.u32 s1, $0x2  }
0xb9: {  	s3 =	sand.u32 $0x4000, s31;
	s1 =	sadd.s32 s1, s30  }
0xba: {  	s0 =	sor.u32 s3, s0;
	s1 =	sshll.u32 s1, $0x11  }
0xbb: {  	s0 =	sor.u32 s1, s0  }
0xbc: {  	s0 =	sadd.s32 $0x8F2B, s0  }
0xbd: {  	[sflag:s0] =	ssyncadd.remote.s32 $0x1  }
0xbe: {  	_ =	sfence.sel $0xFFFF  }
0xbf: {  	[dreg:$0x0] =	wrdreg $0xFFFFFFFF;
	(pc) =	sbr.abs _section_cstart, $3  }
0xc0: {  	[dreg:$0x1] =	wrdreg $0xFFFFFFFF  }
0xc1: {  	_ =	task.clear_ibuf [dreg:s6], $0x2FFFF;
	_ =	strace $0x9FFFFFFF  }
0xc2: {  	(tm) =	ssettm $0x7FFFFFFF  }
0xc3: {  	_ =	shalt  }
tec
execute0_lowered:
.L_overlay_start_1:
0x0: {  	(tag) =	ssettag $0x1  }
0x1: {  	s0 =	srdreg.scid;
	s6 =	rddreg [dreg:$0x0]  }
0x2: {  	s15 =	stileid.u32;
	s2 =	rddreg [dreg:$0x1];
	s3 =	simm.s32 $0x0  }
0x3: {  	s16 =	simm.s32 $0x40;
	s22 =	simm.s32 $0x0;
	s5 =	smul.u32 $0x14000, s15  }
0x4: {  	s0 =	sand.u32 $0x1, s0;
	[smem:$0x7FF] =	sst s3;
	s13 =	smul.u32 $0x50000, s15  }
0x5: {  	s12 =	sadd.s32 $0x1C00, s6;
	s24 =	sadd.s32 $0x3D800, s6;
	s26 =	smul.u32 $0x1388, s15  }
0x6: {  	s31 =	sshll.u32 s15, $0x6;
	s1 =	sshll.u32 s0, $0x4;
	s4 =	smul.u32 $0x140000, s0  }
0x7: {  	_ =	strace $0x8000004A;
	[dreg:$0x3] =	wrdreg s24;
	s25 =	ssub.s32 $0x2, s0  }
0x8: {  	s0 =	smul.u32 $0x13880, s0;
	s1 =	sor.u32 s15, s1;
	s14 =	sshrl.u32 s25, $0x1  }
0x9: {  	s29 =	sshrl.u32 s13, $0x2;
	s7 =	smul.u32 $0x1388, s1;
	s5 =	sadd.s32 s5, s4  }
0xa: {  	s4 =	sadd.s32 $0x15800, s6;
	p0 =	seq.s32 s1, $0x1F;
	s14 =	ssub.s32 s25, s14  }
0xb: {  	s0 =	sadd.s32 s26, s0;
	s30 =	sadd.s32 s29, s2;
	s11 =	sshrl.u32 s5, $0x3  }
0xc: {  	s0 =	sshrl.u32 s0, $0x2;
	s13 =	sshrl.u32 s30, $0x3;
	s8 =	sshrl.u32 s7, $0x8  }
0xd: {  	s11 =	sadd.s32 s11, s6;
	s7 =	sadd.s32 $0x1388, s7;
	s0 =	sand.u32 $0xFFC0, s0  }
0xe: {  	s9 =	sshll.u32 s8, $0x6;
	s7 =	sshrl.u32 s7, $0x5;
	s28 =	sshll.u32 s8, $0x3  }
0xf: {  	s0 =	sadd.s32 s0, s12;
	s10 =	sadd.s32 s9, s6;
	s7 =	sand.u32 $0x3FF8, s7  }
0x10: {  	s9 =	sadd.s32 s12, s9;
	s12 =	sadd.s32 $0x10, s0;
	s7 =	simm.s32 @p0 $0x1388  }
0x11: {  	s8 =	sadd.s32 $0xBA00, s10;
	s10 =	sadd.s32 $0x40000, s11;
	s11 =	smax.u32 s14, $0x1  }
0x12: {  	s14 =	simm.s32 $0x9;
	s6 =	ssub.s32 s7, s28;
	s7 =	sor.u32 $0x1C09, s31  }
.LBB2_1:
0x13: {  	s0 =	rddreg [dreg:$0x3]  }
0x14: {  	[spmem:s13], [sflag:s7] =	dma.local [hbm:s0], $0x2800  }
0x15: {  	_ =	swait.ge [sflag:s14], $0x2800  }
0x16: {  	[sflag:s14] =	ssyncset.done $0x0  }
0x17: {  	[sflag:s14] =	ssyncadd.s32 $0xFFFFD800  }
0x18: {  	[tilespmem:s3], [sflag:$0x9] =	stream.linear.gather [hbm4b:s8+s3], $0x2800, $0x38;
	[tilespmem:$0x1E900] =	vst v63  }
0x19: {  	_ =	swait.ge [sflag:s14], $0x2800  }
0x1a: {  	[sflag:s14] =	ssyncset.done $0x0  }
0x1b: {  	[sflag:s14] =	ssyncadd.s32 $0xFFFFD800  }
0x1c: {  	s21 =	simm.s32 $0x2800;
	[bflag:$0x0] =	sbarrier.arrive $0xFFFF  }
0x1d: {  	[tilespmem:s21], [sflag:$0x5] =	stream.linear.gather [hbm4b:s9+s3], $0x40, $0x38;
	[tilespmem:$0x1E900] =	vst v63  }
0x1e: {  	s23 =	simm.s32 $0x2900;
	p0 =	por $0x1, $0x1  }
0x1f: {  	[tilespmem:s23], [sflag:$0x1] =	stream.indirect.gather [hbm4b:s4+s16], $0x80, s3, s16, $0xb8;
	[tilespmem:$0x1E900] =	vst v63  }
0x20: {  	s24 =	simm.s32 $0x4900;
	s25 =	simm.s32 $0x80;
	p1 =	slt.s32 @!p0 s6, $0x0  }
0x21: {  	[tilespmem:s24], [sflag:$0x2] =	stream.indirect.gather [hbm4b:s4+s16], $0x80, s16, s16, $0xb8;
	[tilespmem:$0x1E900] =	vst v63  }
0x22: {  	s1 =	simm.s32 $0x6900;
	s26 =	simm.s32 $0x8900;
	p1 =	por p1, p0  }
0x23: {  	[tilespmem:s1], [sflag:$0x3] =	stream.indirect.gather [hbm4b:s4+s16], $0x80, s25, s16, $0xb8;
	[tilespmem:$0x1E900] =	vst v63  }
0x24: {  	p3 =	sle.s32 s6, $0x1;
	s0 =	simm.s32 $0xC0;
	s1 =	simm.s32 @!p1 $0x8  }
0x25: {  	[tilespmem:s26], [sflag:$0x4] =	stream.indirect.gather [hbm4b:s4+s16], $0x80, s0, s16, $0xb8;
	[tilespmem:$0x1E900] =	vst v63  }
0x26: {  	p4 =	sle.s32 s6, $0x0;
	p2 =	sle.s32 @!p0 s6, $0x3;
	_ =	swait.ge @!p1 [sflag:s1], $0x2000  }
0x27: {  	s15 =	sadd.s32 @!p3 $0xFFFFFFF8, s12;
	s17 =	simm.s32 @!p3 $0x0;
	[sflag:s1] =	ssyncset.done @!p1 $0x0  }
0x28: {  	p0 =	por p2, p0;
	s23 =	simm.s32 @!p3 $0x2880;
	[sflag:s1] =	ssyncadd.s32 @!p1 $0xFFFFE000  }
0x29: {  	[tilespmem:s23], [sflag:$0x6] =	stream.linear.gather @!p3 [hbm4b:s15+s17], $0x40, $0x38;
	[tilespmem:$0x1E900] =	vst v63  }
0x2a: {  	s1 =	simm.s32 @!p0 $0x8900;
	s15 =	simm.s32 @!p0 $0x40;
	s17 =	simm.s32 @!p4 $0x1  }
0x2b: {  	[tilespmem:s1], [sflag:$0x4] =	stream.indirect.gather @!p0 [hbm4b:s4+s15], $0x80, s0, s15, $0xb8;
	[tilespmem:$0x1E900] =	vst v63  }
0x2c: {  	_ =	swait.ge @!p4 [sflag:s17], $0x2000  }
0x2d: {  	[sflag:s17] =	ssyncset.done @!p4 $0x0  }
0x2e: {  	s0 =	simm.s32 @!p4 $0x5;
	[sflag:s17] =	ssyncadd.s32 @!p4 $0xFFFFE000  }
0x2f: {  	_ =	swait.ge @!p4 [sflag:s0], $0x40  }
0x30: {  	s24 =	simm.s32 @!p4 $0x7;
	s1 =	simm.s32 @!p4 $0x2900;
	[sflag:s0] =	ssyncset.done @!p4 $0x0  }
0x31: {  	s15 =	simm.s32 @!p4 $0x40;
	s17 =	simm.s32 @!p4 $0x2800;
	[sflag:s0] =	ssyncadd.s32 @!p4 $0xFFFFFFC0  }
0x32: {  	[spmem:s2] =	stream.indirect.scatter.add.f32 @!p4 [tilespmem:s1], [sflag:$0x7], $0x80, s17, s15, $0xb8;
	[tilespmem:$0x1E900] =	vst v63  }
0x33: {  	p2 =	sle.s32 s6, $0x2;
	_ =	swait.ge @!p4 [sflag:s24], $0x2000  }
0x34: {  	p1 =	sle.s32 s6, $0x4;
	s0 =	simm.s32 @!p2 $0x0;
	[sflag:s24] =	ssyncset.done @!p4 $0x0  }
0x35: {  	s1 =	simm.s32 @!p2 $0x2800;
	s15 =	simm.s32 @!p1 $0x100;
	[sflag:s24] =	ssyncadd.s32 @!p4 $0xFFFFE000  }
0x36: {  	[tilespmem:s1], [sflag:$0x5] =	stream.linear.gather @!p2 [hbm4b:s12+s0], $0x40, $0x38;
	[tilespmem:$0x1E900] =	vst v63  }
0x37: {  	s17 =	simm.s32 @!p1 $0x2900;
	s24 =	simm.s32 @!p3 $0x2;
	s0 =	simm.s32 @!p1 $0x40  }
0x38: {  	[tilespmem:s17], [sflag:$0x1] =	stream.indirect.gather @!p1 [hbm4b:s4+s0], $0x80, s15, s0, $0xb8;
	[tilespmem:$0x1E900] =	vst v63  }
0x39: {  	_ =	swait.ge @!p3 [sflag:s24], $0x2000  }
0x3a: {  	[sflag:s24] =	ssyncset.done @!p3 $0x0  }
0x3b: {  	s0 =	simm.s32 @!p3 $0x6;
	[sflag:s24] =	ssyncadd.s32 @!p3 $0xFFFFE000  }
0x3c: {  	_ =	swait.ge @!p3 [sflag:s0], $0x40  }
0x3d: {  	p0 =	sle.s32 s6, $0x3;
	s15 =	simm.s32 @!p3 $0x40;
	[sflag:s0] =	ssyncset.done @!p3 $0x0  }
0x3e: {  	s17 =	simm.s32 @!p3 $0x4900;
	s24 =	simm.s32 @!p4 $0x8;
	[sflag:s0] =	ssyncadd.s32 @!p3 $0xFFFFFFC0  }
0x3f: {  	[spmem:s2] =	stream.indirect.scatter.add.f32 @!p3 [tilespmem:s17], [sflag:$0x8], $0x80, s23, s15, $0xb8;
	[tilespmem:$0x1E900] =	vst v63  }
0x40: {  	s29 =	simm.s32 $0x8;
	s31 =	simm.s32 @!p0 $0x2880;
	_ =	swait.ge @!p4 [sflag:s24], $0x2000  }
0x41: {  	s0 =	sadd.s32 @!p0 $0x8, s12;
	p3 =	sle.s32 s6, $0x5;
	[sflag:s24] =	ssyncset.done @!p4 $0x0  }
0x42: {  	s15 =	simm.s32 @!p0 $0x0;
	s17 =	simm.s32 @!p3 $0x140;
	[sflag:s24] =	ssyncadd.s32 @!p4 $0xFFFFE000  }
0x43: {  	[tilespmem:s31], [sflag:$0x6] =	stream.linear.gather @!p0 [hbm4b:s0+s15], $0x40, $0x38;
	[tilespmem:$0x1E900] =	vst v63  }
0x44: {  	s24 =	simm.s32 @!p2 $0x3;
	s0 =	simm.s32 @!p3 $0x40;
	s15 =	simm.s32 @!p3 $0x4900  }
0x45: {  	[tilespmem:s15], [sflag:$0x2] =	stream.indirect.gather @!p3 [hbm4b:s4+s0], $0x80, s17, s0, $0xb8;
	[tilespmem:$0x1E900] =	vst v63  }
0x46: {  	p5 =	slt.s32 s6, $0x3;
	s25 =	simm.s32 @!p2 $0x6900;
	_ =	swait.ge @!p2 [sflag:s24], $0x2000  }
0x47: {  	s26 =	simm.s32 @!p5 $0x7;
	s28 =	simm.s32 @!p1 $0x2800;
	[sflag:s24] =	ssyncset.done @!p2 $0x0  }
0x48: {  	s23 =	simm.s32 $0x4;
	s15 =	simm.s32 @!p2 $0x5;
	[sflag:s24] =	ssyncadd.s32 @!p2 $0xFFFFE000  }
0x49: {  	p4 =	por $0x0, $0x0;
	s0 =	simm.s32 @!p0 $0x6;
	_ =	swait.ge @!p2 [sflag:s15], $0x40  }
0x4a: {  	s17 =	simm.s32 @!p2 $0x40;
	p3 =	sle.s32 s6, $0x6;
	[sflag:s15] =	ssyncset.done @!p2 $0x0  }
0x4b: {  	s30 =	simm.s32 @!p3 $0x180;
	s24 =	simm.s32 $0x1C0;
	[sflag:s15] =	ssyncadd.s32 @!p2 $0xFFFFFFC0  }
0x4c: {  	[spmem:s2] =	stream.indirect.scatter.add.f32 @!p2 [tilespmem:s25], [sflag:$0x7], $0x80, s1, s17, $0xb8;
	[tilespmem:$0x1E900] =	vst v63  }
0x4d: {  	s15 =	sadd.s32 @!p1 $0x10, s12;
	s17 =	simm.s32 @!p1 $0x0;
	_ =	swait.ge @!p5 [sflag:s26], $0x2000  }
0x4e: {  	s25 =	sadd.s32 $0x20, s12;
	s1 =	simm.s32 @!p3 $0x6900;
	[sflag:s26] =	ssyncset.done @!p5 $0x0  }
0x4f: {  	p2 =	slt.s32 @!p4 s6, $0x4;
	[sflag:s26] =	ssyncadd.s32 @!p5 $0xFFFFE000;
	s26 =	simm.s32 $0x7  }
0x50: {  	[tilespmem:s28], [sflag:$0x5] =	stream.linear.gather @!p1 [hbm4b:s15+s17], $0x40, $0x38;
	[tilespmem:$0x1E900] =	vst v63  }
0x51: {  	s15 =	simm.s32 @!p0 $0x4;
	s17 =	simm.s32 @!p3 $0x40;
	s28 =	simm.s32 $0x8  }
.LBB2_2:
0x52: {  	[tilespmem:s1], [sflag:$0x3] =	stream.indirect.gather @!p3 [hbm4b:s4+s17], $0x80, s30, s17, $0xb8;
	[tilespmem:$0x1E900] =	vst v63  }
0x53: {  	s1 =	smov.u32 s23;
	s23 =	smov.u32 s29;
	s30 =	smov.u32 s24  }
0x54: {  	p2 =	por p2, p4;
	s18 =	simm.s32 @!p0 $0x40;
	_ =	swait.ge @!p0 [sflag:s15], $0x2000  }
0x55: {  	s29 =	sadd.s32 $0x4, s29;
	s17 =	sadd.s32 $0x1, s1;
	[sflag:s15] =	ssyncset.done @!p0 $0x0  }
0x56: {  	p3 =	sge.s32 s17, s6;
	[sflag:s15] =	ssyncadd.s32 @!p0 $0xFFFFE000;
	s15 =	simm.s32 @!p0 $0x8900  }
0x57: {  	p1 =	sge.s32 @!p4 s26, s6;
	s19 =	simm.s32 @!p2 $0x8;
	_ =	swait.ge @!p0 [sflag:s0], $0x40  }
0x58: {  	p4 =	por p1, p4;
	s20 =	sadd.s32 @!p3 $0xFFFFFFF8, s25;
	[sflag:s0] =	ssyncset.done @!p0 $0x0  }
0x59: {  	s21 =	simm.s32 @!p3 $0x0;
	s17 =	simm.s32 @!p3 $0x2880;
	[sflag:s0] =	ssyncadd.s32 @!p0 $0xFFFFFFC0  }
0x5a: {  	[spmem:s2] =	stream.indirect.scatter.add.f32 @!p0 [tilespmem:s15], [sflag:$0x8], $0x80, s31, s18, $0xb8;
	[tilespmem:$0x1E900] =	vst v63  }
0x5b: {  	p1 =	sne.s32 s29, $0xA4;
	_ =	swait.ge @!p2 [sflag:s19], $0x2000  }
0x5c: {  	[sflag:s19] =	ssyncset.done @!p2 $0x0  }
0x5d: {  	p5 =	sge.s32 s1, s6;
	s0 =	simm.s32 @!p4 $0x8900;
	[sflag:s19] =	ssyncadd.s32 @!p2 $0xFFFFE000  }
0x5e: {  	[tilespmem:s17], [sflag:$0x6] =	stream.linear.gather @!p3 [hbm4b:s20+s21], $0x40, $0x38;
	[tilespmem:$0x1E900] =	vst v63  }
0x5f: {  	s15 =	simm.s32 @!p4 $0x40;
	s18 =	simm.s32 @!p5 $0x1;
	s19 =	simm.s32 @!p5 $0x5  }
0x60: {  	[tilespmem:s0], [sflag:$0x4] =	stream.indirect.gather @!p4 [hbm4b:s4+s15], $0x80, s24, s15, $0xb8;
	[tilespmem:$0x1E900] =	vst v63  }
0x61: {  	s0 =	simm.s32 @!p5 $0x2900;
	_ =	swait.ge @!p5 [sflag:s18], $0x2000  }
0x62: {  	s20 =	simm.s32 @!p5 $0x40;
	s21 =	simm.s32 @!p5 $0x2800;
	[sflag:s18] =	ssyncset.done @!p5 $0x0  }
0x63: {  	s15 =	sadd.s32 $0x2, s1;
	[sflag:s18] =	ssyncadd.s32 @!p5 $0xFFFFE000;
	s18 =	simm.s32 @!p5 $0x7  }
0x64: {  	p4 =	sge.s32 s15, s6;
	_ =	swait.ge @!p5 [sflag:s19], $0x40  }
0x65: {  	p2 =	sge.s32 s28, s6;
	s28 =	smov.u32 s29;
	[sflag:s19] =	ssyncset.done @!p5 $0x0  }
0x66: {  	s15 =	simm.s32 @!p4 $0x2800;
	[sflag:s19] =	ssyncadd.s32 @!p5 $0xFFFFFFC0;
	s19 =	simm.s32 @!p4 $0x0  }
0x67: {  	[spmem:s2] =	stream.indirect.scatter.add.f32 @!p5 [tilespmem:s0], [sflag:$0x7], $0x80, s21, s20, $0xb8;
	[tilespmem:$0x1E900] =	vst v63  }
0x68: {  	s0 =	sadd.s32 @!p2 $0x40, s24;
	s20 =	simm.s32 @!p2 $0x40;
	_ =	swait.ge @!p5 [sflag:s18], $0x2000  }
0x69: {  	[sflag:s18] =	ssyncset.done @!p5 $0x0  }
0x6a: {  	s21 =	simm.s32 @!p3 $0x2;
	[sflag:s18] =	ssyncadd.s32 @!p5 $0xFFFFE000;
	s18 =	simm.s32 @!p2 $0x2900  }
0x6b: {  	[tilespmem:s15], [sflag:$0x5] =	stream.linear.gather @!p4 [hbm4b:s25+s19], $0x40, $0x38;
	[tilespmem:$0x1E900] =	vst v63  }
0x6c: {  	s19 =	simm.s32 @!p3 $0x6  }
0x6d: {  	[tilespmem:s18], [sflag:$0x1] =	stream.indirect.gather @!p2 [hbm4b:s4+s20], $0x80, s0, s20, $0xb8;
	[tilespmem:$0x1E900] =	vst v63  }
0x6e: {  	_ =	swait.ge @!p3 [sflag:s21], $0x2000  }
0x6f: {  	s18 =	simm.s32 @!p3 $0x40;
	s20 =	simm.s32 @!p3 $0x4900;
	[sflag:s21] =	ssyncset.done @!p3 $0x0  }
0x70: {  	[sflag:s21] =	ssyncadd.s32 @!p3 $0xFFFFE000;
	s21 =	simm.s32 @!p5 $0x8  }
0x71: {  	p0 =	sge.s32 s26, s6;
	_ =	swait.ge @!p3 [sflag:s19], $0x40  }
0x72: {  	s0 =	simm.s32 @!p0 $0x6;
	[sflag:s19] =	ssyncset.done @!p3 $0x0  }
0x73: {  	s31 =	simm.s32 @!p0 $0x2880;
	[sflag:s19] =	ssyncadd.s32 @!p3 $0xFFFFFFC0;
	s19 =	sadd.s32 @!p0 $0x8, s25  }
0x74: {  	[spmem:s2] =	stream.indirect.scatter.add.f32 @!p3 [tilespmem:s20], [sflag:$0x8], $0x80, s17, s18, $0xb8;
	[tilespmem:$0x1E900] =	vst v63  }
0x75: {  	s17 =	simm.s32 @!p0 $0x0;
	s18 =	sadd.s32 $0x5, s1;
	_ =	swait.ge @!p5 [sflag:s21], $0x2000  }
0x76: {  	p3 =	sge.s32 s18, s6;
	[sflag:s21] =	ssyncset.done @!p5 $0x0  }
0x77: {  	s18 =	sadd.s32 @!p3 $0x80, s24;
	s20 =	simm.s32 @!p3 $0x40;
	s5 =	simm.s32 @!p3 $0x4900  }
0x78: {  	[sflag:s21] =	ssyncadd.s32 @!p5 $0xFFFFE000;
	s21 =	simm.s32 @!p4 $0x3  }
0x79: {  	[tilespmem:s31], [sflag:$0x6] =	stream.linear.gather @!p0 [hbm4b:s19+s17], $0x40, $0x38;
	[tilespmem:$0x1E900] =	vst v63  }
0x7a: {  	s17 =	simm.s32 @!p4 $0x5  }
0x7b: {  	[tilespmem:s5], [sflag:$0x2] =	stream.indirect.gather @!p3 [hbm4b:s4+s20], $0x80, s18, s20, $0xb8;
	[tilespmem:$0x1E900] =	vst v63  }
0x7c: {  	p5 =	sgt.s32 s26, s6;
	s5 =	simm.s32 @!p4 $0x40;
	_ =	swait.ge @!p4 [sflag:s21], $0x2000  }
0x7d: {  	s19 =	simm.s32 @!p5 $0x7;
	s18 =	simm.s32 @!p4 $0x6900;
	[sflag:s21] =	ssyncset.done @!p4 $0x0  }
0x7e: {  	[sflag:s21] =	ssyncadd.s32 @!p4 $0xFFFFE000  }
0x7f: {  	s1 =	sadd.s32 $0x6, s1;
	s24 =	sadd.s32 $0x100, s24;
	_ =	swait.ge @!p4 [sflag:s17], $0x40  }
0x80: {  	s26 =	simm.s32 @!p2 $0x0;
	s20 =	simm.s32 @!p2 $0x2800;
	[sflag:s17] =	ssyncset.done @!p4 $0x0  }
0x81: {  	p3 =	sge.s32 s1, s6;
	s21 =	sadd.s32 @!p2 $0x10, s25;
	[sflag:s17] =	ssyncadd.s32 @!p4 $0xFFFFFFC0  }
0x82: {  	[spmem:s2] =	stream.indirect.scatter.add.f32 @!p4 [tilespmem:s18], [sflag:$0x7], $0x80, s15, s5, $0xb8;
	[tilespmem:$0x1E900] =	vst v63  }
.Ltmp0:
0x83: {  	s25 =	sadd.s32 $0x20, s25;
	_ =	swait.ge @!p5 [sflag:s19], $0x2000;
	(pc) =	sbr.rel @p1 .LBB2_2-.Ltmp0, $4  }
0x84: {  	s1 =	simm.s32 @!p3 $0x6900;
	s15 =	simm.s32 @!p0 $0x4;
	[sflag:s19] =	ssyncset.done @!p5 $0x0  }
0x85: {  	s17 =	simm.s32 @!p3 $0x40;
	p4 =	seq.s32 s23, $0x0;
	[sflag:s19] =	ssyncadd.s32 @!p5 $0xFFFFE000  }
0x86: {  	[tilespmem:s20], [sflag:$0x5] =	stream.linear.gather @!p2 [hbm4b:s21+s26], $0x40, $0x38;
	[tilespmem:$0x1E900] =	vst v63  }
0x87: {  	s30 =	sadd.s32 @!p3 $0xC0, s30;
	p2 =	sgt.s32 @!p4 s23, s6;
	s26 =	sadd.s32 $0x3, s23  }
0x88: {  	[tilespmem:s1], [sflag:$0x3] =	stream.indirect.gather @!p3 [hbm4b:s4+s17], $0x80, s30, s17, $0xb8;
	[tilespmem:$0x1E900] =	vst v63  }
0x89: {  	_ =	swait.ge @!p0 [sflag:s15], $0x2000  }
0x8a: {  	[sflag:s15] =	ssyncset.done @!p0 $0x0  }
0x8b: {  	[sflag:s15] =	ssyncadd.s32 @!p0 $0xFFFFE000  }
0x8c: {  	p2 =	por p2, p4;
	s29 =	sadd.s32 $0x1, s23;
	_ =	swait.ge @!p0 [sflag:s0], $0x40  }
0x8d: {  	s5 =	simm.s32 @!p0 $0x40;
	s1 =	simm.s32 @!p0 $0x8900;
	[sflag:s0] =	ssyncset.done @!p0 $0x0  }
0x8e: {  	p1 =	sge.s32 s29, s6;
	s15 =	simm.s32 @!p2 $0x8;
	[sflag:s0] =	ssyncadd.s32 @!p0 $0xFFFFFFC0  }
0x8f: {  	[spmem:s2] =	stream.indirect.scatter.add.f32 @!p0 [tilespmem:s1], [sflag:$0x8], $0x80, s31, s5, $0xb8;
	[tilespmem:$0x1E900] =	vst v63  }
0x90: {  	s0 =	sadd.s32 @!p1 $0xFFFFFFF8, s25;
	p0 =	sge.s32 @!p4 s26, s6;
	_ =	swait.ge @!p2 [sflag:s15], $0x2000  }
0x91: {  	s1 =	simm.s32 @!p1 $0x0;
	s5 =	simm.s32 @!p1 $0x2880;
	[sflag:s15] =	ssyncset.done @!p2 $0x0  }
0x92: {  	p0 =	por p0, p4;
	[sflag:s15] =	ssyncadd.s32 @!p2 $0xFFFFE000;
	p2 =	sge.s32 s23, s6  }
0x93: {  	[tilespmem:s5], [sflag:$0x6] =	stream.linear.gather @!p1 [hbm4b:s0+s1], $0x40, $0x38;
	[tilespmem:$0x1E900] =	vst v63  }
0x94: {  	s0 =	simm.s32 @!p0 $0x8900;
	s1 =	simm.s32 @!p0 $0x40;
	s15 =	simm.s32 @!p2 $0x1  }
0x95: {  	[tilespmem:s0], [sflag:$0x4] =	stream.indirect.gather @!p0 [hbm4b:s4+s1], $0x80, s24, s1, $0xb8;
	[tilespmem:$0x1E900] =	vst v63  }
0x96: {  	_ =	swait.ge @!p2 [sflag:s15], $0x2000  }
0x97: {  	[sflag:s15] =	ssyncset.done @!p2 $0x0  }
0x98: {  	s0 =	simm.s32 @!p2 $0x5;
	[sflag:s15] =	ssyncadd.s32 @!p2 $0xFFFFE000  }
0x99: {  	s19 =	sadd.s32 $0x2, s23;
	_ =	swait.ge @!p2 [sflag:s0], $0x40  }
0x9a: {  	s17 =	simm.s32 @!p2 $0x2800;
	s18 =	simm.s32 @!p2 $0x7;
	[sflag:s0] =	ssyncset.done @!p2 $0x0  }
0x9b: {  	s1 =	simm.s32 @!p2 $0x2900;
	s15 =	simm.s32 @!p2 $0x40;
	[sflag:s0] =	ssyncadd.s32 @!p2 $0xFFFFFFC0  }
0x9c: {  	[spmem:s2] =	stream.indirect.scatter.add.f32 @!p2 [tilespmem:s1], [sflag:$0x7], $0x80, s17, s15, $0xb8;
	[tilespmem:$0x1E900] =	vst v63  }
0x9d: {  	p4 =	sge.s32 s19, s6;
	_ =	swait.ge @!p2 [sflag:s18], $0x2000  }
0x9e: {  	p0 =	sge.s32 s28, s6;
	s0 =	simm.s32 @!p4 $0x0;
	[sflag:s18] =	ssyncset.done @!p2 $0x0  }
0x9f: {  	s1 =	simm.s32 @!p4 $0x2800;
	s15 =	sadd.s32 @!p0 $0x40, s24;
	[sflag:s18] =	ssyncadd.s32 @!p2 $0xFFFFE000  }
0xa0: {  	[tilespmem:s1], [sflag:$0x5] =	stream.linear.gather @!p4 [hbm4b:s25+s0], $0x40, $0x38;
	[tilespmem:$0x1E900] =	vst v63  }
0xa1: {  	s17 =	simm.s32 @!p0 $0x2900;
	s18 =	simm.s32 @!p1 $0x2;
	s0 =	simm.s32 @!p0 $0x40  }
0xa2: {  	[tilespmem:s17], [sflag:$0x1] =	stream.indirect.gather @!p0 [hbm4b:s4+s0], $0x80, s15, s0, $0xb8;
	[tilespmem:$0x1E900] =	vst v63  }
0xa3: {  	_ =	swait.ge @!p1 [sflag:s18], $0x2000  }
0xa4: {  	[sflag:s18] =	ssyncset.done @!p1 $0x0  }
0xa5: {  	s0 =	simm.s32 @!p1 $0x6;
	[sflag:s18] =	ssyncadd.s32 @!p1 $0xFFFFE000  }
0xa6: {  	_ =	swait.ge @!p1 [sflag:s0], $0x40  }
0xa7: {  	p3 =	sge.s32 s26, s6;
	s15 =	simm.s32 @!p1 $0x40;
	[sflag:s0] =	ssyncset.done @!p1 $0x0  }
0xa8: {  	s17 =	simm.s32 @!p1 $0x4900;
	s18 =	simm.s32 @!p2 $0x8;
	[sflag:s0] =	ssyncadd.s32 @!p1 $0xFFFFFFC0  }
0xa9: {  	[spmem:s2] =	stream.indirect.scatter.add.f32 @!p1 [tilespmem:s17], [sflag:$0x8], $0x80, s5, s15, $0xb8;
	[tilespmem:$0x1E900] =	vst v63  }
0xaa: {  	s30 =	sadd.s32 $0x5, s23;
	s0 =	sadd.s32 @!p3 $0x8, s25;
	_ =	swait.ge @!p2 [sflag:s18], $0x2000  }
0xab: {  	s15 =	simm.s32 @!p3 $0x2880;
	p1 =	sge.s32 s30, s6;
	[sflag:s18] =	ssyncset.done @!p2 $0x0  }
0xac: {  	s5 =	simm.s32 @!p3 $0x0;
	s17 =	sadd.s32 @!p1 $0x80, s24;
	[sflag:s18] =	ssyncadd.s32 @!p2 $0xFFFFE000  }
0xad: {  	[tilespmem:s15], [sflag:$0x6] =	stream.linear.gather @!p3 [hbm4b:s0+s5], $0x40, $0x38;
	[tilespmem:$0x1E900] =	vst v63  }
0xae: {  	s18 =	simm.s32 @!p4 $0x3;
	s0 =	simm.s32 @!p1 $0x40;
	s5 =	simm.s32 @!p1 $0x4900  }
0xaf: {  	[tilespmem:s5], [sflag:$0x2] =	stream.indirect.gather @!p1 [hbm4b:s4+s0], $0x80, s17, s0, $0xb8;
	[tilespmem:$0x1E900] =	vst v63  }
0xb0: {  	_ =	swait.ge @!p4 [sflag:s18], $0x2000  }
0xb1: {  	[sflag:s18] =	ssyncset.done @!p4 $0x0  }
0xb2: {  	s0 =	simm.s32 @!p4 $0x5;
	[sflag:s18] =	ssyncadd.s32 @!p4 $0xFFFFE000  }
0xb3: {  	s31 =	sadd.s32 $0x6, s23;
	_ =	swait.ge @!p4 [sflag:s0], $0x40  }
0xb4: {  	s5 =	simm.s32 @!p4 $0x40;
	p1 =	sgt.s32 s26, s6;
	[sflag:s0] =	ssyncset.done @!p4 $0x0  }
0xb5: {  	s17 =	simm.s32 @!p4 $0x6900;
	s18 =	simm.s32 @!p1 $0x7;
	[sflag:s0] =	ssyncadd.s32 @!p4 $0xFFFFFFC0  }
0xb6: {  	[spmem:s2] =	stream.indirect.scatter.add.f32 @!p4 [tilespmem:s17], [sflag:$0x7], $0x80, s1, s5, $0xb8;
	[tilespmem:$0x1E900] =	vst v63  }
0xb7: {  	p2 =	sge.s32 s31, s6;
	_ =	swait.ge @!p1 [sflag:s18], $0x2000  }
0xb8: {  	s0 =	simm.s32 @!p0 $0x2800;
	s5 =	sadd.s32 @!p0 $0x10, s25;
	[sflag:s18] =	ssyncset.done @!p1 $0x0  }
0xb9: {  	s1 =	simm.s32 @!p0 $0x0;
	s17 =	simm.s32 @!p2 $0x6900;
	[sflag:s18] =	ssyncadd.s32 @!p1 $0xFFFFE000  }
0xba: {  	[tilespmem:s0], [sflag:$0x5] =	stream.linear.gather @!p0 [hbm4b:s5+s1], $0x40, $0x38;
	[tilespmem:$0x1E900] =	vst v63  }
0xbb: {  	s0 =	simm.s32 @!p3 $0x4;
	s1 =	simm.s32 @!p2 $0x40;
	s5 =	sadd.s32 @!p2 $0xC0, s24  }
0xbc: {  	[tilespmem:s17], [sflag:$0x3] =	stream.indirect.gather @!p2 [hbm4b:s4+s1], $0x80, s5, s1, $0xb8;
	[tilespmem:$0x1E900] =	vst v63  }
0xbd: {  	_ =	swait.ge @!p3 [sflag:s0], $0x2000  }
0xbe: {  	[sflag:s0] =	ssyncset.done @!p3 $0x0  }
0xbf: {  	s1 =	simm.s32 @!p3 $0x6;
	[sflag:s0] =	ssyncadd.s32 @!p3 $0xFFFFE000  }
0xc0: {  	s22 =	sadd.s32 $0x1, s22;
	_ =	swait.ge @!p3 [sflag:s1], $0x40  }
0xc1: {  	p0 =	sne.s32 s22, s11;
	[sflag:s1] =	ssyncset.done @!p3 $0x0  }
0xc2: {  	s5 =	simm.s32 @!p3 $0x8900;
	s0 =	simm.s32 @!p3 $0x40;
	[sflag:s1] =	ssyncadd.s32 @!p3 $0xFFFFFFC0  }
0xc3: {  	[spmem:s2] =	stream.indirect.scatter.add.f32 @!p3 [tilespmem:s5], [sflag:$0x8], $0x80, s15, s0, $0xb8;
	[tilespmem:$0x1E900] =	vst v63  }
.Ltmp1:
0xc4: {  	[bflag:$0x0] =	sbarrier.arrive $0xFFFF;
	(pc) =	sbr.rel @p0 .LBB2_1-.Ltmp1, $4  }
0xc5: {  	[hbm:s10], [sflag:s7] =	dma.local [spmem:s13], $0x2800  }
0xc6: {  	_ =	swait.ge [sflag:s14], $0x2800  }
0xc7: {  	[sflag:s14] =	ssyncset.done $0x0  }
0xc8: {  	[sflag:s14] =	ssyncadd.s32 $0xFFFFD800  }
0xc9: {  	_ =	sfence.sel $0x180000  }
0xca: {  	[bflag:$0x0] =	sbarrier.arrive $0xFFFF  }
0xcb: {  	_ =	strace $0x9000004A  }
0xcc: {  	s0 =	stileid.u32;
	[bflag:$0x2] =	sbarrier.arrive $0xFFFF  }
0xcd: {  	p0 =	sne.s32 s0, $0x0;
	s0 =	rddreg [dreg:$0x2]  }
0xce: {  	s0 =	sadd.s32 @!p0 $0x100000, s0  }
0xcf: {  	[sflag:s0] =	ssyncadd.tile.s32 @!p0 $0x1;
	_ =	shalt  }
.Lfunc_end2:
_tile_overlayer_lowered:
.L_overlay_start_2:
0xd0: {  	(tag) =	ssettag $0x2  }
0xd1: {  	s0 =	rddreg [dreg:$0x0];
	s2 =	stileid.u32  }
0xd2: {  	s1 =	rddreg [dreg:$0x1];
	p0 =	sne.s32 s2, $0x0  }
0xd3: {  	s3 =	rddreg [dreg:$0x2];
	[bflag:$0x3] =	sbarrier.arrive $0xFFFF;
	s2 =	simm.s32 @!p0 $0x1C09  }
0xd4: {  	[timem:s3], [sflag:s2] =	dma.local @!p0 [hbm:s0], s1  }
0xd5: {  	s0 =	simm.s32 @!p0 $0x9  }
0xd6: {  	_ =	swait.ge @!p0 [sflag:s0], s1  }
0xd7: {  	s1 =	ssub.s32 @!p0 $0x0, s1;
	[sflag:s0] =	ssyncset.done @!p0 $0x0  }
0xd8: {  	[sflag:s0] =	ssyncadd.s32 @!p0 s1  }
0xd9: {  	[bflag:$0x3] =	sbarrier.arrive $0xFFFF  }
0xda: {  	_ =	shalt  }

// kernel: kernel.15.cloned.1.call-start
scs
__scs_entry_jumppad:
0x0: {  	(pc) =	sbr.rel $0x88, $3  }
0x1: {  	(tag) =	ssettag $0x0;
	lr =	simm.s32 $0x1  }
0x2: {  	[smem:$0x3F9B] =	sst lr;
	_ =	strace $0xD0000000  }
0x3: {  	_ = 	snop  }
0x4: {  	_ = 	snop  }
0x5: {  	_ = 	snop  }
0x6: {  	_ = 	snop  }
0x7: {  	_ = 	snop  }
__scs_overlays_trampoline_lowered:
0x8: {  	[smem:$0x3FAA] =	sst s0  }
0x9: {  	[smem:$0x3FAB] =	sst s1  }
0xa: {  	[smem:$0x3FAC] =	sst s2  }
0xb: {  	[smem:$0x3FAD] =	sst s3  }
0xc: {  	[smem:$0x3FAE] =	sst s4  }
0xd: {  	[smem:$0x3FAF] =	sst s5  }
0xe: {  	[smem:$0x3FB0] =	sst s6  }
0xf: {  	[smem:$0x3FB1] =	sst s7  }
0x10: {  	[smem:$0x3FB2] =	sst s8  }
0x11: {  	[smem:$0x3FB3] =	sst s9;
	s0 =	simm.s32 @!p0 $0x0  }
0x12: {  	s1 =	sld [smem:$0x3F99];
	s0 =	simm.s32 @p0 $0x1  }
0x13: {  	[smem:$0x3FB4] =	sst s0;
	s0 =	simm.s32 @!p1 $0x0  }
0x14: {  	s2 =	sld [smem:$0x3F98];
	s0 =	simm.s32 @p1 $0x1  }
0x15: {  	[smem:$0x3FB5] =	sst s0;
	s0 =	simm.s32 @!p2 $0x0  }
0x16: {  	s3 =	sld [smem:$0x3FDB];
	s0 =	simm.s32 @p2 $0x1  }
0x17: {  	s4 =	simm.s32 $0x1BF5;
	[smem:$0x3FB7] =	sst s0  }
0x18: {  	s0 =	sld [smem:$0x3F9A];
	_ =	swait.ge [sflag:s4], $0x0  }
0x19: {  	s7 =	sld [smem:$0x3F9B]  }
0x1a: {  	s8 =	sadd.s32 $0xFFFFE003, lr  }
0x1b: {  	s9 =	sadd.s32 $0xFFFFFEF7, lr;
	s5 =	simm.s32 $0xFFFFFFFF;
	p2 =	slt.u32 s8, $0xFFFFF086  }
0x1c: {  	p1 =	slt.u32 s9, $0xF7A;
	s5 =	simm.s32 @!p2 $0x0  }
0x1d: {  	s5 =	simm.s32 @p1 $0x1;
	p0 =	seq.s32 s7, s2  }
0x1e: {  	s7 =	smul.u32 @!p0 $0xF7A, s2;
	p2 =	seq.s32 @!p0 s5, $0x0  }
0x1f: {  	s9 =	smul.u32 $0xF7A, s1;
	s8 =	simm.s32 @!p0 $0x1BF5;
	p2 =	por !p2, p0  }
0x20: {  	[sflag:s8] =	ssyncset.s32 @!p0 $0xFFFFF086;
	s6 =	sadd.s32 @!p0 s3, s7;
	s7 =	simm.s32 @!p0 $0x108  }
0x21: {  	s3 =	sadd.s32 s3, s9;
	s6 =	sadd.s32 @!p0 $0x88, s6;
	s7 =	simm.s32 @p2 $0x1082  }
0x22: {  	[simem:s7], [sflag:s8] =	dma.local @!p0 [hbm:s6], $0xF7A  }
0x23: {  	s9 =	sor.u32 $0xD0000000, s2;
	s6 =	simm.s32 $0x108;
	_ =	swait.ge @!p0 [sflag:s8], $0x0  }
0x24: {  	s3 =	sadd.s32 $0x88, s3;
	s6 =	simm.s32 @!p1 $0x1082;
	[sflag:s4] =	ssyncset.s32 $0xFFFFF086  }
0x25: {  	[simem:s6], [sflag:s4] =	dma.local [hbm:s3], $0xF7A  }
0x26: {  	[smem:$0x3F9B] =	sst s1;
	(tag) =	ssettag s2;
	_ =	strace s9  }
0x27: {  	s1 =	sld [smem:$0x3FAB]  }
0x28: {  	s2 =	sld [smem:$0x3FAC]  }
0x29: {  	s4 =	sld [smem:$0x3FAE]  }
0x2a: {  	p0 =	seq.s32 s5, $0x0;
	s5 =	sld [smem:$0x3FAF]  }
0x2b: {  	s6 =	sld [smem:$0x3FB0]  }
0x2c: {  	s7 =	sld [smem:$0x3FB1]  }
0x2d: {  	s3 =	simm.s32 $0x108;
	s8 =	sld [smem:$0x3FB2]  }
0x2e: {  	s3 =	simm.s32 @!p0 $0x1082;
	s9 =	sld [smem:$0x3FB3]  }
0x2f: {  	lr =	sadd.s32 s0, s3;
	s0 =	sld [smem:$0x3FAA]  }
0x30: {  	s3 =	sld [smem:$0x3FAD]  }
0x31: {  	[smem:$0x3FB6] =	sst s10  }
0x32: {  	s10 =	sld [smem:$0x3FB4];
	_ =	sdelay $0x3  }
0x33: {  	p0 =	seq.s32 s10, $0x1;
	s10 =	sld [smem:$0x3FB6];
	_ =	sdelay $0x3  }
0x34: {  	[smem:$0x3FB6] =	sst s10  }
0x35: {  	s10 =	sld [smem:$0x3FB5];
	_ =	sdelay $0x3  }
0x36: {  	p1 =	seq.s32 s10, $0x1;
	s10 =	sld [smem:$0x3FB6];
	_ =	sdelay $0x3  }
0x37: {  	[smem:$0x3FB6] =	sst s10  }
0x38: {  	s10 =	sld [smem:$0x3FB7]  }
0x39: {  	_ = 	snop;
	(pc) =	sbr.ind lr, $3  }
0x3a: {  	_ = 	snop  }
0x3b: {  	_ = 	snop  }
0x3c: {  	p2 =	seq.s32 s10, $0x1;
	s10 =	sld [smem:$0x3FB6]  }
0x3d: {  	_ =	shalt  }
0x3e: {  	_ =	shalt  }
0x3f: {  	_ =	shalt  }
0x40: {  	_ =	shalt  }
0x41: {  	_ =	shalt  }
0x42: {  	_ =	shalt  }
0x43: {  	_ =	shalt  }
0x44: {  	_ =	shalt  }
0x45: {  	_ =	shalt  }
0x46: {  	_ =	shalt  }
0x47: {  	_ =	shalt  }
0x48: {  	_ =	shalt  }
0x49: {  	_ =	shalt  }
0x4a: {  	_ =	shalt  }
0x4b: {  	_ =	shalt  }
0x4c: {  	_ =	shalt  }
0x4d: {  	_ =	shalt  }
0x4e: {  	_ =	shalt  }
0x4f: {  	_ =	shalt  }
0x50: {  	_ =	shalt  }
0x51: {  	_ =	shalt  }
0x52: {  	_ =	shalt  }
0x53: {  	_ =	shalt  }
0x54: {  	_ =	shalt  }
0x55: {  	_ =	shalt  }
0x56: {  	_ =	shalt  }
0x57: {  	_ =	shalt  }
0x58: {  	_ =	shalt  }
0x59: {  	_ =	shalt  }
0x5a: {  	_ =	shalt  }
0x5b: {  	_ =	shalt  }
0x5c: {  	_ =	shalt  }
0x5d: {  	_ =	shalt  }
0x5e: {  	_ =	shalt  }
0x5f: {  	_ =	shalt  }
0x60: {  	_ =	shalt  }
0x61: {  	_ =	shalt  }
0x62: {  	_ =	shalt  }
0x63: {  	_ =	shalt  }
0x64: {  	_ =	shalt  }
0x65: {  	_ =	shalt  }
0x66: {  	_ =	shalt  }
0x67: {  	_ =	shalt  }
0x68: {  	_ =	shalt  }
0x69: {  	_ =	shalt  }
0x6a: {  	_ =	shalt  }
0x6b: {  	_ =	shalt  }
0x6c: {  	_ =	shalt  }
0x6d: {  	_ =	shalt  }
0x6e: {  	_ =	shalt  }
0x6f: {  	_ =	shalt  }
0x70: {  	_ =	shalt  }
0x71: {  	_ =	shalt  }
0x72: {  	_ =	shalt  }
0x73: {  	_ =	shalt  }
0x74: {  	_ =	shalt  }
0x75: {  	_ =	shalt  }
0x76: {  	_ =	shalt  }
0x77: {  	_ =	shalt  }
0x78: {  	_ =	shalt  }
0x79: {  	_ =	shalt  }
0x7a: {  	_ =	shalt  }
0x7b: {  	_ =	shalt  }
0x7c: {  	_ =	shalt  }
0x7d: {  	_ =	shalt  }
0x7e: {  	_ =	shalt  }
0x7f: {  	_ =	shalt  }
0x80: {  	_ =	shalt  }
0x81: {  	_ =	shalt  }
0x82: {  	_ =	shalt  }
0x83: {  	_ =	shalt  }
0x84: {  	_ =	shalt  }
0x85: {  	_ =	shalt  }
0x86: {  	_ =	shalt  }
0x87: {  	_ =	shalt  }
.Lfunc_end0:
.L_simem_size_0:
called_computation.2_lowered:
.L_overlay_start_0:
0x88: {  	s2 =	sld [smem:$0x3FD9]  }
0x89: {  	s3 =	sld [smem:$0x3FFE];
	_ =	sdelay $0x1  }
0x8a: {  	s1 =	srdreg.scid  }
0x8b: {  	s0 =	sand.u32 $0x1, s1  }
0x8c: {  	s16 =	sshll.u32 s0, $0xA;
	s2 =	sadd.s32 s3, s2  }
0x8d: {  	s2 =	sadd.s32 s2, s16  }
0x8e: {  	[smem:$0x3FC2] =	sst s2  }
0x8f: {  	_ = 	snop  }
0x90: {  	(tm) =	ssettm $0x1  }
0x91: {  	s17 =	sld [smem:$0x3FFB];
	_ =	sdelay $0x3  }
0x92: {  	_ =	strace s17  }
0x93: {  	s2 =	sld [smem:$0x3FFC];
	_ =	sdelay $0x3  }
0x94: {  	_ =	strace s2  }
0x95: {  	s2 =	sld [smem:$0x3FFD];
	_ =	sdelay $0x3  }
0x96: {  	_ =	strace s2  }
0x97: {  	_ =	strace $0x8FFFFFFF  }
0x98: {  	s18 =	sld [smem:$0x3FDB];
	_ =	sdelay $0x1  }
0x99: {  	s19 =	simm.s32 $_scs_section_size  }
0x9a: {  	s4 =	simm.s32 $_size__tile_overlayer_lowered;
	s5 =	simm.s32 $_tile_overlayer_lowered  }
0x9b: {  	s22 =	simm.s32 $0x1BFF;
	s21 =	sshll.u32 s5, $0x1;
	s2 =	sadd.s32 s19, s18  }
0x9c: {  	s6 =	simm.s32 $0x0;
	s20 =	sshll.u32 s4, $0x1;
	s4 =	sadd.s32 s21, s2  }
0x9d: {  	[timem:s6], [sflag:s22] =	dma.local [hbm:s4], s20  }
0x9e: {  	_ =	swait.ge [sflag:s22], s20  }
0x9f: {  	s3 =	ssub.s32 $0x0, s20;
	[sflag:s22] =	ssyncset.done $0x0  }
0xa0: {  	[sflag:s22] =	ssyncadd.s32 s3;
	_ =	sdelay $0x1  }
0xa1: {  	s23 =	simm.s32 $0x1B8B  }
0xa2: {  	_ =	swait.ge [sflag:s23], $0x1  }
0xa3: {  	[sflag:s23] =	ssyncset.done $0x0  }
0xa4: {  	s25 =	simm.s32 $0x1B8E;
	s24 =	sld [smem:$0x3FFE];
	[sflag:s23] =	ssyncadd.s32 $0xFFFFFFFF  }
0xa5: {  	s26 =	simm.s32 $execute0_lowered;
	[smem:$0x3FD2] =	sst s25  }
0xa6: {  	s4 =	sshll.u32 s26, $0x1;
	_ =	strace $0x8000004C;
	[dreg:$0x1] =	wrdreg $0xFFFFFFFF  }
0xa7: {  	s28 =	simm.s32 $_size_execute0_lowered;
	s2 =	sadd.s32 s2, s4;
	[dreg:$0x0] =	wrdreg $0x0  }
0xa8: {  	s4 =	sshll.u32 s28, $0x1;
	[dreg:$0x2] =	wrdreg s2  }
0xa9: {  	[dreg:$0x3] =	wrdreg s4  }
0xaa: {  	[dreg:$0x4] =	wrdreg $0xC0  }
0xab: {  	_ =	task [dreg:s6], $0x5FFFF  }
0xac: {  	[dreg:$0x1] =	wrdreg $0xFFFFFFFF  }
0xad: {  	[dreg:$0x0] =	wrdreg $0x60  }
0xae: {  	[dreg:$0x2] =	wrdreg s24  }
0xaf: {  	[dreg:$0x3] =	wrdreg $0xA9000  }
0xb0: {  	[dreg:$0x4] =	wrdreg $0x9  }
0xb1: {  	_ =	task.clear_ibuf [dreg:s6], $0x5FFFF;
	_ =	strace $0x9000004C  }
0xb2: {  	s29 =	simm.s32 $0x9;
	_ =	strace $0x8000004E  }
0xb3: {  	_ =	swait.ge [sflag:s29], $0x1  }
0xb4: {  	[sflag:s29] =	ssyncadd.s32 $0xFFFFFFFF  }
0xb5: {  	_ =	strace $0x9000004E  }
0xb6: {  	_ =	sfence  }
0xb7: {  	s30 =	sld [smem:$0x0];
	_ =	sdelay $0x2  }
0xb8: {  	s31 =	sshll.u32 s1, $0xD;
	s1 =	sshrl.u32 s1, $0x2  }
0xb9: {  	s3 =	sand.u32 $0x4000, s31;
	s1 =	sadd.s32 s1, s30  }
0xba: {  	s0 =	sor.u32 s3, s0;
	s1 =	sshll.u32 s1, $0x11  }
0xbb: {  	s0 =	sor.u32 s1, s0  }
0xbc: {  	s0 =	sadd.s32 $0x8F2B, s0  }
0xbd: {  	[sflag:s0] =	ssyncadd.remote.s32 $0x1  }
0xbe: {  	_ =	sfence.sel $0xFFFF  }
0xbf: {  	[dreg:$0x0] =	wrdreg $0xFFFFFFFF;
	(pc) =	sbr.abs _section_cstart, $3  }
0xc0: {  	[dreg:$0x1] =	wrdreg $0xFFFFFFFF  }
0xc1: {  	_ =	task.clear_ibuf [dreg:s6], $0x2FFFF;
	_ =	strace $0x9FFFFFFF  }
0xc2: {  	(tm) =	ssettm $0x7FFFFFFF  }
0xc3: {  	_ =	shalt  }
tec
execute0_lowered:
.L_overlay_start_1:
0x0: {  	(tag) =	ssettag $0x1  }
0x1: {  	s0 =	srdreg.scid;
	s6 =	rddreg [dreg:$0x0]  }
0x2: {  	s15 =	stileid.u32;
	s2 =	rddreg [dreg:$0x1];
	s3 =	simm.s32 $0x0  }
0x3: {  	s16 =	simm.s32 $0x40;
	s22 =	simm.s32 $0x0;
	s5 =	smul.u32 $0x14000, s15  }
0x4: {  	s0 =	sand.u32 $0x1, s0;
	[smem:$0x7FF] =	sst s3;
	s13 =	smul.u32 $0x50000, s15  }
0x5: {  	s12 =	sadd.s32 $0x1C00, s6;
	s24 =	sadd.s32 $0x3D800, s6;
	s26 =	smul.u32 $0x1388, s15  }
0x6: {  	s31 =	sshll.u32 s15, $0x6;
	s1 =	sshll.u32 s0, $0x4;
	s4 =	smul.u32 $0x140000, s0  }
0x7: {  	_ =	strace $0x8000004D;
	[dreg:$0x3] =	wrdreg s24;
	s25 =	ssub.s32 $0x2, s0  }
0x8: {  	s0 =	smul.u32 $0x13880, s0;
	s1 =	sor.u32 s15, s1;
	s14 =	sshrl.u32 s25, $0x1  }
0x9: {  	s29 =	sshrl.u32 s13, $0x2;
	s7 =	smul.u32 $0x1388, s1;
	s5 =	sadd.s32 s5, s4  }
0xa: {  	s4 =	sadd.s32 $0x15800, s6;
	p0 =	seq.s32 s1, $0x1F;
	s14 =	ssub.s32 s25, s14  }
0xb: {  	s0 =	sadd.s32 s26, s0;
	s30 =	sadd.s32 s29, s2;
	s11 =	sshrl.u32 s5, $0x3  }
0xc: {  	s0 =	sshrl.u32 s0, $0x2;
	s13 =	sshrl.u32 s30, $0x3;
	s8 =	sshrl.u32 s7, $0x8  }
0xd: {  	s11 =	sadd.s32 s11, s6;
	s7 =	sadd.s32 $0x1388, s7;
	s0 =	sand.u32 $0xFFC0, s0  }
0xe: {  	s9 =	sshll.u32 s8, $0x6;
	s7 =	sshrl.u32 s7, $0x5;
	s28 =	sshll.u32 s8, $0x3  }
0xf: {  	s0 =	sadd.s32 s0, s12;
	s10 =	sadd.s32 s9, s6;
	s7 =	sand.u32 $0x3FF8, s7  }
0x10: {  	s9 =	sadd.s32 s12, s9;
	s12 =	sadd.s32 $0x10, s0;
	s7 =	simm.s32 @p0 $0x1388  }
0x11: {  	s8 =	sadd.s32 $0xBA00, s10;
	s10 =	sadd.s32 $0x40000, s11;
	s11 =	smax.u32 s14, $0x1  }
0x12: {  	s14 =	simm.s32 $0x9;
	s6 =	ssub.s32 s7, s28;
	s7 =	sor.u32 $0x1C09, s31  }
.LBB2_1:
0x13: {  	s0 =	rddreg [dreg:$0x3]  }
0x14: {  	[spmem:s13], [sflag:s7] =	dma.local [hbm:s0], $0x2800  }
0x15: {  	_ =	swait.ge [sflag:s14], $0x2800  }
0x16: {  	[sflag:s14] =	ssyncset.done $0x0  }
0x17: {  	[sflag:s14] =	ssyncadd.s32 $0xFFFFD800  }
0x18: {  	[tilespmem:s3], [sflag:$0x9] =	stream.linear.gather [hbm4b:s8+s3], $0x2800, $0x38;
	[tilespmem:$0x1E900] =	vst v63  }
0x19: {  	_ =	swait.ge [sflag:s14], $0x2800  }
0x1a: {  	[sflag:s14] =	ssyncset.done $0x0  }
0x1b: {  	[sflag:s14] =	ssyncadd.s32 $0xFFFFD800  }
0x1c: {  	s21 =	simm.s32 $0x2800;
	[bflag:$0x0] =	sbarrier.arrive $0xFFFF  }
0x1d: {  	[tilespmem:s21], [sflag:$0x5] =	stream.linear.gather [hbm4b:s9+s3], $0x40, $0x38;
	[tilespmem:$0x1E900] =	vst v63  }
0x1e: {  	s23 =	simm.s32 $0x2900;
	p0 =	por $0x1, $0x1  }
0x1f: {  	[tilespmem:s23], [sflag:$0x1] =	stream.indirect.gather [hbm4b:s4+s16], $0x80, s3, s16, $0xb8;
	[tilespmem:$0x1E900] =	vst v63  }
0x20: {  	s24 =	simm.s32 $0x4900;
	s25 =	simm.s32 $0x80;
	p1 =	slt.s32 @!p0 s6, $0x0  }
0x21: {  	[tilespmem:s24], [sflag:$0x2] =	stream.indirect.gather [hbm4b:s4+s16], $0x80, s16, s16, $0xb8;
	[tilespmem:$0x1E900] =	vst v63  }
0x22: {  	s1 =	simm.s32 $0x6900;
	s26 =	simm.s32 $0x8900;
	p1 =	por p1, p0  }
0x23: {  	[tilespmem:s1], [sflag:$0x3] =	stream.indirect.gather [hbm4b:s4+s16], $0x80, s25, s16, $0xb8;
	[tilespmem:$0x1E900] =	vst v63  }
0x24: {  	p3 =	sle.s32 s6, $0x1;
	s0 =	simm.s32 $0xC0;
	s1 =	simm.s32 @!p1 $0x8  }
0x25: {  	[tilespmem:s26], [sflag:$0x4] =	stream.indirect.gather [hbm4b:s4+s16], $0x80, s0, s16, $0xb8;
	[tilespmem:$0x1E900] =	vst v63  }
0x26: {  	p4 =	sle.s32 s6, $0x0;
	p2 =	sle.s32 @!p0 s6, $0x3;
	_ =	swait.ge @!p1 [sflag:s1], $0x2000  }
0x27: {  	s15 =	sadd.s32 @!p3 $0xFFFFFFF8, s12;
	s17 =	simm.s32 @!p3 $0x0;
	[sflag:s1] =	ssyncset.done @!p1 $0x0  }
0x28: {  	p0 =	por p2, p0;
	s23 =	simm.s32 @!p3 $0x2880;
	[sflag:s1] =	ssyncadd.s32 @!p1 $0xFFFFE000  }
0x29: {  	[tilespmem:s23], [sflag:$0x6] =	stream.linear.gather @!p3 [hbm4b:s15+s17], $0x40, $0x38;
	[tilespmem:$0x1E900] =	vst v63  }
0x2a: {  	s1 =	simm.s32 @!p0 $0x8900;
	s15 =	simm.s32 @!p0 $0x40;
	s17 =	simm.s32 @!p4 $0x1  }
0x2b: {  	[tilespmem:s1], [sflag:$0x4] =	stream.indirect.gather @!p0 [hbm4b:s4+s15], $0x80, s0, s15, $0xb8;
	[tilespmem:$0x1E900] =	vst v63  }
0x2c: {  	_ =	swait.ge @!p4 [sflag:s17], $0x2000  }
0x2d: {  	[sflag:s17] =	ssyncset.done @!p4 $0x0  }
0x2e: {  	s0 =	simm.s32 @!p4 $0x5;
	[sflag:s17] =	ssyncadd.s32 @!p4 $0xFFFFE000  }
0x2f: {  	_ =	swait.ge @!p4 [sflag:s0], $0x40  }
0x30: {  	s24 =	simm.s32 @!p4 $0x7;
	s1 =	simm.s32 @!p4 $0x2900;
	[sflag:s0] =	ssyncset.done @!p4 $0x0  }
0x31: {  	s15 =	simm.s32 @!p4 $0x40;
	s17 =	simm.s32 @!p4 $0x2800;
	[sflag:s0] =	ssyncadd.s32 @!p4 $0xFFFFFFC0  }
0x32: {  	[spmem:s2] =	stream.indirect.scatter.add.f32 @!p4 [tilespmem:s1], [sflag:$0x7], $0x80, s17, s15, $0xb8;
	[tilespmem:$0x1E900] =	vst v63  }
0x33: {  	p2 =	sle.s32 s6, $0x2;
	_ =	swait.ge @!p4 [sflag:s24], $0x2000  }
0x34: {  	p1 =	sle.s32 s6, $0x4;
	s0 =	simm.s32 @!p2 $0x0;
	[sflag:s24] =	ssyncset.done @!p4 $0x0  }
0x35: {  	s1 =	simm.s32 @!p2 $0x2800;
	s15 =	simm.s32 @!p1 $0x100;
	[sflag:s24] =	ssyncadd.s32 @!p4 $0xFFFFE000  }
0x36: {  	[tilespmem:s1], [sflag:$0x5] =	stream.linear.gather @!p2 [hbm4b:s12+s0], $0x40, $0x38;
	[tilespmem:$0x1E900] =	vst v63  }
0x37: {  	s17 =	simm.s32 @!p1 $0x2900;
	s24 =	simm.s32 @!p3 $0x2;
	s0 =	simm.s32 @!p1 $0x40  }
0x38: {  	[tilespmem:s17], [sflag:$0x1] =	stream.indirect.gather @!p1 [hbm4b:s4+s0], $0x80, s15, s0, $0xb8;
	[tilespmem:$0x1E900] =	vst v63  }
0x39: {  	_ =	swait.ge @!p3 [sflag:s24], $0x2000  }
0x3a: {  	[sflag:s24] =	ssyncset.done @!p3 $0x0  }
0x3b: {  	s0 =	simm.s32 @!p3 $0x6;
	[sflag:s24] =	ssyncadd.s32 @!p3 $0xFFFFE000  }
0x3c: {  	_ =	swait.ge @!p3 [sflag:s0], $0x40  }
0x3d: {  	p0 =	sle.s32 s6, $0x3;
	s15 =	simm.s32 @!p3 $0x40;
	[sflag:s0] =	ssyncset.done @!p3 $0x0  }
0x3e: {  	s17 =	simm.s32 @!p3 $0x4900;
	s24 =	simm.s32 @!p4 $0x8;
	[sflag:s0] =	ssyncadd.s32 @!p3 $0xFFFFFFC0  }
0x3f: {  	[spmem:s2] =	stream.indirect.scatter.add.f32 @!p3 [tilespmem:s17], [sflag:$0x8], $0x80, s23, s15, $0xb8;
	[tilespmem:$0x1E900] =	vst v63  }
0x40: {  	s29 =	simm.s32 $0x8;
	s31 =	simm.s32 @!p0 $0x2880;
	_ =	swait.ge @!p4 [sflag:s24], $0x2000  }
0x41: {  	s0 =	sadd.s32 @!p0 $0x8, s12;
	p3 =	sle.s32 s6, $0x5;
	[sflag:s24] =	ssyncset.done @!p4 $0x0  }
0x42: {  	s15 =	simm.s32 @!p0 $0x0;
	s17 =	simm.s32 @!p3 $0x140;
	[sflag:s24] =	ssyncadd.s32 @!p4 $0xFFFFE000  }
0x43: {  	[tilespmem:s31], [sflag:$0x6] =	stream.linear.gather @!p0 [hbm4b:s0+s15], $0x40, $0x38;
	[tilespmem:$0x1E900] =	vst v63  }
0x44: {  	s24 =	simm.s32 @!p2 $0x3;
	s0 =	simm.s32 @!p3 $0x40;
	s15 =	simm.s32 @!p3 $0x4900  }
0x45: {  	[tilespmem:s15], [sflag:$0x2] =	stream.indirect.gather @!p3 [hbm4b:s4+s0], $0x80, s17, s0, $0xb8;
	[tilespmem:$0x1E900] =	vst v63  }
0x46: {  	p5 =	slt.s32 s6, $0x3;
	s25 =	simm.s32 @!p2 $0x6900;
	_ =	swait.ge @!p2 [sflag:s24], $0x2000  }
0x47: {  	s26 =	simm.s32 @!p5 $0x7;
	s28 =	simm.s32 @!p1 $0x2800;
	[sflag:s24] =	ssyncset.done @!p2 $0x0  }
0x48: {  	s23 =	simm.s32 $0x4;
	s15 =	simm.s32 @!p2 $0x5;
	[sflag:s24] =	ssyncadd.s32 @!p2 $0xFFFFE000  }
0x49: {  	p4 =	por $0x0, $0x0;
	s0 =	simm.s32 @!p0 $0x6;
	_ =	swait.ge @!p2 [sflag:s15], $0x40  }
0x4a: {  	s17 =	simm.s32 @!p2 $0x40;
	p3 =	sle.s32 s6, $0x6;
	[sflag:s15] =	ssyncset.done @!p2 $0x0  }
0x4b: {  	s30 =	simm.s32 @!p3 $0x180;
	s24 =	simm.s32 $0x1C0;
	[sflag:s15] =	ssyncadd.s32 @!p2 $0xFFFFFFC0  }
0x4c: {  	[spmem:s2] =	stream.indirect.scatter.add.f32 @!p2 [tilespmem:s25], [sflag:$0x7], $0x80, s1, s17, $0xb8;
	[tilespmem:$0x1E900] =	vst v63  }
0x4d: {  	s15 =	sadd.s32 @!p1 $0x10, s12;
	s17 =	simm.s32 @!p1 $0x0;
	_ =	swait.ge @!p5 [sflag:s26], $0x2000  }
0x4e: {  	s25 =	sadd.s32 $0x20, s12;
	s1 =	simm.s32 @!p3 $0x6900;
	[sflag:s26] =	ssyncset.done @!p5 $0x0  }
0x4f: {  	p2 =	slt.s32 @!p4 s6, $0x4;
	[sflag:s26] =	ssyncadd.s32 @!p5 $0xFFFFE000;
	s26 =	simm.s32 $0x7  }
0x50: {  	[tilespmem:s28], [sflag:$0x5] =	stream.linear.gather @!p1 [hbm4b:s15+s17], $0x40, $0x38;
	[tilespmem:$0x1E900] =	vst v63  }
0x51: {  	s15 =	simm.s32 @!p0 $0x4;
	s17 =	simm.s32 @!p3 $0x40;
	s28 =	simm.s32 $0x8  }
.LBB2_2:
0x52: {  	[tilespmem:s1], [sflag:$0x3] =	stream.indirect.gather @!p3 [hbm4b:s4+s17], $0x80, s30, s17, $0xb8;
	[tilespmem:$0x1E900] =	vst v63  }
0x53: {  	s1 =	smov.u32 s23;
	s23 =	smov.u32 s29;
	s30 =	smov.u32 s24  }
0x54: {  	p2 =	por p2, p4;
	s18 =	simm.s32 @!p0 $0x40;
	_ =	swait.ge @!p0 [sflag:s15], $0x2000  }
0x55: {  	s29 =	sadd.s32 $0x4, s29;
	s17 =	sadd.s32 $0x1, s1;
	[sflag:s15] =	ssyncset.done @!p0 $0x0  }
0x56: {  	p3 =	sge.s32 s17, s6;
	[sflag:s15] =	ssyncadd.s32 @!p0 $0xFFFFE000;
	s15 =	simm.s32 @!p0 $0x8900  }
0x57: {  	p1 =	sge.s32 @!p4 s26, s6;
	s19 =	simm.s32 @!p2 $0x8;
	_ =	swait.ge @!p0 [sflag:s0], $0x40  }
0x58: {  	p4 =	por p1, p4;
	s20 =	sadd.s32 @!p3 $0xFFFFFFF8, s25;
	[sflag:s0] =	ssyncset.done @!p0 $0x0  }
0x59: {  	s21 =	simm.s32 @!p3 $0x0;
	s17 =	simm.s32 @!p3 $0x2880;
	[sflag:s0] =	ssyncadd.s32 @!p0 $0xFFFFFFC0  }
0x5a: {  	[spmem:s2] =	stream.indirect.scatter.add.f32 @!p0 [tilespmem:s15], [sflag:$0x8], $0x80, s31, s18, $0xb8;
	[tilespmem:$0x1E900] =	vst v63  }
0x5b: {  	p1 =	sne.s32 s29, $0xA4;
	_ =	swait.ge @!p2 [sflag:s19], $0x2000  }
0x5c: {  	[sflag:s19] =	ssyncset.done @!p2 $0x0  }
0x5d: {  	p5 =	sge.s32 s1, s6;
	s0 =	simm.s32 @!p4 $0x8900;
	[sflag:s19] =	ssyncadd.s32 @!p2 $0xFFFFE000  }
0x5e: {  	[tilespmem:s17], [sflag:$0x6] =	stream.linear.gather @!p3 [hbm4b:s20+s21], $0x40, $0x38;
	[tilespmem:$0x1E900] =	vst v63  }
0x5f: {  	s15 =	simm.s32 @!p4 $0x40;
	s18 =	simm.s32 @!p5 $0x1;
	s19 =	simm.s32 @!p5 $0x5  }
0x60: {  	[tilespmem:s0], [sflag:$0x4] =	stream.indirect.gather @!p4 [hbm4b:s4+s15], $0x80, s24, s15, $0xb8;
	[tilespmem:$0x1E900] =	vst v63  }
0x61: {  	s0 =	simm.s32 @!p5 $0x2900;
	_ =	swait.ge @!p5 [sflag:s18], $0x2000  }
0x62: {  	s20 =	simm.s32 @!p5 $0x40;
	s21 =	simm.s32 @!p5 $0x2800;
	[sflag:s18] =	ssyncset.done @!p5 $0x0  }
0x63: {  	s15 =	sadd.s32 $0x2, s1;
	[sflag:s18] =	ssyncadd.s32 @!p5 $0xFFFFE000;
	s18 =	simm.s32 @!p5 $0x7  }
0x64: {  	p4 =	sge.s32 s15, s6;
	_ =	swait.ge @!p5 [sflag:s19], $0x40  }
0x65: {  	p2 =	sge.s32 s28, s6;
	s28 =	smov.u32 s29;
	[sflag:s19] =	ssyncset.done @!p5 $0x0  }
0x66: {  	s15 =	simm.s32 @!p4 $0x2800;
	[sflag:s19] =	ssyncadd.s32 @!p5 $0xFFFFFFC0;
	s19 =	simm.s32 @!p4 $0x0  }
0x67: {  	[spmem:s2] =	stream.indirect.scatter.add.f32 @!p5 [tilespmem:s0], [sflag:$0x7], $0x80, s21, s20, $0xb8;
	[tilespmem:$0x1E900] =	vst v63  }
0x68: {  	s0 =	sadd.s32 @!p2 $0x40, s24;
	s20 =	simm.s32 @!p2 $0x40;
	_ =	swait.ge @!p5 [sflag:s18], $0x2000  }
0x69: {  	[sflag:s18] =	ssyncset.done @!p5 $0x0  }
0x6a: {  	s21 =	simm.s32 @!p3 $0x2;
	[sflag:s18] =	ssyncadd.s32 @!p5 $0xFFFFE000;
	s18 =	simm.s32 @!p2 $0x2900  }
0x6b: {  	[tilespmem:s15], [sflag:$0x5] =	stream.linear.gather @!p4 [hbm4b:s25+s19], $0x40, $0x38;
	[tilespmem:$0x1E900] =	vst v63  }
0x6c: {  	s19 =	simm.s32 @!p3 $0x6  }
0x6d: {  	[tilespmem:s18], [sflag:$0x1] =	stream.indirect.gather @!p2 [hbm4b:s4+s20], $0x80, s0, s20, $0xb8;
	[tilespmem:$0x1E900] =	vst v63  }
0x6e: {  	_ =	swait.ge @!p3 [sflag:s21], $0x2000  }
0x6f: {  	s18 =	simm.s32 @!p3 $0x40;
	s20 =	simm.s32 @!p3 $0x4900;
	[sflag:s21] =	ssyncset.done @!p3 $0x0  }
0x70: {  	[sflag:s21] =	ssyncadd.s32 @!p3 $0xFFFFE000;
	s21 =	simm.s32 @!p5 $0x8  }
0x71: {  	p0 =	sge.s32 s26, s6;
	_ =	swait.ge @!p3 [sflag:s19], $0x40  }
0x72: {  	s0 =	simm.s32 @!p0 $0x6;
	[sflag:s19] =	ssyncset.done @!p3 $0x0  }
0x73: {  	s31 =	simm.s32 @!p0 $0x2880;
	[sflag:s19] =	ssyncadd.s32 @!p3 $0xFFFFFFC0;
	s19 =	sadd.s32 @!p0 $0x8, s25  }
0x74: {  	[spmem:s2] =	stream.indirect.scatter.add.f32 @!p3 [tilespmem:s20], [sflag:$0x8], $0x80, s17, s18, $0xb8;
	[tilespmem:$0x1E900] =	vst v63  }
0x75: {  	s17 =	simm.s32 @!p0 $0x0;
	s18 =	sadd.s32 $0x5, s1;
	_ =	swait.ge @!p5 [sflag:s21], $0x2000  }
0x76: {  	p3 =	sge.s32 s18, s6;
	[sflag:s21] =	ssyncset.done @!p5 $0x0  }
0x77: {  	s18 =	sadd.s32 @!p3 $0x80, s24;
	s20 =	simm.s32 @!p3 $0x40;
	s5 =	simm.s32 @!p3 $0x4900  }
0x78: {  	[sflag:s21] =	ssyncadd.s32 @!p5 $0xFFFFE000;
	s21 =	simm.s32 @!p4 $0x3  }
0x79: {  	[tilespmem:s31], [sflag:$0x6] =	stream.linear.gather @!p0 [hbm4b:s19+s17], $0x40, $0x38;
	[tilespmem:$0x1E900] =	vst v63  }
0x7a: {  	s17 =	simm.s32 @!p4 $0x5  }
0x7b: {  	[tilespmem:s5], [sflag:$0x2] =	stream.indirect.gather @!p3 [hbm4b:s4+s20], $0x80, s18, s20, $0xb8;
	[tilespmem:$0x1E900] =	vst v63  }
0x7c: {  	p5 =	sgt.s32 s26, s6;
	s5 =	simm.s32 @!p4 $0x40;
	_ =	swait.ge @!p4 [sflag:s21], $0x2000  }
0x7d: {  	s19 =	simm.s32 @!p5 $0x7;
	s18 =	simm.s32 @!p4 $0x6900;
	[sflag:s21] =	ssyncset.done @!p4 $0x0  }
0x7e: {  	[sflag:s21] =	ssyncadd.s32 @!p4 $0xFFFFE000  }
0x7f: {  	s1 =	sadd.s32 $0x6, s1;
	s24 =	sadd.s32 $0x100, s24;
	_ =	swait.ge @!p4 [sflag:s17], $0x40  }
0x80: {  	s26 =	simm.s32 @!p2 $0x0;
	s20 =	simm.s32 @!p2 $0x2800;
	[sflag:s17] =	ssyncset.done @!p4 $0x0  }
0x81: {  	p3 =	sge.s32 s1, s6;
	s21 =	sadd.s32 @!p2 $0x10, s25;
	[sflag:s17] =	ssyncadd.s32 @!p4 $0xFFFFFFC0  }
0x82: {  	[spmem:s2] =	stream.indirect.scatter.add.f32 @!p4 [tilespmem:s18], [sflag:$0x7], $0x80, s15, s5, $0xb8;
	[tilespmem:$0x1E900] =	vst v63  }
.Ltmp0:
0x83: {  	s25 =	sadd.s32 $0x20, s25;
	_ =	swait.ge @!p5 [sflag:s19], $0x2000;
	(pc) =	sbr.rel @p1 .LBB2_2-.Ltmp0, $4  }
0x84: {  	s1 =	simm.s32 @!p3 $0x6900;
	s15 =	simm.s32 @!p0 $0x4;
	[sflag:s19] =	ssyncset.done @!p5 $0x0  }
0x85: {  	s17 =	simm.s32 @!p3 $0x40;
	p4 =	seq.s32 s23, $0x0;
	[sflag:s19] =	ssyncadd.s32 @!p5 $0xFFFFE000  }
0x86: {  	[tilespmem:s20], [sflag:$0x5] =	stream.linear.gather @!p2 [hbm4b:s21+s26], $0x40, $0x38;
	[tilespmem:$0x1E900] =	vst v63  }
0x87: {  	s30 =	sadd.s32 @!p3 $0xC0, s30;
	p2 =	sgt.s32 @!p4 s23, s6;
	s26 =	sadd.s32 $0x3, s23  }
0x88: {  	[tilespmem:s1], [sflag:$0x3] =	stream.indirect.gather @!p3 [hbm4b:s4+s17], $0x80, s30, s17, $0xb8;
	[tilespmem:$0x1E900] =	vst v63  }
0x89: {  	_ =	swait.ge @!p0 [sflag:s15], $0x2000  }
0x8a: {  	[sflag:s15] =	ssyncset.done @!p0 $0x0  }
0x8b: {  	[sflag:s15] =	ssyncadd.s32 @!p0 $0xFFFFE000  }
0x8c: {  	p2 =	por p2, p4;
	s29 =	sadd.s32 $0x1, s23;
	_ =	swait.ge @!p0 [sflag:s0], $0x40  }
0x8d: {  	s5 =	simm.s32 @!p0 $0x40;
	s1 =	simm.s32 @!p0 $0x8900;
	[sflag:s0] =	ssyncset.done @!p0 $0x0  }
0x8e: {  	p1 =	sge.s32 s29, s6;
	s15 =	simm.s32 @!p2 $0x8;
	[sflag:s0] =	ssyncadd.s32 @!p0 $0xFFFFFFC0  }
0x8f: {  	[spmem:s2] =	stream.indirect.scatter.add.f32 @!p0 [tilespmem:s1], [sflag:$0x8], $0x80, s31, s5, $0xb8;
	[tilespmem:$0x1E900] =	vst v63  }
0x90: {  	s0 =	sadd.s32 @!p1 $0xFFFFFFF8, s25;
	p0 =	sge.s32 @!p4 s26, s6;
	_ =	swait.ge @!p2 [sflag:s15], $0x2000  }
0x91: {  	s1 =	simm.s32 @!p1 $0x0;
	s5 =	simm.s32 @!p1 $0x2880;
	[sflag:s15] =	ssyncset.done @!p2 $0x0  }
0x92: {  	p0 =	por p0, p4;
	[sflag:s15] =	ssyncadd.s32 @!p2 $0xFFFFE000;
	p2 =	sge.s32 s23, s6  }
0x93: {  	[tilespmem:s5], [sflag:$0x6] =	stream.linear.gather @!p1 [hbm4b:s0+s1], $0x40, $0x38;
	[tilespmem:$0x1E900] =	vst v63  }
0x94: {  	s0 =	simm.s32 @!p0 $0x8900;
	s1 =	simm.s32 @!p0 $0x40;
	s15 =	simm.s32 @!p2 $0x1  }
0x95: {  	[tilespmem:s0], [sflag:$0x4] =	stream.indirect.gather @!p0 [hbm4b:s4+s1], $0x80, s24, s1, $0xb8;
	[tilespmem:$0x1E900] =	vst v63  }
0x96: {  	_ =	swait.ge @!p2 [sflag:s15], $0x2000  }
0x97: {  	[sflag:s15] =	ssyncset.done @!p2 $0x0  }
0x98: {  	s0 =	simm.s32 @!p2 $0x5;
	[sflag:s15] =	ssyncadd.s32 @!p2 $0xFFFFE000  }
0x99: {  	s19 =	sadd.s32 $0x2, s23;
	_ =	swait.ge @!p2 [sflag:s0], $0x40  }
0x9a: {  	s17 =	simm.s32 @!p2 $0x2800;
	s18 =	simm.s32 @!p2 $0x7;
	[sflag:s0] =	ssyncset.done @!p2 $0x0  }
0x9b: {  	s1 =	simm.s32 @!p2 $0x2900;
	s15 =	simm.s32 @!p2 $0x40;
	[sflag:s0] =	ssyncadd.s32 @!p2 $0xFFFFFFC0  }
0x9c: {  	[spmem:s2] =	stream.indirect.scatter.add.f32 @!p2 [tilespmem:s1], [sflag:$0x7], $0x80, s17, s15, $0xb8;
	[tilespmem:$0x1E900] =	vst v63  }
0x9d: {  	p4 =	sge.s32 s19, s6;
	_ =	swait.ge @!p2 [sflag:s18], $0x2000  }
0x9e: {  	p0 =	sge.s32 s28, s6;
	s0 =	simm.s32 @!p4 $0x0;
	[sflag:s18] =	ssyncset.done @!p2 $0x0  }
0x9f: {  	s1 =	simm.s32 @!p4 $0x2800;
	s15 =	sadd.s32 @!p0 $0x40, s24;
	[sflag:s18] =	ssyncadd.s32 @!p2 $0xFFFFE000  }
0xa0: {  	[tilespmem:s1], [sflag:$0x5] =	stream.linear.gather @!p4 [hbm4b:s25+s0], $0x40, $0x38;
	[tilespmem:$0x1E900] =	vst v63  }
0xa1: {  	s17 =	simm.s32 @!p0 $0x2900;
	s18 =	simm.s32 @!p1 $0x2;
	s0 =	simm.s32 @!p0 $0x40  }
0xa2: {  	[tilespmem:s17], [sflag:$0x1] =	stream.indirect.gather @!p0 [hbm4b:s4+s0], $0x80, s15, s0, $0xb8;
	[tilespmem:$0x1E900] =	vst v63  }
0xa3: {  	_ =	swait.ge @!p1 [sflag:s18], $0x2000  }
0xa4: {  	[sflag:s18] =	ssyncset.done @!p1 $0x0  }
0xa5: {  	s0 =	simm.s32 @!p1 $0x6;
	[sflag:s18] =	ssyncadd.s32 @!p1 $0xFFFFE000  }
0xa6: {  	_ =	swait.ge @!p1 [sflag:s0], $0x40  }
0xa7: {  	p3 =	sge.s32 s26, s6;
	s15 =	simm.s32 @!p1 $0x40;
	[sflag:s0] =	ssyncset.done @!p1 $0x0  }
0xa8: {  	s17 =	simm.s32 @!p1 $0x4900;
	s18 =	simm.s32 @!p2 $0x8;
	[sflag:s0] =	ssyncadd.s32 @!p1 $0xFFFFFFC0  }
0xa9: {  	[spmem:s2] =	stream.indirect.scatter.add.f32 @!p1 [tilespmem:s17], [sflag:$0x8], $0x80, s5, s15, $0xb8;
	[tilespmem:$0x1E900] =	vst v63  }
0xaa: {  	s30 =	sadd.s32 $0x5, s23;
	s0 =	sadd.s32 @!p3 $0x8, s25;
	_ =	swait.ge @!p2 [sflag:s18], $0x2000  }
0xab: {  	s15 =	simm.s32 @!p3 $0x2880;
	p1 =	sge.s32 s30, s6;
	[sflag:s18] =	ssyncset.done @!p2 $0x0  }
0xac: {  	s5 =	simm.s32 @!p3 $0x0;
	s17 =	sadd.s32 @!p1 $0x80, s24;
	[sflag:s18] =	ssyncadd.s32 @!p2 $0xFFFFE000  }
0xad: {  	[tilespmem:s15], [sflag:$0x6] =	stream.linear.gather @!p3 [hbm4b:s0+s5], $0x40, $0x38;
	[tilespmem:$0x1E900] =	vst v63  }
0xae: {  	s18 =	simm.s32 @!p4 $0x3;
	s0 =	simm.s32 @!p1 $0x40;
	s5 =	simm.s32 @!p1 $0x4900  }
0xaf: {  	[tilespmem:s5], [sflag:$0x2] =	stream.indirect.gather @!p1 [hbm4b:s4+s0], $0x80, s17, s0, $0xb8;
	[tilespmem:$0x1E900] =	vst v63  }
0xb0: {  	_ =	swait.ge @!p4 [sflag:s18], $0x2000  }
0xb1: {  	[sflag:s18] =	ssyncset.done @!p4 $0x0  }
0xb2: {  	s0 =	simm.s32 @!p4 $0x5;
	[sflag:s18] =	ssyncadd.s32 @!p4 $0xFFFFE000  }
0xb3: {  	s31 =	sadd.s32 $0x6, s23;
	_ =	swait.ge @!p4 [sflag:s0], $0x40  }
0xb4: {  	s5 =	simm.s32 @!p4 $0x40;
	p1 =	sgt.s32 s26, s6;
	[sflag:s0] =	ssyncset.done @!p4 $0x0  }
0xb5: {  	s17 =	simm.s32 @!p4 $0x6900;
	s18 =	simm.s32 @!p1 $0x7;
	[sflag:s0] =	ssyncadd.s32 @!p4 $0xFFFFFFC0  }
0xb6: {  	[spmem:s2] =	stream.indirect.scatter.add.f32 @!p4 [tilespmem:s17], [sflag:$0x7], $0x80, s1, s5, $0xb8;
	[tilespmem:$0x1E900] =	vst v63  }
0xb7: {  	p2 =	sge.s32 s31, s6;
	_ =	swait.ge @!p1 [sflag:s18], $0x2000  }
0xb8: {  	s0 =	simm.s32 @!p0 $0x2800;
	s5 =	sadd.s32 @!p0 $0x10, s25;
	[sflag:s18] =	ssyncset.done @!p1 $0x0  }
0xb9: {  	s1 =	simm.s32 @!p0 $0x0;
	s17 =	simm.s32 @!p2 $0x6900;
	[sflag:s18] =	ssyncadd.s32 @!p1 $0xFFFFE000  }
0xba: {  	[tilespmem:s0], [sflag:$0x5] =	stream.linear.gather @!p0 [hbm4b:s5+s1], $0x40, $0x38;
	[tilespmem:$0x1E900] =	vst v63  }
0xbb: {  	s0 =	simm.s32 @!p3 $0x4;
	s1 =	simm.s32 @!p2 $0x40;
	s5 =	sadd.s32 @!p2 $0xC0, s24  }
0xbc: {  	[tilespmem:s17], [sflag:$0x3] =	stream.indirect.gather @!p2 [hbm4b:s4+s1], $0x80, s5, s1, $0xb8;
	[tilespmem:$0x1E900] =	vst v63  }
0xbd: {  	_ =	swait.ge @!p3 [sflag:s0], $0x2000  }
0xbe: {  	[sflag:s0] =	ssyncset.done @!p3 $0x0  }
0xbf: {  	s1 =	simm.s32 @!p3 $0x6;
	[sflag:s0] =	ssyncadd.s32 @!p3 $0xFFFFE000  }
0xc0: {  	s22 =	sadd.s32 $0x1, s22;
	_ =	swait.ge @!p3 [sflag:s1], $0x40  }
0xc1: {  	p0 =	sne.s32 s22, s11;
	[sflag:s1] =	ssyncset.done @!p3 $0x0  }
0xc2: {  	s5 =	simm.s32 @!p3 $0x8900;
	s0 =	simm.s32 @!p3 $0x40;
	[sflag:s1] =	ssyncadd.s32 @!p3 $0xFFFFFFC0  }
0xc3: {  	[spmem:s2] =	stream.indirect.scatter.add.f32 @!p3 [tilespmem:s5], [sflag:$0x8], $0x80, s15, s0, $0xb8;
	[tilespmem:$0x1E900] =	vst v63  }
.Ltmp1:
0xc4: {  	[bflag:$0x0] =	sbarrier.arrive $0xFFFF;
	(pc) =	sbr.rel @p0 .LBB2_1-.Ltmp1, $4  }
0xc5: {  	[hbm:s10], [sflag:s7] =	dma.local [spmem:s13], $0x2800  }
0xc6: {  	_ =	swait.ge [sflag:s14], $0x2800  }
0xc7: {  	[sflag:s14] =	ssyncset.done $0x0  }
0xc8: {  	[sflag:s14] =	ssyncadd.s32 $0xFFFFD800  }
0xc9: {  	_ =	sfence.sel $0x180000  }
0xca: {  	[bflag:$0x0] =	sbarrier.arrive $0xFFFF  }
0xcb: {  	_ =	strace $0x9000004D  }
0xcc: {  	s0 =	stileid.u32;
	[bflag:$0x2] =	sbarrier.arrive $0xFFFF  }
0xcd: {  	p0 =	sne.s32 s0, $0x0;
	s0 =	rddreg [dreg:$0x2]  }
0xce: {  	s0 =	sadd.s32 @!p0 $0x100000, s0  }
0xcf: {  	[sflag:s0] =	ssyncadd.tile.s32 @!p0 $0x1;
	_ =	shalt  }
.Lfunc_end2:
_tile_overlayer_lowered:
.L_overlay_start_2:
0xd0: {  	(tag) =	ssettag $0x2  }
0xd1: {  	s0 =	rddreg [dreg:$0x0];
	s2 =	stileid.u32  }
0xd2: {  	s1 =	rddreg [dreg:$0x1];
	p0 =	sne.s32 s2, $0x0  }
0xd3: {  	s3 =	rddreg [dreg:$0x2];
	[bflag:$0x3] =	sbarrier.arrive $0xFFFF;
	s2 =	simm.s32 @!p0 $0x1C09  }
0xd4: {  	[timem:s3], [sflag:s2] =	dma.local @!p0 [hbm:s0], s1  }
0xd5: {  	s0 =	simm.s32 @!p0 $0x9  }
0xd6: {  	_ =	swait.ge @!p0 [sflag:s0], s1  }
0xd7: {  	s1 =	ssub.s32 @!p0 $0x0, s1;
	[sflag:s0] =	ssyncset.done @!p0 $0x0  }
0xd8: {  	[sflag:s0] =	ssyncadd.s32 @!p0 s1  }
0xd9: {  	[bflag:$0x3] =	sbarrier.arrive $0xFFFF  }
0xda: {  	_ =	shalt  }

// kernel: kernel.9.cloned.1.call-start
scs
__scs_entry_jumppad:
0x0: {  	(pc) =	sbr.rel $0x88, $3  }
0x1: {  	(tag) =	ssettag $0x0;
	lr =	simm.s32 $0x1  }
0x2: {  	[smem:$0x3F9B] =	sst lr;
	_ =	strace $0xD0000000  }
0x3: {  	_ = 	snop  }
0x4: {  	_ = 	snop  }
0x5: {  	_ = 	snop  }
0x6: {  	_ = 	snop  }
0x7: {  	_ = 	snop  }
__scs_overlays_trampoline_lowered:
0x8: {  	[smem:$0x3FAA] =	sst s0  }
0x9: {  	[smem:$0x3FAB] =	sst s1  }
0xa: {  	[smem:$0x3FAC] =	sst s2  }
0xb: {  	[smem:$0x3FAD] =	sst s3  }
0xc: {  	[smem:$0x3FAE] =	sst s4  }
0xd: {  	[smem:$0x3FAF] =	sst s5  }
0xe: {  	[smem:$0x3FB0] =	sst s6  }
0xf: {  	[smem:$0x3FB1] =	sst s7  }
0x10: {  	[smem:$0x3FB2] =	sst s8  }
0x11: {  	[smem:$0x3FB3] =	sst s9;
	s0 =	simm.s32 @!p0 $0x0  }
0x12: {  	s1 =	sld [smem:$0x3F99];
	s0 =	simm.s32 @p0 $0x1  }
0x13: {  	[smem:$0x3FB4] =	sst s0;
	s0 =	simm.s32 @!p1 $0x0  }
0x14: {  	s2 =	sld [smem:$0x3F98];
	s0 =	simm.s32 @p1 $0x1  }
0x15: {  	[smem:$0x3FB5] =	sst s0;
	s0 =	simm.s32 @!p2 $0x0  }
0x16: {  	s3 =	sld [smem:$0x3FDB];
	s0 =	simm.s32 @p2 $0x1  }
0x17: {  	s4 =	simm.s32 $0x1BF5;
	[smem:$0x3FB7] =	sst s0  }
0x18: {  	s0 =	sld [smem:$0x3F9A];
	_ =	swait.ge [sflag:s4], $0x0  }
0x19: {  	s7 =	sld [smem:$0x3F9B]  }
0x1a: {  	s8 =	sadd.s32 $0xFFFFE003, lr  }
0x1b: {  	s9 =	sadd.s32 $0xFFFFFEF7, lr;
	s5 =	simm.s32 $0xFFFFFFFF;
	p2 =	slt.u32 s8, $0xFFFFF086  }
0x1c: {  	p1 =	slt.u32 s9, $0xF7A;
	s5 =	simm.s32 @!p2 $0x0  }
0x1d: {  	s5 =	simm.s32 @p1 $0x1;
	p0 =	seq.s32 s7, s2  }
0x1e: {  	s7 =	smul.u32 @!p0 $0xF7A, s2;
	p2 =	seq.s32 @!p0 s5, $0x0  }
0x1f: {  	s9 =	smul.u32 $0xF7A, s1;
	s8 =	simm.s32 @!p0 $0x1BF5;
	p2 =	por !p2, p0  }
0x20: {  	[sflag:s8] =	ssyncset.s32 @!p0 $0xFFFFF086;
	s6 =	sadd.s32 @!p0 s3, s7;
	s7 =	simm.s32 @!p0 $0x108  }
0x21: {  	s3 =	sadd.s32 s3, s9;
	s6 =	sadd.s32 @!p0 $0x88, s6;
	s7 =	simm.s32 @p2 $0x1082  }
0x22: {  	[simem:s7], [sflag:s8] =	dma.local @!p0 [hbm:s6], $0xF7A  }
0x23: {  	s9 =	sor.u32 $0xD0000000, s2;
	s6 =	simm.s32 $0x108;
	_ =	swait.ge @!p0 [sflag:s8], $0x0  }
0x24: {  	s3 =	sadd.s32 $0x88, s3;
	s6 =	simm.s32 @!p1 $0x1082;
	[sflag:s4] =	ssyncset.s32 $0xFFFFF086  }
0x25: {  	[simem:s6], [sflag:s4] =	dma.local [hbm:s3], $0xF7A  }
0x26: {  	[smem:$0x3F9B] =	sst s1;
	(tag) =	ssettag s2;
	_ =	strace s9  }
0x27: {  	s1 =	sld [smem:$0x3FAB]  }
0x28: {  	s2 =	sld [smem:$0x3FAC]  }
0x29: {  	s4 =	sld [smem:$0x3FAE]  }
0x2a: {  	p0 =	seq.s32 s5, $0x0;
	s5 =	sld [smem:$0x3FAF]  }
0x2b: {  	s6 =	sld [smem:$0x3FB0]  }
0x2c: {  	s7 =	sld [smem:$0x3FB1]  }
0x2d: {  	s3 =	simm.s32 $0x108;
	s8 =	sld [smem:$0x3FB2]  }
0x2e: {  	s3 =	simm.s32 @!p0 $0x1082;
	s9 =	sld [smem:$0x3FB3]  }
0x2f: {  	lr =	sadd.s32 s0, s3;
	s0 =	sld [smem:$0x3FAA]  }
0x30: {  	s3 =	sld [smem:$0x3FAD]  }
0x31: {  	[smem:$0x3FB6] =	sst s10  }
0x32: {  	s10 =	sld [smem:$0x3FB4];
	_ =	sdelay $0x3  }
0x33: {  	p0 =	seq.s32 s10, $0x1;
	s10 =	sld [smem:$0x3FB6];
	_ =	sdelay $0x3  }
0x34: {  	[smem:$0x3FB6] =	sst s10  }
0x35: {  	s10 =	sld [smem:$0x3FB5];
	_ =	sdelay $0x3  }
0x36: {  	p1 =	seq.s32 s10, $0x1;
	s10 =	sld [smem:$0x3FB6];
	_ =	sdelay $0x3  }
0x37: {  	[smem:$0x3FB6] =	sst s10  }
0x38: {  	s10 =	sld [smem:$0x3FB7]  }
0x39: {  	_ = 	snop;
	(pc) =	sbr.ind lr, $3  }
0x3a: {  	_ = 	snop  }
0x3b: {  	_ = 	snop  }
0x3c: {  	p2 =	seq.s32 s10, $0x1;
	s10 =	sld [smem:$0x3FB6]  }
0x3d: {  	_ =	shalt  }
0x3e: {  	_ =	shalt  }
0x3f: {  	_ =	shalt  }
0x40: {  	_ =	shalt  }
0x41: {  	_ =	shalt  }
0x42: {  	_ =	shalt  }
0x43: {  	_ =	shalt  }
0x44: {  	_ =	shalt  }
0x45: {  	_ =	shalt  }
0x46: {  	_ =	shalt  }
0x47: {  	_ =	shalt  }
0x48: {  	_ =	shalt  }
0x49: {  	_ =	shalt  }
0x4a: {  	_ =	shalt  }
0x4b: {  	_ =	shalt  }
0x4c: {  	_ =	shalt  }
0x4d: {  	_ =	shalt  }
0x4e: {  	_ =	shalt  }
0x4f: {  	_ =	shalt  }
0x50: {  	_ =	shalt  }
0x51: {  	_ =	shalt  }
0x52: {  	_ =	shalt  }
0x53: {  	_ =	shalt  }
0x54: {  	_ =	shalt  }
0x55: {  	_ =	shalt  }
0x56: {  	_ =	shalt  }
0x57: {  	_ =	shalt  }
0x58: {  	_ =	shalt  }
0x59: {  	_ =	shalt  }
0x5a: {  	_ =	shalt  }
0x5b: {  	_ =	shalt  }
0x5c: {  	_ =	shalt  }
0x5d: {  	_ =	shalt  }
0x5e: {  	_ =	shalt  }
0x5f: {  	_ =	shalt  }
0x60: {  	_ =	shalt  }
0x61: {  	_ =	shalt  }
0x62: {  	_ =	shalt  }
0x63: {  	_ =	shalt  }
0x64: {  	_ =	shalt  }
0x65: {  	_ =	shalt  }
0x66: {  	_ =	shalt  }
0x67: {  	_ =	shalt  }
0x68: {  	_ =	shalt  }
0x69: {  	_ =	shalt  }
0x6a: {  	_ =	shalt  }
0x6b: {  	_ =	shalt  }
0x6c: {  	_ =	shalt  }
0x6d: {  	_ =	shalt  }
0x6e: {  	_ =	shalt  }
0x6f: {  	_ =	shalt  }
0x70: {  	_ =	shalt  }
0x71: {  	_ =	shalt  }
0x72: {  	_ =	shalt  }
0x73: {  	_ =	shalt  }
0x74: {  	_ =	shalt  }
0x75: {  	_ =	shalt  }
0x76: {  	_ =	shalt  }
0x77: {  	_ =	shalt  }
0x78: {  	_ =	shalt  }
0x79: {  	_ =	shalt  }
0x7a: {  	_ =	shalt  }
0x7b: {  	_ =	shalt  }
0x7c: {  	_ =	shalt  }
0x7d: {  	_ =	shalt  }
0x7e: {  	_ =	shalt  }
0x7f: {  	_ =	shalt  }
0x80: {  	_ =	shalt  }
0x81: {  	_ =	shalt  }
0x82: {  	_ =	shalt  }
0x83: {  	_ =	shalt  }
0x84: {  	_ =	shalt  }
0x85: {  	_ =	shalt  }
0x86: {  	_ =	shalt  }
0x87: {  	_ =	shalt  }
.Lfunc_end0:
.L_simem_size_0:
called_computation_lowered:
.L_overlay_start_0:
0x88: {  	s2 =	sld [smem:$0x3FD9]  }
0x89: {  	s3 =	sld [smem:$0x3FFE];
	_ =	sdelay $0x1  }
0x8a: {  	s1 =	srdreg.scid  }
0x8b: {  	s0 =	sand.u32 $0x1, s1  }
0x8c: {  	s16 =	sshll.u32 s0, $0xA;
	s2 =	sadd.s32 s3, s2  }
0x8d: {  	s2 =	sadd.s32 s2, s16  }
0x8e: {  	[smem:$0x3FC2] =	sst s2  }
0x8f: {  	_ = 	snop  }
0x90: {  	(tm) =	ssettm $0x1  }
0x91: {  	s17 =	sld [smem:$0x3FFB];
	_ =	sdelay $0x3  }
0x92: {  	_ =	strace s17  }
0x93: {  	s2 =	sld [smem:$0x3FFC];
	_ =	sdelay $0x3  }
0x94: {  	_ =	strace s2  }
0x95: {  	s2 =	sld [smem:$0x3FFD];
	_ =	sdelay $0x3  }
0x96: {  	_ =	strace s2  }
0x97: {  	_ =	strace $0x8FFFFFFF  }
0x98: {  	s18 =	sld [smem:$0x3FDB];
	_ =	sdelay $0x1  }
0x99: {  	s19 =	simm.s32 $_scs_section_size  }
0x9a: {  	s4 =	simm.s32 $_size__tile_overlayer_lowered;
	s5 =	simm.s32 $_tile_overlayer_lowered  }
0x9b: {  	s22 =	simm.s32 $0x1BFF;
	s21 =	sshll.u32 s5, $0x1;
	s2 =	sadd.s32 s19, s18  }
0x9c: {  	s6 =	simm.s32 $0x0;
	s20 =	sshll.u32 s4, $0x1;
	s4 =	sadd.s32 s21, s2  }
0x9d: {  	[timem:s6], [sflag:s22] =	dma.local [hbm:s4], s20  }
0x9e: {  	_ =	swait.ge [sflag:s22], s20  }
0x9f: {  	s3 =	ssub.s32 $0x0, s20;
	[sflag:s22] =	ssyncset.done $0x0  }
0xa0: {  	[sflag:s22] =	ssyncadd.s32 s3;
	_ =	sdelay $0x1  }
0xa1: {  	s23 =	simm.s32 $0x1B8B  }
0xa2: {  	_ =	swait.ge [sflag:s23], $0x1  }
0xa3: {  	[sflag:s23] =	ssyncset.done $0x0  }
0xa4: {  	s25 =	simm.s32 $0x1B8E;
	s24 =	sld [smem:$0x3FFE];
	[sflag:s23] =	ssyncadd.s32 $0xFFFFFFFF  }
0xa5: {  	s26 =	simm.s32 $execute0_lowered;
	[smem:$0x3FD2] =	sst s25  }
0xa6: {  	s4 =	sshll.u32 s26, $0x1;
	_ =	strace $0x80000046;
	[dreg:$0x1] =	wrdreg $0xFFFFFFFF  }
0xa7: {  	s28 =	simm.s32 $_size_execute0_lowered;
	s2 =	sadd.s32 s2, s4;
	[dreg:$0x0] =	wrdreg $0x0  }
0xa8: {  	s4 =	sshll.u32 s28, $0x1;
	[dreg:$0x2] =	wrdreg s2  }
0xa9: {  	[dreg:$0x3] =	wrdreg s4  }
0xaa: {  	[dreg:$0x4] =	wrdreg $0xC0  }
0xab: {  	_ =	task [dreg:s6], $0x5FFFF  }
0xac: {  	[dreg:$0x1] =	wrdreg $0xFFFFFFFF  }
0xad: {  	[dreg:$0x0] =	wrdreg $0x60  }
0xae: {  	[dreg:$0x2] =	wrdreg s24  }
0xaf: {  	[dreg:$0x3] =	wrdreg $0x9  }
0xb0: {  	_ =	task.clear_ibuf [dreg:s6], $0x4FFFF;
	_ =	strace $0x90000046  }
0xb1: {  	s29 =	simm.s32 $0x9;
	_ =	strace $0x80000048  }
0xb2: {  	_ =	swait.ge [sflag:s29], $0x1  }
0xb3: {  	[sflag:s29] =	ssyncadd.s32 $0xFFFFFFFF  }
0xb4: {  	_ =	strace $0x90000048  }
0xb5: {  	_ =	sfence  }
0xb6: {  	s30 =	sld [smem:$0x0];
	_ =	sdelay $0x2  }
0xb7: {  	s31 =	sshll.u32 s1, $0xD;
	s1 =	sshrl.u32 s1, $0x2  }
0xb8: {  	s3 =	sand.u32 $0x4000, s31;
	s1 =	sadd.s32 s1, s30  }
0xb9: {  	s0 =	sor.u32 s3, s0;
	s1 =	sshll.u32 s1, $0x11  }
0xba: {  	s0 =	sor.u32 s1, s0  }
0xbb: {  	s0 =	sadd.s32 $0x8F2B, s0  }
0xbc: {  	[sflag:s0] =	ssyncadd.remote.s32 $0x1  }
0xbd: {  	_ =	sfence.sel $0xFFFF  }
0xbe: {  	[dreg:$0x0] =	wrdreg $0xFFFFFFFF;
	(pc) =	sbr.abs _section_cstart, $3  }
0xbf: {  	[dreg:$0x1] =	wrdreg $0xFFFFFFFF  }
0xc0: {  	_ =	task.clear_ibuf [dreg:s6], $0x2FFFF;
	_ =	strace $0x9FFFFFFF  }
0xc1: {  	(tm) =	ssettm $0x7FFFFFFF  }
tec
execute0_lowered:
.L_overlay_start_1:
0x0: {  	(tag) =	ssettag $0x1  }
0x1: {  	s0 =	srdreg.scid;
	s4 =	rddreg [dreg:$0x0]  }
0x2: {  	s1 =	stileid.u32;
	s2 =	simm.s32 $0x0;
	s10 =	simm.s32 $0x1  }
0x3: {  	s11 =	simm.s32 $0x80;
	s12 =	simm.s32 $0x400;
	s3 =	sand.u32 $0x1, s0  }
0x4: {  	s13 =	simm.s32 $0x0;
	s0 =	rddreg [dreg:$0x1];
	s5 =	sshll.u32 s3, $0x4  }
0x5: {  	[smem:$0x7FF] =	sst s2;
	s7 =	sshll.u32 s1, $0x7;
	s5 =	sor.u32 s1, s5  }
0x6: {  	s30 =	sadd.s32 $0x15E00, s4;
	s6 =	smul.u32 $0x4E2, s5;
	s5 =	sshrl.u32 s5, $0x3  }
0x7: {  	_ =	strace $0x80000047;
	s8 =	ssub.s32 $0x2, s3;
	s5 =	smul.u32 $0x14000, s5  }
0x8: {  	s7 =	sand.u32 $0x380, s7;
	s3 =	sadd.s32 $0x15800, s4;
	s9 =	sshrl.u32 s8, $0x1  }
0x9: {  	s8 =	ssub.s32 s8, s9;
	s6 =	sadd.s32 s6, s4;
	s5 =	sor.u32 s7, s5  }
0xa: {  	s8 =	smax.u32 s8, $0x1;
	s4 =	sadd.s32 $0xBA00, s6;
	s31 =	sadd.s32 $0x50000, s5  }
0xb: {  	s6 =	sadd.s32 $0x1C00, s6;
	s5 =	sshrl.u32 s5, $0x3;
	s9 =	sshrl.u32 s31, $0x3  }
0xc: {  	v0 =	vimm.f32 $1.000000000e+00;
	s5 =	sadd.s32 s30, s5;
	s7 =	sadd.s32 s30, s9;
	s9 =	simm.s32 $0x2780  }
.LBB2_1:
0xd: {  	[tilespmem:s9], [sflag:$0x1] =	stream.linear.gather [hbm4b:s3+s2], $0x2800, $0x38;
	[tilespmem:$0x4F80] =	vst v63  }
0xe: {  	_ =	swait.ge [sflag:s10], $0x2800  }
0xf: {  	[sflag:s10] =	ssyncset.done $0x0  }
0x10: {  	[sflag:s10] =	ssyncadd.s32 $0xFFFFD800  }
0x11: {  	[tilespmem:s2], [sflag:$0x1] =	stream.linear.gather [hbm4b:s4+s2], $0x2710, $0x38;
	[tilespmem:$0x4F80] =	vst v63  }
0x12: {  	_ =	swait.ge [sflag:s10], $0x2710  }
0x13: {  	[sflag:s10] =	ssyncset.done $0x0  }
0x14: {  	s14 =	simm.s32 $0x0;
	[sflag:s10] =	ssyncadd.s32 $0xFFFFD8F0  }
.LBB2_2:
0x15: {  	s15 =	sshra.s32 s14, $0x2  }
0x16: {  	v1 =	vld [tilespmem:s15+$0x0];
	_ =	sdelay $0x7  }
0x17: {  	[tilespmem:v1+s9+$0x0] =	vst.idx.add.f32.msk $0xffff, v0  }
0x18: {  	v1 =	vld [tilespmem:s15+$0x10];
	_ =	sdelay $0x7  }
0x19: {  	[tilespmem:v1+s9+$0x0] =	vst.idx.add.f32.msk $0xffff, v0  }
0x1a: {  	v1 =	vld [tilespmem:s15+$0x20];
	_ =	sdelay $0x7  }
0x1b: {  	[tilespmem:v1+s9+$0x0] =	vst.idx.add.f32.msk $0xffff, v0  }
0x1c: {  	v1 =	vld [tilespmem:s15+$0x30];
	_ =	sdelay $0x2  }
0x1d: {  	p0 =	sne.s32 s14, $0x9B00  }
.Ltmp0:
0x1e: {  	_ = 	snop;
	(pc) =	sbr.rel @p0 .LBB2_2-.Ltmp0, $2  }
0x1f: {  	_ =	sdelay $0x2  }
0x20: {  	s14 =	sadd.s32 $0x100, s14;
	[tilespmem:v1+s9+$0x0] =	vst.idx.add.f32.msk $0xffff, v0  }
0x21: {  	v1 =	vld [tilespmem:$0x2700];
	_ =	sdelay $0x7  }
0x22: {  	[tilespmem:v1+s9+$0x0] =	vst.idx.add.f32.msk $0xffff, v0  }
0x23: {  	[hbm4b:s5+s11] =	stream.strided.scatter [tilespmem:s9], [sflag:$0x1], $0x2800, s12, s11, $0x38;
	[tilespmem:$0x4F80] =	vst v63  }
0x24: {  	_ =	swait.ge [sflag:s10], $0x2800  }
0x25: {  	[sflag:s10] =	ssyncset.done $0x0  }
0x26: {  	s14 =	simm.s32 $0x0;
	[sflag:s10] =	ssyncadd.s32 $0xFFFFD800  }
0x27: {  	[tilespmem:s9], [sflag:$0x1] =	stream.linear.gather [hbm4b:s3+s14], $0x2800, $0x38;
	[tilespmem:$0x4F80] =	vst v63  }
0x28: {  	_ =	swait.ge [sflag:s10], $0x2800  }
0x29: {  	[sflag:s10] =	ssyncset.done $0x0  }
0x2a: {  	[sflag:s10] =	ssyncadd.s32 $0xFFFFD800  }
0x2b: {  	[tilespmem:s14], [sflag:$0x1] =	stream.linear.gather [hbm4b:s6+s14], $0x2710, $0x38;
	[tilespmem:$0x4F80] =	vst v63  }
0x2c: {  	_ =	swait.ge [sflag:s10], $0x2710  }
0x2d: {  	[sflag:s10] =	ssyncset.done $0x0  }
0x2e: {  	[sflag:s10] =	ssyncadd.s32 $0xFFFFD8F0  }
.LBB2_4:
0x2f: {  	s15 =	sshra.s32 s14, $0x2  }
0x30: {  	v1 =	vld [tilespmem:s15+$0x0];
	_ =	sdelay $0x7  }
0x31: {  	[tilespmem:v1+s9+$0x0] =	vst.idx.add.f32.msk $0xffff, v0  }
0x32: {  	v1 =	vld [tilespmem:s15+$0x10];
	_ =	sdelay $0x7  }
0x33: {  	[tilespmem:v1+s9+$0x0] =	vst.idx.add.f32.msk $0xffff, v0  }
0x34: {  	v1 =	vld [tilespmem:s15+$0x20];
	_ =	sdelay $0x7  }
0x35: {  	[tilespmem:v1+s9+$0x0] =	vst.idx.add.f32.msk $0xffff, v0  }
0x36: {  	v1 =	vld [tilespmem:s15+$0x30];
	_ =	sdelay $0x2  }
0x37: {  	p0 =	sne.s32 s14, $0x9B00  }
.Ltmp1:
0x38: {  	_ = 	snop;
	(pc) =	sbr.rel @p0 .LBB2_4-.Ltmp1, $2  }
0x39: {  	_ =	sdelay $0x2  }
0x3a: {  	s14 =	sadd.s32 $0x100, s14;
	[tilespmem:v1+s9+$0x0] =	vst.idx.add.f32.msk $0xffff, v0  }
0x3b: {  	v1 =	vld [tilespmem:$0x2700];
	_ =	sdelay $0x5  }
0x3c: {  	s13 =	sadd.s32 $0x1, s13  }
0x3d: {  	p0 =	sne.s32 s13, s8  }
.Ltmp2:
0x3e: {  	[tilespmem:v1+s9+$0x0] =	vst.idx.add.f32.msk $0xffff, v0;
	(pc) =	sbr.rel @p0 .LBB2_1-.Ltmp2, $4  }
0x3f: {  	[hbm4b:s7+s11] =	stream.strided.scatter [tilespmem:s9], [sflag:$0x1], $0x2800, s12, s11, $0x38;
	[tilespmem:$0x4F80] =	vst v63  }
0x40: {  	_ =	swait.ge [sflag:s10], $0x2800  }
0x41: {  	[sflag:s10] =	ssyncset.done $0x0  }
0x42: {  	[sflag:s10] =	ssyncadd.s32 $0xFFFFD800  }
0x43: {  	_ =	sfence.sel $0x180000  }
0x44: {  	[bflag:$0x0] =	sbarrier.arrive $0xFFFF  }
0x45: {  	p0 =	sne.s32 s1, $0x0;
	_ =	strace $0x90000047  }
0x46: {  	s0 =	sadd.s32 @!p0 $0x100000, s0;
	[bflag:$0x2] =	sbarrier.arrive $0xFFFF  }
0x47: {  	[sflag:s0] =	ssyncadd.tile.s32 @!p0 $0x1;
	_ =	shalt  }
.Lfunc_end2:
_tile_overlayer_lowered:
.L_overlay_start_2:
0x48: {  	(tag) =	ssettag $0x2  }
0x49: {  	s0 =	rddreg [dreg:$0x0];
	s2 =	stileid.u32  }
0x4a: {  	s1 =	rddreg [dreg:$0x1];
	p0 =	sne.s32 s2, $0x0  }
0x4b: {  	s3 =	rddreg [dreg:$0x2];
	[bflag:$0x3] =	sbarrier.arrive $0xFFFF;
	s2 =	simm.s32 @!p0 $0x1C01  }
0x4c: {  	[timem:s3], [sflag:s2] =	dma.local @!p0 [hbm:s0], s1  }
0x4d: {  	s0 =	simm.s32 @!p0 $0x1  }
0x4e: {  	_ =	swait.ge @!p0 [sflag:s0], s1  }
0x4f: {  	s1 =	ssub.s32 @!p0 $0x0, s1;
	[sflag:s0] =	ssyncset.done @!p0 $0x0  }
0x50: {  	[sflag:s0] =	ssyncadd.s32 @!p0 s1  }
0x51: {  	[bflag:$0x3] =	sbarrier.arrive $0xFFFF  }
0x52: {  	_ =	shalt  }

</sc_bundles>
